<compile_context>
chip_gen: v7x
topology: tpu7x:2x2x1
jax: 0.10.2.dev20260603
libtpu: 0.0.44.dev20260713+nightly
codegen_flags: <defaults>
</compile_context>

<pallas_src>
import functools

import jax
import jax.numpy as jnp
from jax import lax
from jax.experimental import pallas as pl
from jax.experimental.pallas import tpu as pltpu
from jax.experimental.pallas import tpu_sc as plsc

_NODE = 100000
_NNUM = 32
_DIM = 128
_RELP1 = 65
_TYPEN = 16
_B = 8192
_AUGD = 144

_NC = 2
_NS = 16
_NW = _NC * _NS

_B_PER_W1 = _B // _NW


def _sc_query_gather(nn_hbm, rn_hbm, emb_hbm, e2s_hbm, e3s_hbm,
                     nbr_out, rel_out, e2e_out, e3e_out,
                     idx_v, nbr_v, rel_v, row_v, sem):
    wid = lax.axis_index("s") * _NC + lax.axis_index("c")
    base = wid * _B_PER_W1
    sl = pl.ds(base, _B_PER_W1)
    pltpu.sync_copy(e2s_hbm.at[sl], idx_v)
    pltpu.async_copy(nn_hbm.at[idx_v], nbr_v, sem).wait()
    pltpu.sync_copy(nbr_v, nbr_out.at[sl])
    pltpu.async_copy(rn_hbm.at[idx_v], rel_v, sem).wait()
    pltpu.sync_copy(rel_v, rel_out.at[sl])
    pltpu.async_copy(emb_hbm.at[idx_v], row_v, sem).wait()
    pltpu.sync_copy(row_v, e2e_out.at[sl])
    pltpu.sync_copy(e3s_hbm.at[sl], idx_v)
    pltpu.async_copy(emb_hbm.at[idx_v], row_v, sem).wait()
    pltpu.sync_copy(row_v, e3e_out.at[sl])


_BN = _B * _NNUM
_B_PER_W2 = _BN // _NW
_CH2 = 256
_NPAIR = _B_PER_W2 // (2 * _CH2)


def _sc_nbr_gather(aug_hbm, idx_hbm, out_hbm,
                   idx_v0, idx_v1, rows_v0, rows_v1, sem0, sem1):
    wid = lax.axis_index("s") * _NC + lax.axis_index("c")
    base = wid * _B_PER_W2

    def chunk(i):
        return pl.ds(base + i * _CH2, _CH2)

    pltpu.sync_copy(idx_hbm.at[chunk(0)], idx_v0)
    pltpu.make_async_copy(aug_hbm.at[idx_v0], rows_v0, sem0).start()

    def body(j, carry):
        c0 = 2 * j
        pltpu.make_async_copy(aug_hbm.at[idx_v0], rows_v0, sem0).wait()
        pltpu.sync_copy(idx_hbm.at[chunk(c0 + 1)], idx_v1)
        pltpu.make_async_copy(aug_hbm.at[idx_v1], rows_v1, sem1).start()
        pltpu.sync_copy(rows_v0, out_hbm.at[chunk(c0)])
        pltpu.make_async_copy(aug_hbm.at[idx_v1], rows_v1, sem1).wait()

        @pl.when(j < _NPAIR - 1)
        def _next():
            pltpu.sync_copy(idx_hbm.at[chunk(c0 + 2)], idx_v0)
            pltpu.make_async_copy(aug_hbm.at[idx_v0], rows_v0, sem0).start()

        pltpu.sync_copy(rows_v1, out_hbm.at[chunk(c0 + 1)])
        return carry

    lax.fori_loop(0, _NPAIR, body, 0)


_BQ = 128
_NBLK = _B // _BQ


def _tc_compute(aug_ref, e2e_ref, e3e_ref, rel_ref, r1s_ref,
                relw_ref, typew_ref, out_ref, rel2_s):
    i = pl.program_id(0)

    @pl.when(i == 0)
    def _init():
        r1 = r1s_ref[...]
        for k in range(_RELP1):
            cnt = jnp.sum(jnp.where(r1 == k, 1.0, 0.0))
            rel2_s[k] = relw_ref[k] * (1.0 + cnt)
        out_ref[0, 0] = 0.0

    an = aug_ref[...]
    emb_n = an[:, :, :_DIM]
    nw = an[:, :, _DIM]
    ntf = an[:, :, _DIM + 1]
    cur = e2e_ref[...]
    e3 = e3e_ref[...]
    rel_ids = rel_ref[...]

    ew = jnp.zeros((_BQ, _NNUM), jnp.float32)
    for k in range(_RELP1):
        ew = ew + jnp.where(rel_ids == k, rel2_s[k], 0.0)
    tw = jnp.zeros((_BQ, _NNUM), jnp.float32)
    for t in range(_TYPEN):
        tw = tw + jnp.where(ntf == float(t), typew_ref[t], 0.0)

    w = nw + ew + tw
    w = w - jnp.max(w, axis=1, keepdims=True)
    w = jnp.exp(w)
    w = w / jnp.sum(w, axis=1, keepdims=True)

    d0 = jnp.sqrt(jnp.sum((cur - e3) ** 2, axis=1) + 1e-12)
    dn = jnp.sqrt(jnp.sum((emb_n - e3[:, None, :]) ** 2, axis=2) + 1e-12)
    sg = jnp.sign(d0[:, None] - dn)
    coef = w * sg
    moves = jnp.sum((emb_n - cur[:, None, :]) * coef[:, :, None], axis=1)
    new = cur + moves
    loss = jnp.sqrt(jnp.sum((new - e3) ** 2, axis=1) + 1e-12)
    out_ref[0, 0] += jnp.sum(loss)


def kernel(e1s, e2s, e3s, r1s, r2s, node_embedding, node_type,
           node_neighbors, rel_neighbors, node_weight, rel_weight,
           type_weight, rel_eye):
    e2s = e2s.astype(jnp.int32)
    e3s = e3s.astype(jnp.int32)
    nn = node_neighbors.astype(jnp.int32)
    rn = rel_neighbors.astype(jnp.int32)

    ntp = jnp.concatenate([node_type, node_type[-1:]]).astype(jnp.float32)
    aug = jnp.concatenate(
        [node_embedding,
         node_weight[:, None],
         ntp[:, None],
         jnp.zeros((_NODE + 1, _AUGD - _DIM - 2), jnp.float32)], axis=1)

    mesh = plsc.VectorSubcoreMesh(core_axis_name="c", subcore_axis_name="s")
    sc_params = pltpu.CompilerParams(use_tc_tiling_on_sc=False)

    sc1 = functools.partial(
        pl.kernel, mesh=mesh, compiler_params=sc_params,
        out_type=[
            jax.ShapeDtypeStruct((_B, _NNUM), jnp.int32),
            jax.ShapeDtypeStruct((_B, _NNUM), jnp.int32),
            jax.ShapeDtypeStruct((_B, _DIM), jnp.float32),
            jax.ShapeDtypeStruct((_B, _DIM), jnp.float32),
        ],
        scratch_types=[
            pltpu.VMEM((_B_PER_W1,), jnp.int32),
            pltpu.VMEM((_B_PER_W1, _NNUM), jnp.int32),
            pltpu.VMEM((_B_PER_W1, _NNUM), jnp.int32),
            pltpu.VMEM((_B_PER_W1, _DIM), jnp.float32),
            pltpu.SemaphoreType.DMA,
        ],
    )(_sc_query_gather)
    nbr_ids, rel_ids, emb_e2, emb_e3 = sc1(nn, rn, node_embedding, e2s, e3s)

    sc2 = functools.partial(
        pl.kernel, mesh=mesh, compiler_params=sc_params,
        out_type=jax.ShapeDtypeStruct((_BN, _AUGD), jnp.float32),
        scratch_types=[
            pltpu.VMEM((_CH2,), jnp.int32),
            pltpu.VMEM((_CH2,), jnp.int32),
            pltpu.VMEM((_CH2, _AUGD), jnp.float32),
            pltpu.VMEM((_CH2, _AUGD), jnp.float32),
            pltpu.SemaphoreType.DMA,
            pltpu.SemaphoreType.DMA,
        ],
    )(_sc_nbr_gather)
    aug_nbr = sc2(aug, nbr_ids.reshape(-1))

    out = pl.pallas_call(
        _tc_compute,
        grid=(_NBLK,),
        in_specs=[
            pl.BlockSpec((_BQ, _NNUM, _AUGD), lambda i: (i, 0, 0)),
            pl.BlockSpec((_BQ, _DIM), lambda i: (i, 0)),
            pl.BlockSpec((_BQ, _DIM), lambda i: (i, 0)),
            pl.BlockSpec((_BQ, _NNUM), lambda i: (i, 0)),
            pl.BlockSpec((_B // _DIM, _DIM), lambda i: (0, 0)),
            pl.BlockSpec(memory_space=pltpu.SMEM),
            pl.BlockSpec(memory_space=pltpu.SMEM),
        ],
        out_specs=pl.BlockSpec((1, 1), lambda i: (0, 0),
                               memory_space=pltpu.SMEM),
        out_shape=jax.ShapeDtypeStruct((1, 1), jnp.float32),
        scratch_shapes=[pltpu.SMEM((_RELP1,), jnp.float32)],
    )(aug_nbr.reshape(_B, _NNUM, _AUGD),
      emb_e2, emb_e3, rel_ids,
      r1s.astype(jnp.int32).reshape(_B // _DIM, _DIM),
      rel_weight, type_weight)

    return out[0, 0] / _B

# --- scband reference (transcript-rebuilt; emitter-appended) ---
"""Pipeline reference for scband-distance-search-single-move-1752346657309 (READ-ONLY COPY).

The authoritative reference and input builder live on the scoring server;
editing this copy changes nothing except your own understanding.
"""

import jax, jax.numpy as jnp
import numpy as np

NODE_NUM = 100000
NNUM = 32
DIM = 128
REL_NUM = 64
TYPE_NUM = 16
B = 8192


def setup_inputs(seed: int = 0) -> dict:
    key = jax.random.key(seed)
    ks = [jax.random.fold_in(key, i) for i in range(12)]
    e1s = jax.random.randint(ks[0], (B,), 0, NODE_NUM)
    e2s = jax.random.randint(ks[1], (B,), 0, NODE_NUM)
    e3s = jax.random.randint(ks[2], (B,), 0, NODE_NUM)
    r1s = jax.random.randint(ks[3], (B,), 0, REL_NUM)
    r2s = jax.random.randint(ks[4], (B,), 0, REL_NUM)
    emb = jax.random.normal(ks[5], (NODE_NUM, DIM), dtype=jnp.float32)
    # node_embedding has an extra zero row used as padding (index NODE_NUM)
    node_embedding = jnp.concatenate([emb, jnp.zeros((1, DIM), jnp.float32)], axis=0)
    node_type = jax.random.randint(ks[6], (NODE_NUM,), 0, TYPE_NUM)
    node_neighbors = jax.random.randint(ks[7], (NODE_NUM, NNUM), 0, NODE_NUM + 1)
    rel_neighbors = jax.random.randint(ks[8], (NODE_NUM, NNUM), 0, REL_NUM + 1)
    node_weight = jax.random.uniform(ks[9], (NODE_NUM + 1,), dtype=jnp.float32)
    rel_weight = jax.random.uniform(ks[10], (REL_NUM + 1,), dtype=jnp.float32)
    type_weight = jax.random.uniform(ks[11], (TYPE_NUM + 1,), dtype=jnp.float32)
    rel_eye = jnp.eye(REL_NUM + 1, dtype=jnp.float32)
    return {
        "e1s": e1s, "e2s": e2s, "e3s": e3s, "r1s": r1s, "r2s": r2s,
        "node_embedding": node_embedding, "node_type": node_type,
        "node_neighbors": node_neighbors, "rel_neighbors": rel_neighbors,
        "node_weight": node_weight, "rel_weight": rel_weight,
        "type_weight": type_weight, "rel_eye": rel_eye,
    }


def _euclid(a, b):
    # eps inside sqrt for numerical safety at exactly-coincident embeddings
    return jnp.sqrt(jnp.sum((a - b) ** 2, axis=-1) + 1e-12)


def reference(e1s, e2s, e3s, r1s, r2s, node_embedding, node_type,
              node_neighbors, rel_neighbors, node_weight, rel_weight,
              type_weight, rel_eye):
    e2_embeddings = node_embedding[e2s]                      # [B, D]
    current = e2_embeddings
    e2_nb = node_neighbors[e2s]                              # [B, NNUM]
    # get_type_weight
    nt = node_type[e2_nb]                                    # [B, NNUM]
    type_w = type_weight[nt]                                 # [B, NNUM]
    # get_edge_weight
    he_t = jnp.transpose(r1s[:, None])                       # [1, B]
    rs = jnp.squeeze(jnp.sum(rel_eye[he_t], axis=1))         # [REL_NUM+1]
    nrels = rel_neighbors[e2s]                               # [B, NNUM]
    edge_w = rel_weight[nrels] + (rel_weight * rs)[nrels]    # [B, NNUM]
    nb_w = node_weight[e2_nb] + edge_w + type_w
    nb_w = jax.nn.softmax(nb_w, axis=-1)
    e2_e3 = _euclid(node_embedding[e2s], node_embedding[e3s])            # [B]
    e2n_e3 = _euclid(node_embedding[e2_nb], node_embedding[e3s][:, None, :])  # [B, NNUM]
    sign = jnp.sign(e2_e3[:, None] - e2n_e3)                 # [B, NNUM]
    vec = node_embedding[e2_nb] - current[:, None, :]        # [B, NNUM, D]
    vec = vec * nb_w[..., None]
    moves = jnp.sum(vec * sign[..., None], axis=1)           # [B, D]
    current = current + moves
    losses = _euclid(current, node_embedding[e3s])
    return jnp.mean(losses)

if __name__ == "__main__":
    import jax
    _d = setup_inputs()
    print(jax.jit(kernel)(*tuple(_d.values())))

</pallas_src>

<mosaic_0001>
#map = affine_map<(d0, d1) -> (0, 0)>
#map1 = affine_map<(d0, d1) -> (0)>
module attributes {stable_mosaic.version = 14 : i64} {
  func.func @_sc_nbr_gather(%arg0: i32, %arg1: i32, %arg2: memref<100001x144xf32, #tpu.memory_space<hbm>>, %arg3: memref<262144xi32, #tpu.memory_space<hbm>>, %arg4: memref<262144x144xf32, #tpu.memory_space<hbm>>, %arg5: memref<256xi32, #tpu.memory_space<vmem>>, %arg6: memref<256xi32, #tpu.memory_space<vmem>>, %arg7: memref<256x144xf32, #tpu.memory_space<vmem>>, %arg8: memref<256x144xf32, #tpu.memory_space<vmem>>, %arg9: memref<!tpu.dma_semaphore, #tpu.memory_space<semaphore_mem>>, %arg10: memref<!tpu.dma_semaphore, #tpu.memory_space<semaphore_mem>>) attributes {dimension_semantics = [#tpu.dimension_semantics<core_parallel>, #tpu.dimension_semantics<subcore_parallel>], iteration_bounds = array<i64: 2, 16>, scalar_prefetch = 0 : i64, scratch_operands = 6 : i64, tpu.core_type = #tpu.core_type<sc_vector_subcore>, window_params = [{transform_indices = #map}, {transform_indices = #map1}, {transform_indices = #map}]} {
    %mul3A = arith.constant 2 : i32
    %mul3A_0 = arith.muli %arg1, %mul3A : i32
    %add3A = arith.addi %mul3A_0, %arg0 : i32
    %mul3A_1 = arith.constant 8192 : i32
    %mul3A_2 = arith.muli %add3A, %mul3A_1 : i32
    %add3A_3 = arith.constant 0 : i32
    %add3A_4 = arith.addi %mul3A_2, %add3A_3 : i32
    "tpu.region"() ({
      %run_scoped3A = tpu.sem_alloc : memref<!tpu.dma_semaphore, #tpu.memory_space<semaphore_mem>>
      %dma_start3A_12 = tpu.memref_slice %arg3[%add3A_4] : memref<262144xi32, #tpu.memory_space<hbm>> -> memref<256xi32, #tpu.memory_space<hbm>>
      %dma_start3A_13 = tpu.memref_slice %arg3[%add3A_4] : memref<262144xi32, #tpu.memory_space<hbm>> -> memref<256xi32, #tpu.memory_space<hbm>>
      tpu.enqueue_dma source(%dma_start3A_13 : memref<256xi32, #tpu.memory_space<hbm>>) target(%arg5 : memref<256xi32, #tpu.memory_space<vmem>>) target_semaphore(%run_scoped3A : memref<!tpu.dma_semaphore, #tpu.memory_space<semaphore_mem>>)
      %dma_wait3A = tpu.memref_slice %arg3[%add3A_4] : memref<262144xi32, #tpu.memory_space<hbm>> -> memref<256xi32, #tpu.memory_space<hbm>>
      %dma_wait3A_14 = tpu.memref_slice %arg3[%add3A_4] : memref<262144xi32, #tpu.memory_space<hbm>> -> memref<256xi32, #tpu.memory_space<hbm>>
      tpu.wait_dma2 semaphore(%run_scoped3A : memref<!tpu.dma_semaphore, #tpu.memory_space<semaphore_mem>>) src(%dma_wait3A_14 : memref<256xi32, #tpu.memory_space<hbm>>) dst(%arg5 : memref<256xi32, #tpu.memory_space<vmem>>)
      tpu.yield
    }) : () -> ()
    %dma_start3A = arith.constant 0 : i32
    %dma_start3A_5 = arith.constant 0 : i32
    %dma_start3A_6 = tpu.memref_slice %arg2[%dma_start3A, %dma_start3A_5] : memref<100001x144xf32, #tpu.memory_space<hbm>> -> memref<100001x144xf32, #tpu.memory_space<hbm>>
    tpu.enqueue_indirect_dma source(%dma_start3A_6 : memref<100001x144xf32, #tpu.memory_space<hbm>>) target(%arg7 : memref<256x144xf32, #tpu.memory_space<vmem>>) offsets(%arg5 : memref<256xi32, #tpu.memory_space<vmem>>) semaphore(%arg9 : memref<!tpu.dma_semaphore, #tpu.memory_space<semaphore_mem>>)
    %scan3A = arith.constant 0 : i32
    %scan3A_7 = arith.constant 0 : i32
    %scan3A_8 = arith.constant 16 : i32
    %scan3A_9 = arith.addi %scan3A_7, %scan3A_8 : i32
    %scan3A_10 = arith.constant 1 : i32
    scf.for %scan3A_12 = %scan3A_7 to %scan3A_9 step %scan3A_10  : i32 {
      %mul3A_13 = arith.constant 2 : i32
      %mul3A_14 = arith.muli %mul3A_13, %scan3A_12 : i32
      %dma_wait3A = arith.constant 0 : i32
      %dma_wait3A_15 = arith.constant 0 : i32
      %dma_wait3A_16 = tpu.memref_slice %arg2[%dma_wait3A, %dma_wait3A_15] : memref<100001x144xf32, #tpu.memory_space<hbm>> -> memref<100001x144xf32, #tpu.memory_space<hbm>>
      tpu.wait_indirect_dma semaphore(%arg9 : memref<!tpu.dma_semaphore, #tpu.memory_space<semaphore_mem>>) src(%dma_wait3A_16 : memref<100001x144xf32, #tpu.memory_space<hbm>>) dst(%arg7 : memref<256x144xf32, #tpu.memory_space<vmem>>)
      %add3A_17 = arith.constant 1 : i32
      %add3A_18 = arith.addi %mul3A_14, %add3A_17 : i32
      %mul3A_19 = arith.constant 256 : i32
      %mul3A_20 = arith.muli %add3A_18, %mul3A_19 : i32
      %add3A_21 = arith.addi %mul3A_2, %mul3A_20 : i32
      "tpu.region"() ({
        %run_scoped3A = tpu.sem_alloc : memref<!tpu.dma_semaphore, #tpu.memory_space<semaphore_mem>>
        %dma_start3A_38 = tpu.memref_slice %arg3[%add3A_21] : memref<262144xi32, #tpu.memory_space<hbm>> -> memref<256xi32, #tpu.memory_space<hbm>>
        %dma_start3A_39 = tpu.memref_slice %arg3[%add3A_21] : memref<262144xi32, #tpu.memory_space<hbm>> -> memref<256xi32, #tpu.memory_space<hbm>>
        tpu.enqueue_dma source(%dma_start3A_39 : memref<256xi32, #tpu.memory_space<hbm>>) target(%arg6 : memref<256xi32, #tpu.memory_space<vmem>>) target_semaphore(%run_scoped3A : memref<!tpu.dma_semaphore, #tpu.memory_space<semaphore_mem>>)
        %dma_wait3A_40 = tpu.memref_slice %arg3[%add3A_21] : memref<262144xi32, #tpu.memory_space<hbm>> -> memref<256xi32, #tpu.memory_space<hbm>>
        %dma_wait3A_41 = tpu.memref_slice %arg3[%add3A_21] : memref<262144xi32, #tpu.memory_space<hbm>> -> memref<256xi32, #tpu.memory_space<hbm>>
        tpu.wait_dma2 semaphore(%run_scoped3A : memref<!tpu.dma_semaphore, #tpu.memory_space<semaphore_mem>>) src(%dma_wait3A_41 : memref<256xi32, #tpu.memory_space<hbm>>) dst(%arg6 : memref<256xi32, #tpu.memory_space<vmem>>)
        tpu.yield
      }) : () -> ()
      %dma_start3A_22 = arith.constant 0 : i32
      %dma_start3A_23 = arith.constant 0 : i32
      %dma_start3A_24 = tpu.memref_slice %arg2[%dma_start3A_22, %dma_start3A_23] : memref<100001x144xf32, #tpu.memory_space<hbm>> -> memref<100001x144xf32, #tpu.memory_space<hbm>>
      tpu.enqueue_indirect_dma source(%dma_start3A_24 : memref<100001x144xf32, #tpu.memory_space<hbm>>) target(%arg8 : memref<256x144xf32, #tpu.memory_space<vmem>>) offsets(%arg6 : memref<256xi32, #tpu.memory_space<vmem>>) semaphore(%arg10 : memref<!tpu.dma_semaphore, #tpu.memory_space<semaphore_mem>>)
      %mul3A_25 = arith.constant 256 : i32
      %mul3A_26 = arith.muli %mul3A_14, %mul3A_25 : i32
      %add3A_27 = arith.addi %mul3A_2, %mul3A_26 : i32
      "tpu.region"() ({
        %run_scoped3A = tpu.sem_alloc : memref<!tpu.dma_semaphore, #tpu.memory_space<semaphore_mem>>
        %dma_start3A_38 = arith.constant 0 : i32
        %dma_start3A_39 = tpu.memref_slice %arg4[%add3A_27, %dma_start3A_38] : memref<262144x144xf32, #tpu.memory_space<hbm>> -> memref<256x144xf32, #tpu.memory_space<hbm>>
        %dma_start3A_40 = arith.constant 0 : i32
        %dma_start3A_41 = tpu.memref_slice %arg4[%add3A_27, %dma_start3A_40] : memref<262144x144xf32, #tpu.memory_space<hbm>> -> memref<256x144xf32, #tpu.memory_space<hbm>>
        tpu.enqueue_dma source(%arg7 : memref<256x144xf32, #tpu.memory_space<vmem>>) target(%dma_start3A_41 : memref<256x144xf32, #tpu.memory_space<hbm>>) target_semaphore(%run_scoped3A : memref<!tpu.dma_semaphore, #tpu.memory_space<semaphore_mem>>)
        %dma_wait3A_42 = arith.constant 0 : i32
        %dma_wait3A_43 = tpu.memref_slice %arg4[%add3A_27, %dma_wait3A_42] : memref<262144x144xf32, #tpu.memory_space<hbm>> -> memref<256x144xf32, #tpu.memory_space<hbm>>
        %dma_wait3A_44 = arith.constant 0 : i32
        %dma_wait3A_45 = tpu.memref_slice %arg4[%add3A_27, %dma_wait3A_44] : memref<262144x144xf32, #tpu.memory_space<hbm>> -> memref<256x144xf32, #tpu.memory_space<hbm>>
        tpu.wait_dma2 semaphore(%run_scoped3A : memref<!tpu.dma_semaphore, #tpu.memory_space<semaphore_mem>>) src(%arg7 : memref<256x144xf32, #tpu.memory_space<vmem>>) dst(%dma_wait3A_45 : memref<256x144xf32, #tpu.memory_space<hbm>>)
        tpu.yield
      }) : () -> ()
      %dma_wait3A_28 = arith.constant 0 : i32
      %dma_wait3A_29 = arith.constant 0 : i32
      %dma_wait3A_30 = tpu.memref_slice %arg2[%dma_wait3A_28, %dma_wait3A_29] : memref<100001x144xf32, #tpu.memory_space<hbm>> -> memref<100001x144xf32, #tpu.memory_space<hbm>>
      tpu.wait_indirect_dma semaphore(%arg10 : memref<!tpu.dma_semaphore, #tpu.memory_space<semaphore_mem>>) src(%dma_wait3A_30 : memref<100001x144xf32, #tpu.memory_space<hbm>>) dst(%arg8 : memref<256x144xf32, #tpu.memory_space<vmem>>)
      %lt3A = arith.constant 15 : i32
      %lt3A_31 = arith.cmpi slt, %scan3A_12, %lt3A : i32
      %convert_element_type3A = arith.extui %lt3A_31 : i1 to i32
      %cond3A = arith.constant 0 : i32
      %cond3A_32 = arith.cmpi ne, %convert_element_type3A, %cond3A : i32
      scf.if %cond3A_32 {
        %add3A_38 = arith.constant 2 : i32
        %add3A_39 = arith.addi %mul3A_14, %add3A_38 : i32
        %mul3A_40 = arith.constant 256 : i32
        %mul3A_41 = arith.muli %add3A_39, %mul3A_40 : i32
        %add3A_42 = arith.addi %mul3A_2, %mul3A_41 : i32
        "tpu.region"() ({
          %run_scoped3A = tpu.sem_alloc : memref<!tpu.dma_semaphore, #tpu.memory_space<semaphore_mem>>
          %dma_start3A_46 = tpu.memref_slice %arg3[%add3A_42] : memref<262144xi32, #tpu.memory_space<hbm>> -> memref<256xi32, #tpu.memory_space<hbm>>
          %dma_start3A_47 = tpu.memref_slice %arg3[%add3A_42] : memref<262144xi32, #tpu.memory_space<hbm>> -> memref<256xi32, #tpu.memory_space<hbm>>
          tpu.enqueue_dma source(%dma_start3A_47 : memref<256xi32, #tpu.memory_space<hbm>>) target(%arg5 : memref<256xi32, #tpu.memory_space<vmem>>) target_semaphore(%run_scoped3A : memref<!tpu.dma_semaphore, #tpu.memory_space<semaphore_mem>>)
          %dma_wait3A_48 = tpu.memref_slice %arg3[%add3A_42] : memref<262144xi32, #tpu.memory_space<hbm>> -> memref<256xi32, #tpu.memory_space<hbm>>
          %dma_wait3A_49 = tpu.memref_slice %arg3[%add3A_42] : memref<262144xi32, #tpu.memory_space<hbm>> -> memref<256xi32, #tpu.memory_space<hbm>>
          tpu.wait_dma2 semaphore(%run_scoped3A : memref<!tpu.dma_semaphore, #tpu.memory_space<semaphore_mem>>) src(%dma_wait3A_49 : memref<256xi32, #tpu.memory_space<hbm>>) dst(%arg5 : memref<256xi32, #tpu.memory_space<vmem>>)
          tpu.yield
        }) : () -> ()
        %dma_start3A_43 = arith.constant 0 : i32
        %dma_start3A_44 = arith.constant 0 : i32
        %dma_start3A_45 = tpu.memref_slice %arg2[%dma_start3A_43, %dma_start3A_44] : memref<100001x144xf32, #tpu.memory_space<hbm>> -> memref<100001x144xf32, #tpu.memory_space<hbm>>
        tpu.enqueue_indirect_dma source(%dma_start3A_45 : memref<100001x144xf32, #tpu.memory_space<hbm>>) target(%arg7 : memref<256x144xf32, #tpu.memory_space<vmem>>) offsets(%arg5 : memref<256xi32, #tpu.memory_space<vmem>>) semaphore(%arg9 : memref<!tpu.dma_semaphore, #tpu.memory_space<semaphore_mem>>)
      } else {
      }
      %add3A_33 = arith.constant 1 : i32
      %add3A_34 = arith.addi %mul3A_14, %add3A_33 : i32
      %mul3A_35 = arith.constant 256 : i32
      %mul3A_36 = arith.muli %add3A_34, %mul3A_35 : i32
      %add3A_37 = arith.addi %mul3A_2, %mul3A_36 : i32
      "tpu.region"() ({
        %run_scoped3A = tpu.sem_alloc : memref<!tpu.dma_semaphore, #tpu.memory_space<semaphore_mem>>
        %dma_start3A_38 = arith.constant 0 : i32
        %dma_start3A_39 = tpu.memref_slice %arg4[%add3A_37, %dma_start3A_38] : memref<262144x144xf32, #tpu.memory_space<hbm>> -> memref<256x144xf32, #tpu.memory_space<hbm>>
        %dma_start3A_40 = arith.constant 0 : i32
        %dma_start3A_41 = tpu.memref_slice %arg4[%add3A_37, %dma_start3A_40] : memref<262144x144xf32, #tpu.memory_space<hbm>> -> memref<256x144xf32, #tpu.memory_space<hbm>>
        tpu.enqueue_dma source(%arg8 : memref<256x144xf32, #tpu.memory_space<vmem>>) target(%dma_start3A_41 : memref<256x144xf32, #tpu.memory_space<hbm>>) target_semaphore(%run_scoped3A : memref<!tpu.dma_semaphore, #tpu.memory_space<semaphore_mem>>)
        %dma_wait3A_42 = arith.constant 0 : i32
        %dma_wait3A_43 = tpu.memref_slice %arg4[%add3A_37, %dma_wait3A_42] : memref<262144x144xf32, #tpu.memory_space<hbm>> -> memref<256x144xf32, #tpu.memory_space<hbm>>
        %dma_wait3A_44 = arith.constant 0 : i32
        %dma_wait3A_45 = tpu.memref_slice %arg4[%add3A_37, %dma_wait3A_44] : memref<262144x144xf32, #tpu.memory_space<hbm>> -> memref<256x144xf32, #tpu.memory_space<hbm>>
        tpu.wait_dma2 semaphore(%run_scoped3A : memref<!tpu.dma_semaphore, #tpu.memory_space<semaphore_mem>>) src(%arg8 : memref<256x144xf32, #tpu.memory_space<vmem>>) dst(%dma_wait3A_45 : memref<256x144xf32, #tpu.memory_space<hbm>>)
        tpu.yield
      }) : () -> ()
    }
    %scan3A_11 = arith.constant 16 : i32
    return
  }
}

#map = affine_map<(d0, d1) -> (0, 0)>
#map1 = affine_map<(d0, d1) -> (0)>
module attributes {stable_mosaic.version = 14 : i64} {
  func.func @_sc_query_gather(%arg0: i32, %arg1: i32, %arg2: memref<100000x32xi32, #tpu.memory_space<hbm>>, %arg3: memref<100000x32xi32, #tpu.memory_space<hbm>>, %arg4: memref<100001x128xf32, #tpu.memory_space<hbm>>, %arg5: memref<8192xi32, #tpu.memory_space<hbm>>, %arg6: memref<8192xi32, #tpu.memory_space<hbm>>, %arg7: memref<8192x32xi32, #tpu.memory_space<hbm>>, %arg8: memref<8192x32xi32, #tpu.memory_space<hbm>>, %arg9: memref<8192x128xf32, #tpu.memory_space<hbm>>, %arg10: memref<8192x128xf32, #tpu.memory_space<hbm>>, %arg11: memref<256xi32, #tpu.memory_space<vmem>>, %arg12: memref<256x32xi32, #tpu.memory_space<vmem>>, %arg13: memref<256x32xi32, #tpu.memory_space<vmem>>, %arg14: memref<256x128xf32, #tpu.memory_space<vmem>>, %arg15: memref<!tpu.dma_semaphore, #tpu.memory_space<semaphore_mem>>) attributes {dimension_semantics = [#tpu.dimension_semantics<core_parallel>, #tpu.dimension_semantics<subcore_parallel>], iteration_bounds = array<i64: 2, 16>, scalar_prefetch = 0 : i64, scratch_operands = 5 : i64, tpu.core_type = #tpu.core_type<sc_vector_subcore>, window_params = [{transform_indices = #map}, {transform_indices = #map}, {transform_indices = #map}, {transform_indices = #map1}, {transform_indices = #map1}, {transform_indices = #map}, {transform_indices = #map}, {transform_indices = #map}, {transform_indices = #map}]} {
    %mul3A = arith.constant 2 : i32
    %mul3A_0 = arith.muli %arg1, %mul3A : i32
    %add3A = arith.addi %mul3A_0, %arg0 : i32
    %mul3A_1 = arith.constant 256 : i32
    %mul3A_2 = arith.muli %add3A, %mul3A_1 : i32
    "tpu.region"() ({
      %run_scoped3A = tpu.sem_alloc : memref<!tpu.dma_semaphore, #tpu.memory_space<semaphore_mem>>
      %dma_start3A_25 = tpu.memref_slice %arg5[%mul3A_2] : memref<8192xi32, #tpu.memory_space<hbm>> -> memref<256xi32, #tpu.memory_space<hbm>>
      %dma_start3A_26 = tpu.memref_slice %arg5[%mul3A_2] : memref<8192xi32, #tpu.memory_space<hbm>> -> memref<256xi32, #tpu.memory_space<hbm>>
      tpu.enqueue_dma source(%dma_start3A_26 : memref<256xi32, #tpu.memory_space<hbm>>) target(%arg11 : memref<256xi32, #tpu.memory_space<vmem>>) target_semaphore(%run_scoped3A : memref<!tpu.dma_semaphore, #tpu.memory_space<semaphore_mem>>)
      %dma_wait3A_27 = tpu.memref_slice %arg5[%mul3A_2] : memref<8192xi32, #tpu.memory_space<hbm>> -> memref<256xi32, #tpu.memory_space<hbm>>
      %dma_wait3A_28 = tpu.memref_slice %arg5[%mul3A_2] : memref<8192xi32, #tpu.memory_space<hbm>> -> memref<256xi32, #tpu.memory_space<hbm>>
      tpu.wait_dma2 semaphore(%run_scoped3A : memref<!tpu.dma_semaphore, #tpu.memory_space<semaphore_mem>>) src(%dma_wait3A_28 : memref<256xi32, #tpu.memory_space<hbm>>) dst(%arg11 : memref<256xi32, #tpu.memory_space<vmem>>)
      tpu.yield
    }) : () -> ()
    %dma_start3A = arith.constant 0 : i32
    %dma_start3A_3 = arith.constant 0 : i32
    %dma_start3A_4 = tpu.memref_slice %arg2[%dma_start3A, %dma_start3A_3] : memref<100000x32xi32, #tpu.memory_space<hbm>> -> memref<100000x32xi32, #tpu.memory_space<hbm>>
    tpu.enqueue_indirect_dma source(%dma_start3A_4 : memref<100000x32xi32, #tpu.memory_space<hbm>>) target(%arg12 : memref<256x32xi32, #tpu.memory_space<vmem>>) offsets(%arg11 : memref<256xi32, #tpu.memory_space<vmem>>) semaphore(%arg15 : memref<!tpu.dma_semaphore, #tpu.memory_space<semaphore_mem>>)
    %dma_wait3A = arith.constant 0 : i32
    %dma_wait3A_5 = arith.constant 0 : i32
    %dma_wait3A_6 = tpu.memref_slice %arg2[%dma_wait3A, %dma_wait3A_5] : memref<100000x32xi32, #tpu.memory_space<hbm>> -> memref<100000x32xi32, #tpu.memory_space<hbm>>
    tpu.wait_indirect_dma semaphore(%arg15 : memref<!tpu.dma_semaphore, #tpu.memory_space<semaphore_mem>>) src(%dma_wait3A_6 : memref<100000x32xi32, #tpu.memory_space<hbm>>) dst(%arg12 : memref<256x32xi32, #tpu.memory_space<vmem>>)
    "tpu.region"() ({
      %run_scoped3A = tpu.sem_alloc : memref<!tpu.dma_semaphore, #tpu.memory_space<semaphore_mem>>
      %dma_start3A_25 = arith.constant 0 : i32
      %dma_start3A_26 = tpu.memref_slice %arg7[%mul3A_2, %dma_start3A_25] : memref<8192x32xi32, #tpu.memory_space<hbm>> -> memref<256x32xi32, #tpu.memory_space<hbm>>
      %dma_start3A_27 = arith.constant 0 : i32
      %dma_start3A_28 = tpu.memref_slice %arg7[%mul3A_2, %dma_start3A_27] : memref<8192x32xi32, #tpu.memory_space<hbm>> -> memref<256x32xi32, #tpu.memory_space<hbm>>
      tpu.enqueue_dma source(%arg12 : memref<256x32xi32, #tpu.memory_space<vmem>>) target(%dma_start3A_28 : memref<256x32xi32, #tpu.memory_space<hbm>>) target_semaphore(%run_scoped3A : memref<!tpu.dma_semaphore, #tpu.memory_space<semaphore_mem>>)
      %dma_wait3A_29 = arith.constant 0 : i32
      %dma_wait3A_30 = tpu.memref_slice %arg7[%mul3A_2, %dma_wait3A_29] : memref<8192x32xi32, #tpu.memory_space<hbm>> -> memref<256x32xi32, #tpu.memory_space<hbm>>
      %dma_wait3A_31 = arith.constant 0 : i32
      %dma_wait3A_32 = tpu.memref_slice %arg7[%mul3A_2, %dma_wait3A_31] : memref<8192x32xi32, #tpu.memory_space<hbm>> -> memref<256x32xi32, #tpu.memory_space<hbm>>
      tpu.wait_dma2 semaphore(%run_scoped3A : memref<!tpu.dma_semaphore, #tpu.memory_space<semaphore_mem>>) src(%arg12 : memref<256x32xi32, #tpu.memory_space<vmem>>) dst(%dma_wait3A_32 : memref<256x32xi32, #tpu.memory_space<hbm>>)
      tpu.yield
    }) : () -> ()
    %dma_start3A_7 = arith.constant 0 : i32
    %dma_start3A_8 = arith.constant 0 : i32
    %dma_start3A_9 = tpu.memref_slice %arg3[%dma_start3A_7, %dma_start3A_8] : memref<100000x32xi32, #tpu.memory_space<hbm>> -> memref<100000x32xi32, #tpu.memory_space<hbm>>
    tpu.enqueue_indirect_dma source(%dma_start3A_9 : memref<100000x32xi32, #tpu.memory_space<hbm>>) target(%arg13 : memref<256x32xi32, #tpu.memory_space<vmem>>) offsets(%arg11 : memref<256xi32, #tpu.memory_space<vmem>>) semaphore(%arg15 : memref<!tpu.dma_semaphore, #tpu.memory_space<semaphore_mem>>)
    %dma_wait3A_10 = arith.constant 0 : i32
    %dma_wait3A_11 = arith.constant 0 : i32
    %dma_wait3A_12 = tpu.memref_slice %arg3[%dma_wait3A_10, %dma_wait3A_11] : memref<100000x32xi32, #tpu.memory_space<hbm>> -> memref<100000x32xi32, #tpu.memory_space<hbm>>
    tpu.wait_indirect_dma semaphore(%arg15 : memref<!tpu.dma_semaphore, #tpu.memory_space<semaphore_mem>>) src(%dma_wait3A_12 : memref<100000x32xi32, #tpu.memory_space<hbm>>) dst(%arg13 : memref<256x32xi32, #tpu.memory_space<vmem>>)
    "tpu.region"() ({
      %run_scoped3A = tpu.sem_alloc : memref<!tpu.dma_semaphore, #tpu.memory_space<semaphore_mem>>
      %dma_start3A_25 = arith.constant 0 : i32
      %dma_start3A_26 = tpu.memref_slice %arg8[%mul3A_2, %dma_start3A_25] : memref<8192x32xi32, #tpu.memory_space<hbm>> -> memref<256x32xi32, #tpu.memory_space<hbm>>
      %dma_start3A_27 = arith.constant 0 : i32
      %dma_start3A_28 = tpu.memref_slice %arg8[%mul3A_2, %dma_start3A_27] : memref<8192x32xi32, #tpu.memory_space<hbm>> -> memref<256x32xi32, #tpu.memory_space<hbm>>
      tpu.enqueue_dma source(%arg13 : memref<256x32xi32, #tpu.memory_space<vmem>>) target(%dma_start3A_28 : memref<256x32xi32, #tpu.memory_space<hbm>>) target_semaphore(%run_scoped3A : memref<!tpu.dma_semaphore, #tpu.memory_space<semaphore_mem>>)
      %dma_wait3A_29 = arith.constant 0 : i32
      %dma_wait3A_30 = tpu.memref_slice %arg8[%mul3A_2, %dma_wait3A_29] : memref<8192x32xi32, #tpu.memory_space<hbm>> -> memref<256x32xi32, #tpu.memory_space<hbm>>
      %dma_wait3A_31 = arith.constant 0 : i32
      %dma_wait3A_32 = tpu.memref_slice %arg8[%mul3A_2, %dma_wait3A_31] : memref<8192x32xi32, #tpu.memory_space<hbm>> -> memref<256x32xi32, #tpu.memory_space<hbm>>
      tpu.wait_dma2 semaphore(%run_scoped3A : memref<!tpu.dma_semaphore, #tpu.memory_space<semaphore_mem>>) src(%arg13 : memref<256x32xi32, #tpu.memory_space<vmem>>) dst(%dma_wait3A_32 : memref<256x32xi32, #tpu.memory_space<hbm>>)
      tpu.yield
    }) : () -> ()
    %dma_start3A_13 = arith.constant 0 : i32
    %dma_start3A_14 = arith.constant 0 : i32
    %dma_start3A_15 = tpu.memref_slice %arg4[%dma_start3A_13, %dma_start3A_14] : memref<100001x128xf32, #tpu.memory_space<hbm>> -> memref<100001x128xf32, #tpu.memory_space<hbm>>
    tpu.enqueue_indirect_dma source(%dma_start3A_15 : memref<100001x128xf32, #tpu.memory_space<hbm>>) target(%arg14 : memref<256x128xf32, #tpu.memory_space<vmem>>) offsets(%arg11 : memref<256xi32, #tpu.memory_space<vmem>>) semaphore(%arg15 : memref<!tpu.dma_semaphore, #tpu.memory_space<semaphore_mem>>)
    %dma_wait3A_16 = arith.constant 0 : i32
    %dma_wait3A_17 = arith.constant 0 : i32
    %dma_wait3A_18 = tpu.memref_slice %arg4[%dma_wait3A_16, %dma_wait3A_17] : memref<100001x128xf32, #tpu.memory_space<hbm>> -> memref<100001x128xf32, #tpu.memory_space<hbm>>
    tpu.wait_indirect_dma semaphore(%arg15 : memref<!tpu.dma_semaphore, #tpu.memory_space<semaphore_mem>>) src(%dma_wait3A_18 : memref<100001x128xf32, #tpu.memory_space<hbm>>) dst(%arg14 : memref<256x128xf32, #tpu.memory_space<vmem>>)
    "tpu.region"() ({
      %run_scoped3A = tpu.sem_alloc : memref<!tpu.dma_semaphore, #tpu.memory_space<semaphore_mem>>
      %dma_start3A_25 = arith.constant 0 : i32
      %dma_start3A_26 = tpu.memref_slice %arg9[%mul3A_2, %dma_start3A_25] : memref<8192x128xf32, #tpu.memory_space<hbm>> -> memref<256x128xf32, #tpu.memory_space<hbm>>
      %dma_start3A_27 = arith.constant 0 : i32
      %dma_start3A_28 = tpu.memref_slice %arg9[%mul3A_2, %dma_start3A_27] : memref<8192x128xf32, #tpu.memory_space<hbm>> -> memref<256x128xf32, #tpu.memory_space<hbm>>
      tpu.enqueue_dma source(%arg14 : memref<256x128xf32, #tpu.memory_space<vmem>>) target(%dma_start3A_28 : memref<256x128xf32, #tpu.memory_space<hbm>>) target_semaphore(%run_scoped3A : memref<!tpu.dma_semaphore, #tpu.memory_space<semaphore_mem>>)
      %dma_wait3A_29 = arith.constant 0 : i32
      %dma_wait3A_30 = tpu.memref_slice %arg9[%mul3A_2, %dma_wait3A_29] : memref<8192x128xf32, #tpu.memory_space<hbm>> -> memref<256x128xf32, #tpu.memory_space<hbm>>
      %dma_wait3A_31 = arith.constant 0 : i32
      %dma_wait3A_32 = tpu.memref_slice %arg9[%mul3A_2, %dma_wait3A_31] : memref<8192x128xf32, #tpu.memory_space<hbm>> -> memref<256x128xf32, #tpu.memory_space<hbm>>
      tpu.wait_dma2 semaphore(%run_scoped3A : memref<!tpu.dma_semaphore, #tpu.memory_space<semaphore_mem>>) src(%arg14 : memref<256x128xf32, #tpu.memory_space<vmem>>) dst(%dma_wait3A_32 : memref<256x128xf32, #tpu.memory_space<hbm>>)
      tpu.yield
    }) : () -> ()
    "tpu.region"() ({
      %run_scoped3A = tpu.sem_alloc : memref<!tpu.dma_semaphore, #tpu.memory_space<semaphore_mem>>
      %dma_start3A_25 = tpu.memref_slice %arg6[%mul3A_2] : memref<8192xi32, #tpu.memory_space<hbm>> -> memref<256xi32, #tpu.memory_space<hbm>>
      %dma_start3A_26 = tpu.memref_slice %arg6[%mul3A_2] : memref<8192xi32, #tpu.memory_space<hbm>> -> memref<256xi32, #tpu.memory_space<hbm>>
      tpu.enqueue_dma source(%dma_start3A_26 : memref<256xi32, #tpu.memory_space<hbm>>) target(%arg11 : memref<256xi32, #tpu.memory_space<vmem>>) target_semaphore(%run_scoped3A : memref<!tpu.dma_semaphore, #tpu.memory_space<semaphore_mem>>)
      %dma_wait3A_27 = tpu.memref_slice %arg6[%mul3A_2] : memref<8192xi32, #tpu.memory_space<hbm>> -> memref<256xi32, #tpu.memory_space<hbm>>
      %dma_wait3A_28 = tpu.memref_slice %arg6[%mul3A_2] : memref<8192xi32, #tpu.memory_space<hbm>> -> memref<256xi32, #tpu.memory_space<hbm>>
      tpu.wait_dma2 semaphore(%run_scoped3A : memref<!tpu.dma_semaphore, #tpu.memory_space<semaphore_mem>>) src(%dma_wait3A_28 : memref<256xi32, #tpu.memory_space<hbm>>) dst(%arg11 : memref<256xi32, #tpu.memory_space<vmem>>)
      tpu.yield
    }) : () -> ()
    %dma_start3A_19 = arith.constant 0 : i32
    %dma_start3A_20 = arith.constant 0 : i32
    %dma_start3A_21 = tpu.memref_slice %arg4[%dma_start3A_19, %dma_start3A_20] : memref<100001x128xf32, #tpu.memory_space<hbm>> -> memref<100001x128xf32, #tpu.memory_space<hbm>>
    tpu.enqueue_indirect_dma source(%dma_start3A_21 : memref<100001x128xf32, #tpu.memory_space<hbm>>) target(%arg14 : memref<256x128xf32, #tpu.memory_space<vmem>>) offsets(%arg11 : memref<256xi32, #tpu.memory_space<vmem>>) semaphore(%arg15 : memref<!tpu.dma_semaphore, #tpu.memory_space<semaphore_mem>>)
    %dma_wait3A_22 = arith.constant 0 : i32
    %dma_wait3A_23 = arith.constant 0 : i32
    %dma_wait3A_24 = tpu.memref_slice %arg4[%dma_wait3A_22, %dma_wait3A_23] : memref<100001x128xf32, #tpu.memory_space<hbm>> -> memref<100001x128xf32, #tpu.memory_space<hbm>>
    tpu.wait_indirect_dma semaphore(%arg15 : memref<!tpu.dma_semaphore, #tpu.memory_space<semaphore_mem>>) src(%dma_wait3A_24 : memref<100001x128xf32, #tpu.memory_space<hbm>>) dst(%arg14 : memref<256x128xf32, #tpu.memory_space<vmem>>)
    "tpu.region"() ({
      %run_scoped3A = tpu.sem_alloc : memref<!tpu.dma_semaphore, #tpu.memory_space<semaphore_mem>>
      %dma_start3A_25 = arith.constant 0 : i32
      %dma_start3A_26 = tpu.memref_slice %arg10[%mul3A_2, %dma_start3A_25] : memref<8192x128xf32, #tpu.memory_space<hbm>> -> memref<256x128xf32, #tpu.memory_space<hbm>>
      %dma_start3A_27 = arith.constant 0 : i32
      %dma_start3A_28 = tpu.memref_slice %arg10[%mul3A_2, %dma_start3A_27] : memref<8192x128xf32, #tpu.memory_space<hbm>> -> memref<256x128xf32, #tpu.memory_space<hbm>>
      tpu.enqueue_dma source(%arg14 : memref<256x128xf32, #tpu.memory_space<vmem>>) target(%dma_start3A_28 : memref<256x128xf32, #tpu.memory_space<hbm>>) target_semaphore(%run_scoped3A : memref<!tpu.dma_semaphore, #tpu.memory_space<semaphore_mem>>)
      %dma_wait3A_29 = arith.constant 0 : i32
      %dma_wait3A_30 = tpu.memref_slice %arg10[%mul3A_2, %dma_wait3A_29] : memref<8192x128xf32, #tpu.memory_space<hbm>> -> memref<256x128xf32, #tpu.memory_space<hbm>>
      %dma_wait3A_31 = arith.constant 0 : i32
      %dma_wait3A_32 = tpu.memref_slice %arg10[%mul3A_2, %dma_wait3A_31] : memref<8192x128xf32, #tpu.memory_space<hbm>> -> memref<256x128xf32, #tpu.memory_space<hbm>>
      tpu.wait_dma2 semaphore(%run_scoped3A : memref<!tpu.dma_semaphore, #tpu.memory_space<semaphore_mem>>) src(%arg14 : memref<256x128xf32, #tpu.memory_space<vmem>>) dst(%dma_wait3A_32 : memref<256x128xf32, #tpu.memory_space<hbm>>)
      tpu.yield
    }) : () -> ()
    return
  }
}

module attributes {stable_mosaic.version = 14 : i64} {
  func.func @_tc_compute(%arg0: i32, %arg1: memref<128x32x144xf32, #tpu.memory_space<vmem>>, %arg2: memref<128x128xf32, #tpu.memory_space<vmem>>, %arg3: memref<128x128xf32, #tpu.memory_space<vmem>>, %arg4: memref<128x32xi32, #tpu.memory_space<vmem>>, %arg5: memref<64x128xi32, #tpu.memory_space<vmem>>, %arg6: memref<65xf32, #tpu.memory_space<smem>>, %arg7: memref<17xf32, #tpu.memory_space<smem>>, %arg8: memref<1x1xf32, #tpu.memory_space<smem>>, %arg9: memref<65xf32, #tpu.memory_space<smem>>) attributes {dimension_semantics = [#tpu.dimension_semantics<arbitrary>], iteration_bounds = array<i64: 64>, scalar_prefetch = 0 : i64, scratch_operands = 1 : i64, tpu.core_type = #tpu.core_type<tc>, window_params = [{transform_indices = @transform_0, window_bounds = array<i64: 128, 32, 144>}, {transform_indices = @transform_1, window_bounds = array<i64: 128, 128>}, {transform_indices = @transform_2, window_bounds = array<i64: 128, 128>}, {transform_indices = @transform_3, window_bounds = array<i64: 128, 32>}, {pipeline_mode = #tpu.pipeline_mode<synchronous>, transform_indices = @transform_4, window_bounds = array<i64: 64, 128>}, {transform_indices = @transform_5, window_bounds = array<i64: 65>}, {transform_indices = @transform_6, window_bounds = array<i64: 17>}, {transform_indices = @transform_7, window_bounds = array<i64: 1, 1>}]} {
    %eq3A = arith.constant 0 : i32
    %eq3A_0 = arith.cmpi eq, %arg0, %eq3A : i32
    %convert_element_type3A = arith.extui %eq3A_0 : i1 to i32
    %cond3A = arith.constant 0 : i32
    %cond3A_1 = arith.cmpi ne, %convert_element_type3A, %cond3A : i32
    scf.if %cond3A_1 {
      %get3A_894 = arith.constant 0 : index
      %get3A_895 = arith.constant 0 : index
      %get3A_896 = vector.load %arg5[%get3A_894, %get3A_895] : memref<64x128xi32, #tpu.memory_space<vmem>>, vector<64x128xi32>
      %eq3A_897 = arith.constant 0 : i32
      %eq3A_898 = vector.broadcast %eq3A_897 : i32 to vector<64x128xi32>
      %eq3A_899 = arith.cmpi eq, %get3A_896, %eq3A_898 : vector<64x128xi32>
      %jit3A_900 = arith.constant 1.000000e+00 : f32
      %jit3A_901 = arith.constant 0.000000e+00 : f32
      %broadcast_in_dim3A_902 = vector.broadcast %jit3A_900 : f32 to vector<64x128xf32>
      %broadcast_in_dim3A_903 = vector.broadcast %jit3A_901 : f32 to vector<64x128xf32>
      %select_n3A_904 = arith.select %eq3A_899, %broadcast_in_dim3A_902, %broadcast_in_dim3A_903 : vector<64x128xi1>, vector<64x128xf32>
      %reduce_sum3A_905 = vector.shape_cast %select_n3A_904 : vector<64x128xf32> to vector<1x64x128xf32>
      %reduce_sum3A_906 = arith.constant dense<0.000000e+00> : vector<1xf32>
      %reduce_sum3A_907 = vector.multi_reduction <add>, %reduce_sum3A_905, %reduce_sum3A_906 [1, 2] : vector<1x64x128xf32> to vector<1xf32>
      %reduce_sum3A_908 = vector.shape_cast %reduce_sum3A_907 : vector<1xf32> to vector<1x1x1xf32>
      %reduce_sum3A_909 = vector.extract %reduce_sum3A_908[0, 0, 0] : f32 from vector<1x1x1xf32>
      %get3A_910 = arith.constant 0 : index
      %get3A_911 = memref.load %arg6[%get3A_910] : memref<65xf32, #tpu.memory_space<smem>>
      %add3A_912 = arith.constant 1.000000e+00 : f32
      %add3A_913 = arith.addf %add3A_912, %reduce_sum3A_909 : f32
      %mul3A_914 = arith.mulf %get3A_911, %add3A_913 : f32
      %swap3A_915 = arith.constant 0 : index
      %swap3A_916 = memref.load %arg9[%swap3A_915] : memref<65xf32, #tpu.memory_space<smem>>
      memref.store %mul3A_914, %arg9[%swap3A_915] : memref<65xf32, #tpu.memory_space<smem>>
      %eq3A_917 = arith.constant 1 : i32
      %eq3A_918 = vector.broadcast %eq3A_917 : i32 to vector<64x128xi32>
      %eq3A_919 = arith.cmpi eq, %get3A_896, %eq3A_918 : vector<64x128xi32>
      %jit3A_920 = arith.constant 1.000000e+00 : f32
      %jit3A_921 = arith.constant 0.000000e+00 : f32
      %broadcast_in_dim3A_922 = vector.broadcast %jit3A_920 : f32 to vector<64x128xf32>
      %broadcast_in_dim3A_923 = vector.broadcast %jit3A_921 : f32 to vector<64x128xf32>
      %select_n3A_924 = arith.select %eq3A_919, %broadcast_in_dim3A_922, %broadcast_in_dim3A_923 : vector<64x128xi1>, vector<64x128xf32>
      %reduce_sum3A_925 = vector.shape_cast %select_n3A_924 : vector<64x128xf32> to vector<1x64x128xf32>
      %reduce_sum3A_926 = arith.constant dense<0.000000e+00> : vector<1xf32>
      %reduce_sum3A_927 = vector.multi_reduction <add>, %reduce_sum3A_925, %reduce_sum3A_926 [1, 2] : vector<1x64x128xf32> to vector<1xf32>
      %reduce_sum3A_928 = vector.shape_cast %reduce_sum3A_927 : vector<1xf32> to vector<1x1x1xf32>
      %reduce_sum3A_929 = vector.extract %reduce_sum3A_928[0, 0, 0] : f32 from vector<1x1x1xf32>
      %get3A_930 = arith.constant 1 : index
      %get3A_931 = memref.load %arg6[%get3A_930] : memref<65xf32, #tpu.memory_space<smem>>
      %add3A_932 = arith.constant 1.000000e+00 : f32
      %add3A_933 = arith.addf %add3A_932, %reduce_sum3A_929 : f32
      %mul3A_934 = arith.mulf %get3A_931, %add3A_933 : f32
      %swap3A_935 = arith.constant 1 : index
      %swap3A_936 = memref.load %arg9[%swap3A_935] : memref<65xf32, #tpu.memory_space<smem>>
      memref.store %mul3A_934, %arg9[%swap3A_935] : memref<65xf32, #tpu.memory_space<smem>>
      %eq3A_937 = arith.constant 2 : i32
      %eq3A_938 = vector.broadcast %eq3A_937 : i32 to vector<64x128xi32>
      %eq3A_939 = arith.cmpi eq, %get3A_896, %eq3A_938 : vector<64x128xi32>
      %jit3A_940 = arith.constant 1.000000e+00 : f32
      %jit3A_941 = arith.constant 0.000000e+00 : f32
      %broadcast_in_dim3A_942 = vector.broadcast %jit3A_940 : f32 to vector<64x128xf32>
      %broadcast_in_dim3A_943 = vector.broadcast %jit3A_941 : f32 to vector<64x128xf32>
      %select_n3A_944 = arith.select %eq3A_939, %broadcast_in_dim3A_942, %broadcast_in_dim3A_943 : vector<64x128xi1>, vector<64x128xf32>
      %reduce_sum3A_945 = vector.shape_cast %select_n3A_944 : vector<64x128xf32> to vector<1x64x128xf32>
      %reduce_sum3A_946 = arith.constant dense<0.000000e+00> : vector<1xf32>
      %reduce_sum3A_947 = vector.multi_reduction <add>, %reduce_sum3A_945, %reduce_sum3A_946 [1, 2] : vector<1x64x128xf32> to vector<1xf32>
      %reduce_sum3A_948 = vector.shape_cast %reduce_sum3A_947 : vector<1xf32> to vector<1x1x1xf32>
      %reduce_sum3A_949 = vector.extract %reduce_sum3A_948[0, 0, 0] : f32 from vector<1x1x1xf32>
      %get3A_950 = arith.constant 2 : index
      %get3A_951 = memref.load %arg6[%get3A_950] : memref<65xf32, #tpu.memory_space<smem>>
      %add3A_952 = arith.constant 1.000000e+00 : f32
      %add3A_953 = arith.addf %add3A_952, %reduce_sum3A_949 : f32
      %mul3A_954 = arith.mulf %get3A_951, %add3A_953 : f32
      %swap3A_955 = arith.constant 2 : index
      %swap3A_956 = memref.load %arg9[%swap3A_955] : memref<65xf32, #tpu.memory_space<smem>>
      memref.store %mul3A_954, %arg9[%swap3A_955] : memref<65xf32, #tpu.memory_space<smem>>
      %eq3A_957 = arith.constant 3 : i32
      %eq3A_958 = vector.broadcast %eq3A_957 : i32 to vector<64x128xi32>
      %eq3A_959 = arith.cmpi eq, %get3A_896, %eq3A_958 : vector<64x128xi32>
      %jit3A_960 = arith.constant 1.000000e+00 : f32
      %jit3A_961 = arith.constant 0.000000e+00 : f32
      %broadcast_in_dim3A_962 = vector.broadcast %jit3A_960 : f32 to vector<64x128xf32>
      %broadcast_in_dim3A_963 = vector.broadcast %jit3A_961 : f32 to vector<64x128xf32>
      %select_n3A_964 = arith.select %eq3A_959, %broadcast_in_dim3A_962, %broadcast_in_dim3A_963 : vector<64x128xi1>, vector<64x128xf32>
      %reduce_sum3A_965 = vector.shape_cast %select_n3A_964 : vector<64x128xf32> to vector<1x64x128xf32>
      %reduce_sum3A_966 = arith.constant dense<0.000000e+00> : vector<1xf32>
      %reduce_sum3A_967 = vector.multi_reduction <add>, %reduce_sum3A_965, %reduce_sum3A_966 [1, 2] : vector<1x64x128xf32> to vector<1xf32>
      %reduce_sum3A_968 = vector.shape_cast %reduce_sum3A_967 : vector<1xf32> to vector<1x1x1xf32>
      %reduce_sum3A_969 = vector.extract %reduce_sum3A_968[0, 0, 0] : f32 from vector<1x1x1xf32>
      %get3A_970 = arith.constant 3 : index
      %get3A_971 = memref.load %arg6[%get3A_970] : memref<65xf32, #tpu.memory_space<smem>>
      %add3A_972 = arith.constant 1.000000e+00 : f32
      %add3A_973 = arith.addf %add3A_972, %reduce_sum3A_969 : f32
      %mul3A_974 = arith.mulf %get3A_971, %add3A_973 : f32
      %swap3A_975 = arith.constant 3 : index
      %swap3A_976 = memref.load %arg9[%swap3A_975] : memref<65xf32, #tpu.memory_space<smem>>
      memref.store %mul3A_974, %arg9[%swap3A_975] : memref<65xf32, #tpu.memory_space<smem>>
      %eq3A_977 = arith.constant 4 : i32
      %eq3A_978 = vector.broadcast %eq3A_977 : i32 to vector<64x128xi32>
      %eq3A_979 = arith.cmpi eq, %get3A_896, %eq3A_978 : vector<64x128xi32>
      %jit3A_980 = arith.constant 1.000000e+00 : f32
      %jit3A_981 = arith.constant 0.000000e+00 : f32
      %broadcast_in_dim3A_982 = vector.broadcast %jit3A_980 : f32 to vector<64x128xf32>
      %broadcast_in_dim3A_983 = vector.broadcast %jit3A_981 : f32 to vector<64x128xf32>
      %select_n3A_984 = arith.select %eq3A_979, %broadcast_in_dim3A_982, %broadcast_in_dim3A_983 : vector<64x128xi1>, vector<64x128xf32>
      %reduce_sum3A_985 = vector.shape_cast %select_n3A_984 : vector<64x128xf32> to vector<1x64x128xf32>
      %reduce_sum3A_986 = arith.constant dense<0.000000e+00> : vector<1xf32>
      %reduce_sum3A_987 = vector.multi_reduction <add>, %reduce_sum3A_985, %reduce_sum3A_986 [1, 2] : vector<1x64x128xf32> to vector<1xf32>
      %reduce_sum3A_988 = vector.shape_cast %reduce_sum3A_987 : vector<1xf32> to vector<1x1x1xf32>
      %reduce_sum3A_989 = vector.extract %reduce_sum3A_988[0, 0, 0] : f32 from vector<1x1x1xf32>
      %get3A_990 = arith.constant 4 : index
      %get3A_991 = memref.load %arg6[%get3A_990] : memref<65xf32, #tpu.memory_space<smem>>
      %add3A_992 = arith.constant 1.000000e+00 : f32
      %add3A_993 = arith.addf %add3A_992, %reduce_sum3A_989 : f32
      %mul3A_994 = arith.mulf %get3A_991, %add3A_993 : f32
      %swap3A_995 = arith.constant 4 : index
      %swap3A_996 = memref.load %arg9[%swap3A_995] : memref<65xf32, #tpu.memory_space<smem>>
      memref.store %mul3A_994, %arg9[%swap3A_995] : memref<65xf32, #tpu.memory_space<smem>>
      %eq3A_997 = arith.constant 5 : i32
      %eq3A_998 = vector.broadcast %eq3A_997 : i32 to vector<64x128xi32>
      %eq3A_999 = arith.cmpi eq, %get3A_896, %eq3A_998 : vector<64x128xi32>
      %jit3A_1000 = arith.constant 1.000000e+00 : f32
      %jit3A_1001 = arith.constant 0.000000e+00 : f32
      %broadcast_in_dim3A_1002 = vector.broadcast %jit3A_1000 : f32 to vector<64x128xf32>
      %broadcast_in_dim3A_1003 = vector.broadcast %jit3A_1001 : f32 to vector<64x128xf32>
      %select_n3A_1004 = arith.select %eq3A_999, %broadcast_in_dim3A_1002, %broadcast_in_dim3A_1003 : vector<64x128xi1>, vector<64x128xf32>
      %reduce_sum3A_1005 = vector.shape_cast %select_n3A_1004 : vector<64x128xf32> to vector<1x64x128xf32>
      %reduce_sum3A_1006 = arith.constant dense<0.000000e+00> : vector<1xf32>
      %reduce_sum3A_1007 = vector.multi_reduction <add>, %reduce_sum3A_1005, %reduce_sum3A_1006 [1, 2] : vector<1x64x128xf32> to vector<1xf32>
      %reduce_sum3A_1008 = vector.shape_cast %reduce_sum3A_1007 : vector<1xf32> to vector<1x1x1xf32>
      %reduce_sum3A_1009 = vector.extract %reduce_sum3A_1008[0, 0, 0] : f32 from vector<1x1x1xf32>
      %get3A_1010 = arith.constant 5 : index
      %get3A_1011 = memref.load %arg6[%get3A_1010] : memref<65xf32, #tpu.memory_space<smem>>
      %add3A_1012 = arith.constant 1.000000e+00 : f32
      %add3A_1013 = arith.addf %add3A_1012, %reduce_sum3A_1009 : f32
      %mul3A_1014 = arith.mulf %get3A_1011, %add3A_1013 : f32
      %swap3A_1015 = arith.constant 5 : index
      %swap3A_1016 = memref.load %arg9[%swap3A_1015] : memref<65xf32, #tpu.memory_space<smem>>
      memref.store %mul3A_1014, %arg9[%swap3A_1015] : memref<65xf32, #tpu.memory_space<smem>>
      %eq3A_1017 = arith.constant 6 : i32
      %eq3A_1018 = vector.broadcast %eq3A_1017 : i32 to vector<64x128xi32>
      %eq3A_1019 = arith.cmpi eq, %get3A_896, %eq3A_1018 : vector<64x128xi32>
      %jit3A_1020 = arith.constant 1.000000e+00 : f32
      %jit3A_1021 = arith.constant 0.000000e+00 : f32
      %broadcast_in_dim3A_1022 = vector.broadcast %jit3A_1020 : f32 to vector<64x128xf32>
      %broadcast_in_dim3A_1023 = vector.broadcast %jit3A_1021 : f32 to vector<64x128xf32>
      %select_n3A_1024 = arith.select %eq3A_1019, %broadcast_in_dim3A_1022, %broadcast_in_dim3A_1023 : vector<64x128xi1>, vector<64x128xf32>
      %reduce_sum3A_1025 = vector.shape_cast %select_n3A_1024 : vector<64x128xf32> to vector<1x64x128xf32>
      %reduce_sum3A_1026 = arith.constant dense<0.000000e+00> : vector<1xf32>
      %reduce_sum3A_1027 = vector.multi_reduction <add>, %reduce_sum3A_1025, %reduce_sum3A_1026 [1, 2] : vector<1x64x128xf32> to vector<1xf32>
      %reduce_sum3A_1028 = vector.shape_cast %reduce_sum3A_1027 : vector<1xf32> to vector<1x1x1xf32>
      %reduce_sum3A_1029 = vector.extract %reduce_sum3A_1028[0, 0, 0] : f32 from vector<1x1x1xf32>
      %get3A_1030 = arith.constant 6 : index
      %get3A_1031 = memref.load %arg6[%get3A_1030] : memref<65xf32, #tpu.memory_space<smem>>
      %add3A_1032 = arith.constant 1.000000e+00 : f32
      %add3A_1033 = arith.addf %add3A_1032, %reduce_sum3A_1029 : f32
      %mul3A_1034 = arith.mulf %get3A_1031, %add3A_1033 : f32
      %swap3A_1035 = arith.constant 6 : index
      %swap3A_1036 = memref.load %arg9[%swap3A_1035] : memref<65xf32, #tpu.memory_space<smem>>
      memref.store %mul3A_1034, %arg9[%swap3A_1035] : memref<65xf32, #tpu.memory_space<smem>>
      %eq3A_1037 = arith.constant 7 : i32
      %eq3A_1038 = vector.broadcast %eq3A_1037 : i32 to vector<64x128xi32>
      %eq3A_1039 = arith.cmpi eq, %get3A_896, %eq3A_1038 : vector<64x128xi32>
      %jit3A_1040 = arith.constant 1.000000e+00 : f32
      %jit3A_1041 = arith.constant 0.000000e+00 : f32
      %broadcast_in_dim3A_1042 = vector.broadcast %jit3A_1040 : f32 to vector<64x128xf32>
      %broadcast_in_dim3A_1043 = vector.broadcast %jit3A_1041 : f32 to vector<64x128xf32>
      %select_n3A_1044 = arith.select %eq3A_1039, %broadcast_in_dim3A_1042, %broadcast_in_dim3A_1043 : vector<64x128xi1>, vector<64x128xf32>
      %reduce_sum3A_1045 = vector.shape_cast %select_n3A_1044 : vector<64x128xf32> to vector<1x64x128xf32>
      %reduce_sum3A_1046 = arith.constant dense<0.000000e+00> : vector<1xf32>
      %reduce_sum3A_1047 = vector.multi_reduction <add>, %reduce_sum3A_1045, %reduce_sum3A_1046 [1, 2] : vector<1x64x128xf32> to vector<1xf32>
      %reduce_sum3A_1048 = vector.shape_cast %reduce_sum3A_1047 : vector<1xf32> to vector<1x1x1xf32>
      %reduce_sum3A_1049 = vector.extract %reduce_sum3A_1048[0, 0, 0] : f32 from vector<1x1x1xf32>
      %get3A_1050 = arith.constant 7 : index
      %get3A_1051 = memref.load %arg6[%get3A_1050] : memref<65xf32, #tpu.memory_space<smem>>
      %add3A_1052 = arith.constant 1.000000e+00 : f32
      %add3A_1053 = arith.addf %add3A_1052, %reduce_sum3A_1049 : f32
      %mul3A_1054 = arith.mulf %get3A_1051, %add3A_1053 : f32
      %swap3A_1055 = arith.constant 7 : index
      %swap3A_1056 = memref.load %arg9[%swap3A_1055] : memref<65xf32, #tpu.memory_space<smem>>
      memref.store %mul3A_1054, %arg9[%swap3A_1055] : memref<65xf32, #tpu.memory_space<smem>>
      %eq3A_1057 = arith.constant 8 : i32
      %eq3A_1058 = vector.broadcast %eq3A_1057 : i32 to vector<64x128xi32>
      %eq3A_1059 = arith.cmpi eq, %get3A_896, %eq3A_1058 : vector<64x128xi32>
      %jit3A_1060 = arith.constant 1.000000e+00 : f32
      %jit3A_1061 = arith.constant 0.000000e+00 : f32
      %broadcast_in_dim3A_1062 = vector.broadcast %jit3A_1060 : f32 to vector<64x128xf32>
      %broadcast_in_dim3A_1063 = vector.broadcast %jit3A_1061 : f32 to vector<64x128xf32>
      %select_n3A_1064 = arith.select %eq3A_1059, %broadcast_in_dim3A_1062, %broadcast_in_dim3A_1063 : vector<64x128xi1>, vector<64x128xf32>
      %reduce_sum3A_1065 = vector.shape_cast %select_n3A_1064 : vector<64x128xf32> to vector<1x64x128xf32>
      %reduce_sum3A_1066 = arith.constant dense<0.000000e+00> : vector<1xf32>
      %reduce_sum3A_1067 = vector.multi_reduction <add>, %reduce_sum3A_1065, %reduce_sum3A_1066 [1, 2] : vector<1x64x128xf32> to vector<1xf32>
      %reduce_sum3A_1068 = vector.shape_cast %reduce_sum3A_1067 : vector<1xf32> to vector<1x1x1xf32>
      %reduce_sum3A_1069 = vector.extract %reduce_sum3A_1068[0, 0, 0] : f32 from vector<1x1x1xf32>
      %get3A_1070 = arith.constant 8 : index
      %get3A_1071 = memref.load %arg6[%get3A_1070] : memref<65xf32, #tpu.memory_space<smem>>
      %add3A_1072 = arith.constant 1.000000e+00 : f32
      %add3A_1073 = arith.addf %add3A_1072, %reduce_sum3A_1069 : f32
      %mul3A_1074 = arith.mulf %get3A_1071, %add3A_1073 : f32
      %swap3A_1075 = arith.constant 8 : index
      %swap3A_1076 = memref.load %arg9[%swap3A_1075] : memref<65xf32, #tpu.memory_space<smem>>
      memref.store %mul3A_1074, %arg9[%swap3A_1075] : memref<65xf32, #tpu.memory_space<smem>>
      %eq3A_1077 = arith.constant 9 : i32
      %eq3A_1078 = vector.broadcast %eq3A_1077 : i32 to vector<64x128xi32>
      %eq3A_1079 = arith.cmpi eq, %get3A_896, %eq3A_1078 : vector<64x128xi32>
      %jit3A_1080 = arith.constant 1.000000e+00 : f32
      %jit3A_1081 = arith.constant 0.000000e+00 : f32
      %broadcast_in_dim3A_1082 = vector.broadcast %jit3A_1080 : f32 to vector<64x128xf32>
      %broadcast_in_dim3A_1083 = vector.broadcast %jit3A_1081 : f32 to vector<64x128xf32>
      %select_n3A_1084 = arith.select %eq3A_1079, %broadcast_in_dim3A_1082, %broadcast_in_dim3A_1083 : vector<64x128xi1>, vector<64x128xf32>
      %reduce_sum3A_1085 = vector.shape_cast %select_n3A_1084 : vector<64x128xf32> to vector<1x64x128xf32>
      %reduce_sum3A_1086 = arith.constant dense<0.000000e+00> : vector<1xf32>
      %reduce_sum3A_1087 = vector.multi_reduction <add>, %reduce_sum3A_1085, %reduce_sum3A_1086 [1, 2] : vector<1x64x128xf32> to vector<1xf32>
      %reduce_sum3A_1088 = vector.shape_cast %reduce_sum3A_1087 : vector<1xf32> to vector<1x1x1xf32>
      %reduce_sum3A_1089 = vector.extract %reduce_sum3A_1088[0, 0, 0] : f32 from vector<1x1x1xf32>
      %get3A_1090 = arith.constant 9 : index
      %get3A_1091 = memref.load %arg6[%get3A_1090] : memref<65xf32, #tpu.memory_space<smem>>
      %add3A_1092 = arith.constant 1.000000e+00 : f32
      %add3A_1093 = arith.addf %add3A_1092, %reduce_sum3A_1089 : f32
      %mul3A_1094 = arith.mulf %get3A_1091, %add3A_1093 : f32
      %swap3A_1095 = arith.constant 9 : index
      %swap3A_1096 = memref.load %arg9[%swap3A_1095] : memref<65xf32, #tpu.memory_space<smem>>
      memref.store %mul3A_1094, %arg9[%swap3A_1095] : memref<65xf32, #tpu.memory_space<smem>>
      %eq3A_1097 = arith.constant 10 : i32
      %eq3A_1098 = vector.broadcast %eq3A_1097 : i32 to vector<64x128xi32>
      %eq3A_1099 = arith.cmpi eq, %get3A_896, %eq3A_1098 : vector<64x128xi32>
      %jit3A_1100 = arith.constant 1.000000e+00 : f32
      %jit3A_1101 = arith.constant 0.000000e+00 : f32
      %broadcast_in_dim3A_1102 = vector.broadcast %jit3A_1100 : f32 to vector<64x128xf32>
      %broadcast_in_dim3A_1103 = vector.broadcast %jit3A_1101 : f32 to vector<64x128xf32>
      %select_n3A_1104 = arith.select %eq3A_1099, %broadcast_in_dim3A_1102, %broadcast_in_dim3A_1103 : vector<64x128xi1>, vector<64x128xf32>
      %reduce_sum3A_1105 = vector.shape_cast %select_n3A_1104 : vector<64x128xf32> to vector<1x64x128xf32>
      %reduce_sum3A_1106 = arith.constant dense<0.000000e+00> : vector<1xf32>
      %reduce_sum3A_1107 = vector.multi_reduction <add>, %reduce_sum3A_1105, %reduce_sum3A_1106 [1, 2] : vector<1x64x128xf32> to vector<1xf32>
      %reduce_sum3A_1108 = vector.shape_cast %reduce_sum3A_1107 : vector<1xf32> to vector<1x1x1xf32>
      %reduce_sum3A_1109 = vector.extract %reduce_sum3A_1108[0, 0, 0] : f32 from vector<1x1x1xf32>
      %get3A_1110 = arith.constant 10 : index
      %get3A_1111 = memref.load %arg6[%get3A_1110] : memref<65xf32, #tpu.memory_space<smem>>
      %add3A_1112 = arith.constant 1.000000e+00 : f32
      %add3A_1113 = arith.addf %add3A_1112, %reduce_sum3A_1109 : f32
      %mul3A_1114 = arith.mulf %get3A_1111, %add3A_1113 : f32
      %swap3A_1115 = arith.constant 10 : index
      %swap3A_1116 = memref.load %arg9[%swap3A_1115] : memref<65xf32, #tpu.memory_space<smem>>
      memref.store %mul3A_1114, %arg9[%swap3A_1115] : memref<65xf32, #tpu.memory_space<smem>>
      %eq3A_1117 = arith.constant 11 : i32
      %eq3A_1118 = vector.broadcast %eq3A_1117 : i32 to vector<64x128xi32>
      %eq3A_1119 = arith.cmpi eq, %get3A_896, %eq3A_1118 : vector<64x128xi32>
      %jit3A_1120 = arith.constant 1.000000e+00 : f32
      %jit3A_1121 = arith.constant 0.000000e+00 : f32
      %broadcast_in_dim3A_1122 = vector.broadcast %jit3A_1120 : f32 to vector<64x128xf32>
      %broadcast_in_dim3A_1123 = vector.broadcast %jit3A_1121 : f32 to vector<64x128xf32>
      %select_n3A_1124 = arith.select %eq3A_1119, %broadcast_in_dim3A_1122, %broadcast_in_dim3A_1123 : vector<64x128xi1>, vector<64x128xf32>
      %reduce_sum3A_1125 = vector.shape_cast %select_n3A_1124 : vector<64x128xf32> to vector<1x64x128xf32>
      %reduce_sum3A_1126 = arith.constant dense<0.000000e+00> : vector<1xf32>
      %reduce_sum3A_1127 = vector.multi_reduction <add>, %reduce_sum3A_1125, %reduce_sum3A_1126 [1, 2] : vector<1x64x128xf32> to vector<1xf32>
      %reduce_sum3A_1128 = vector.shape_cast %reduce_sum3A_1127 : vector<1xf32> to vector<1x1x1xf32>
      %reduce_sum3A_1129 = vector.extract %reduce_sum3A_1128[0, 0, 0] : f32 from vector<1x1x1xf32>
      %get3A_1130 = arith.constant 11 : index
      %get3A_1131 = memref.load %arg6[%get3A_1130] : memref<65xf32, #tpu.memory_space<smem>>
      %add3A_1132 = arith.constant 1.000000e+00 : f32
      %add3A_1133 = arith.addf %add3A_1132, %reduce_sum3A_1129 : f32
      %mul3A_1134 = arith.mulf %get3A_1131, %add3A_1133 : f32
      %swap3A_1135 = arith.constant 11 : index
      %swap3A_1136 = memref.load %arg9[%swap3A_1135] : memref<65xf32, #tpu.memory_space<smem>>
      memref.store %mul3A_1134, %arg9[%swap3A_1135] : memref<65xf32, #tpu.memory_space<smem>>
      %eq3A_1137 = arith.constant 12 : i32
      %eq3A_1138 = vector.broadcast %eq3A_1137 : i32 to vector<64x128xi32>
      %eq3A_1139 = arith.cmpi eq, %get3A_896, %eq3A_1138 : vector<64x128xi32>
      %jit3A_1140 = arith.constant 1.000000e+00 : f32
      %jit3A_1141 = arith.constant 0.000000e+00 : f32
      %broadcast_in_dim3A_1142 = vector.broadcast %jit3A_1140 : f32 to vector<64x128xf32>
      %broadcast_in_dim3A_1143 = vector.broadcast %jit3A_1141 : f32 to vector<64x128xf32>
      %select_n3A_1144 = arith.select %eq3A_1139, %broadcast_in_dim3A_1142, %broadcast_in_dim3A_1143 : vector<64x128xi1>, vector<64x128xf32>
      %reduce_sum3A_1145 = vector.shape_cast %select_n3A_1144 : vector<64x128xf32> to vector<1x64x128xf32>
      %reduce_sum3A_1146 = arith.constant dense<0.000000e+00> : vector<1xf32>
      %reduce_sum3A_1147 = vector.multi_reduction <add>, %reduce_sum3A_1145, %reduce_sum3A_1146 [1, 2] : vector<1x64x128xf32> to vector<1xf32>
      %reduce_sum3A_1148 = vector.shape_cast %reduce_sum3A_1147 : vector<1xf32> to vector<1x1x1xf32>
      %reduce_sum3A_1149 = vector.extract %reduce_sum3A_1148[0, 0, 0] : f32 from vector<1x1x1xf32>
      %get3A_1150 = arith.constant 12 : index
      %get3A_1151 = memref.load %arg6[%get3A_1150] : memref<65xf32, #tpu.memory_space<smem>>
      %add3A_1152 = arith.constant 1.000000e+00 : f32
      %add3A_1153 = arith.addf %add3A_1152, %reduce_sum3A_1149 : f32
      %mul3A_1154 = arith.mulf %get3A_1151, %add3A_1153 : f32
      %swap3A_1155 = arith.constant 12 : index
      %swap3A_1156 = memref.load %arg9[%swap3A_1155] : memref<65xf32, #tpu.memory_space<smem>>
      memref.store %mul3A_1154, %arg9[%swap3A_1155] : memref<65xf32, #tpu.memory_space<smem>>
      %eq3A_1157 = arith.constant 13 : i32
      %eq3A_1158 = vector.broadcast %eq3A_1157 : i32 to vector<64x128xi32>
      %eq3A_1159 = arith.cmpi eq, %get3A_896, %eq3A_1158 : vector<64x128xi32>
      %jit3A_1160 = arith.constant 1.000000e+00 : f32
      %jit3A_1161 = arith.constant 0.000000e+00 : f32
      %broadcast_in_dim3A_1162 = vector.broadcast %jit3A_1160 : f32 to vector<64x128xf32>
      %broadcast_in_dim3A_1163 = vector.broadcast %jit3A_1161 : f32 to vector<64x128xf32>
      %select_n3A_1164 = arith.select %eq3A_1159, %broadcast_in_dim3A_1162, %broadcast_in_dim3A_1163 : vector<64x128xi1>, vector<64x128xf32>
      %reduce_sum3A_1165 = vector.shape_cast %select_n3A_1164 : vector<64x128xf32> to vector<1x64x128xf32>
      %reduce_sum3A_1166 = arith.constant dense<0.000000e+00> : vector<1xf32>
      %reduce_sum3A_1167 = vector.multi_reduction <add>, %reduce_sum3A_1165, %reduce_sum3A_1166 [1, 2] : vector<1x64x128xf32> to vector<1xf32>
      %reduce_sum3A_1168 = vector.shape_cast %reduce_sum3A_1167 : vector<1xf32> to vector<1x1x1xf32>
      %reduce_sum3A_1169 = vector.extract %reduce_sum3A_1168[0, 0, 0] : f32 from vector<1x1x1xf32>
      %get3A_1170 = arith.constant 13 : index
      %get3A_1171 = memref.load %arg6[%get3A_1170] : memref<65xf32, #tpu.memory_space<smem>>
      %add3A_1172 = arith.constant 1.000000e+00 : f32
      %add3A_1173 = arith.addf %add3A_1172, %reduce_sum3A_1169 : f32
      %mul3A_1174 = arith.mulf %get3A_1171, %add3A_1173 : f32
      %swap3A_1175 = arith.constant 13 : index
      %swap3A_1176 = memref.load %arg9[%swap3A_1175] : memref<65xf32, #tpu.memory_space<smem>>
      memref.store %mul3A_1174, %arg9[%swap3A_1175] : memref<65xf32, #tpu.memory_space<smem>>
      %eq3A_1177 = arith.constant 14 : i32
      %eq3A_1178 = vector.broadcast %eq3A_1177 : i32 to vector<64x128xi32>
      %eq3A_1179 = arith.cmpi eq, %get3A_896, %eq3A_1178 : vector<64x128xi32>
      %jit3A_1180 = arith.constant 1.000000e+00 : f32
      %jit3A_1181 = arith.constant 0.000000e+00 : f32
      %broadcast_in_dim3A_1182 = vector.broadcast %jit3A_1180 : f32 to vector<64x128xf32>
      %broadcast_in_dim3A_1183 = vector.broadcast %jit3A_1181 : f32 to vector<64x128xf32>
      %select_n3A_1184 = arith.select %eq3A_1179, %broadcast_in_dim3A_1182, %broadcast_in_dim3A_1183 : vector<64x128xi1>, vector<64x128xf32>
      %reduce_sum3A_1185 = vector.shape_cast %select_n3A_1184 : vector<64x128xf32> to vector<1x64x128xf32>
      %reduce_sum3A_1186 = arith.constant dense<0.000000e+00> : vector<1xf32>
      %reduce_sum3A_1187 = vector.multi_reduction <add>, %reduce_sum3A_1185, %reduce_sum3A_1186 [1, 2] : vector<1x64x128xf32> to vector<1xf32>
      %reduce_sum3A_1188 = vector.shape_cast %reduce_sum3A_1187 : vector<1xf32> to vector<1x1x1xf32>
      %reduce_sum3A_1189 = vector.extract %reduce_sum3A_1188[0, 0, 0] : f32 from vector<1x1x1xf32>
      %get3A_1190 = arith.constant 14 : index
      %get3A_1191 = memref.load %arg6[%get3A_1190] : memref<65xf32, #tpu.memory_space<smem>>
      %add3A_1192 = arith.constant 1.000000e+00 : f32
      %add3A_1193 = arith.addf %add3A_1192, %reduce_sum3A_1189 : f32
      %mul3A_1194 = arith.mulf %get3A_1191, %add3A_1193 : f32
      %swap3A_1195 = arith.constant 14 : index
      %swap3A_1196 = memref.load %arg9[%swap3A_1195] : memref<65xf32, #tpu.memory_space<smem>>
      memref.store %mul3A_1194, %arg9[%swap3A_1195] : memref<65xf32, #tpu.memory_space<smem>>
      %eq3A_1197 = arith.constant 15 : i32
      %eq3A_1198 = vector.broadcast %eq3A_1197 : i32 to vector<64x128xi32>
      %eq3A_1199 = arith.cmpi eq, %get3A_896, %eq3A_1198 : vector<64x128xi32>
      %jit3A_1200 = arith.constant 1.000000e+00 : f32
      %jit3A_1201 = arith.constant 0.000000e+00 : f32
      %broadcast_in_dim3A_1202 = vector.broadcast %jit3A_1200 : f32 to vector<64x128xf32>
      %broadcast_in_dim3A_1203 = vector.broadcast %jit3A_1201 : f32 to vector<64x128xf32>
      %select_n3A_1204 = arith.select %eq3A_1199, %broadcast_in_dim3A_1202, %broadcast_in_dim3A_1203 : vector<64x128xi1>, vector<64x128xf32>
      %reduce_sum3A_1205 = vector.shape_cast %select_n3A_1204 : vector<64x128xf32> to vector<1x64x128xf32>
      %reduce_sum3A_1206 = arith.constant dense<0.000000e+00> : vector<1xf32>
      %reduce_sum3A_1207 = vector.multi_reduction <add>, %reduce_sum3A_1205, %reduce_sum3A_1206 [1, 2] : vector<1x64x128xf32> to vector<1xf32>
      %reduce_sum3A_1208 = vector.shape_cast %reduce_sum3A_1207 : vector<1xf32> to vector<1x1x1xf32>
      %reduce_sum3A_1209 = vector.extract %reduce_sum3A_1208[0, 0, 0] : f32 from vector<1x1x1xf32>
      %get3A_1210 = arith.constant 15 : index
      %get3A_1211 = memref.load %arg6[%get3A_1210] : memref<65xf32, #tpu.memory_space<smem>>
      %add3A_1212 = arith.constant 1.000000e+00 : f32
      %add3A_1213 = arith.addf %add3A_1212, %reduce_sum3A_1209 : f32
      %mul3A_1214 = arith.mulf %get3A_1211, %add3A_1213 : f32
      %swap3A_1215 = arith.constant 15 : index
      %swap3A_1216 = memref.load %arg9[%swap3A_1215] : memref<65xf32, #tpu.memory_space<smem>>
      memref.store %mul3A_1214, %arg9[%swap3A_1215] : memref<65xf32, #tpu.memory_space<smem>>
      %eq3A_1217 = arith.constant 16 : i32
      %eq3A_1218 = vector.broadcast %eq3A_1217 : i32 to vector<64x128xi32>
      %eq3A_1219 = arith.cmpi eq, %get3A_896, %eq3A_1218 : vector<64x128xi32>
      %jit3A_1220 = arith.constant 1.000000e+00 : f32
      %jit3A_1221 = arith.constant 0.000000e+00 : f32
      %broadcast_in_dim3A_1222 = vector.broadcast %jit3A_1220 : f32 to vector<64x128xf32>
      %broadcast_in_dim3A_1223 = vector.broadcast %jit3A_1221 : f32 to vector<64x128xf32>
      %select_n3A_1224 = arith.select %eq3A_1219, %broadcast_in_dim3A_1222, %broadcast_in_dim3A_1223 : vector<64x128xi1>, vector<64x128xf32>
      %reduce_sum3A_1225 = vector.shape_cast %select_n3A_1224 : vector<64x128xf32> to vector<1x64x128xf32>
      %reduce_sum3A_1226 = arith.constant dense<0.000000e+00> : vector<1xf32>
      %reduce_sum3A_1227 = vector.multi_reduction <add>, %reduce_sum3A_1225, %reduce_sum3A_1226 [1, 2] : vector<1x64x128xf32> to vector<1xf32>
      %reduce_sum3A_1228 = vector.shape_cast %reduce_sum3A_1227 : vector<1xf32> to vector<1x1x1xf32>
      %reduce_sum3A_1229 = vector.extract %reduce_sum3A_1228[0, 0, 0] : f32 from vector<1x1x1xf32>
      %get3A_1230 = arith.constant 16 : index
      %get3A_1231 = memref.load %arg6[%get3A_1230] : memref<65xf32, #tpu.memory_space<smem>>
      %add3A_1232 = arith.constant 1.000000e+00 : f32
      %add3A_1233 = arith.addf %add3A_1232, %reduce_sum3A_1229 : f32
      %mul3A_1234 = arith.mulf %get3A_1231, %add3A_1233 : f32
      %swap3A_1235 = arith.constant 16 : index
      %swap3A_1236 = memref.load %arg9[%swap3A_1235] : memref<65xf32, #tpu.memory_space<smem>>
      memref.store %mul3A_1234, %arg9[%swap3A_1235] : memref<65xf32, #tpu.memory_space<smem>>
      %eq3A_1237 = arith.constant 17 : i32
      %eq3A_1238 = vector.broadcast %eq3A_1237 : i32 to vector<64x128xi32>
      %eq3A_1239 = arith.cmpi eq, %get3A_896, %eq3A_1238 : vector<64x128xi32>
      %jit3A_1240 = arith.constant 1.000000e+00 : f32
      %jit3A_1241 = arith.constant 0.000000e+00 : f32
      %broadcast_in_dim3A_1242 = vector.broadcast %jit3A_1240 : f32 to vector<64x128xf32>
      %broadcast_in_dim3A_1243 = vector.broadcast %jit3A_1241 : f32 to vector<64x128xf32>
      %select_n3A_1244 = arith.select %eq3A_1239, %broadcast_in_dim3A_1242, %broadcast_in_dim3A_1243 : vector<64x128xi1>, vector<64x128xf32>
      %reduce_sum3A_1245 = vector.shape_cast %select_n3A_1244 : vector<64x128xf32> to vector<1x64x128xf32>
      %reduce_sum3A_1246 = arith.constant dense<0.000000e+00> : vector<1xf32>
      %reduce_sum3A_1247 = vector.multi_reduction <add>, %reduce_sum3A_1245, %reduce_sum3A_1246 [1, 2] : vector<1x64x128xf32> to vector<1xf32>
      %reduce_sum3A_1248 = vector.shape_cast %reduce_sum3A_1247 : vector<1xf32> to vector<1x1x1xf32>
      %reduce_sum3A_1249 = vector.extract %reduce_sum3A_1248[0, 0, 0] : f32 from vector<1x1x1xf32>
      %get3A_1250 = arith.constant 17 : index
      %get3A_1251 = memref.load %arg6[%get3A_1250] : memref<65xf32, #tpu.memory_space<smem>>
      %add3A_1252 = arith.constant 1.000000e+00 : f32
      %add3A_1253 = arith.addf %add3A_1252, %reduce_sum3A_1249 : f32
      %mul3A_1254 = arith.mulf %get3A_1251, %add3A_1253 : f32
      %swap3A_1255 = arith.constant 17 : index
      %swap3A_1256 = memref.load %arg9[%swap3A_1255] : memref<65xf32, #tpu.memory_space<smem>>
      memref.store %mul3A_1254, %arg9[%swap3A_1255] : memref<65xf32, #tpu.memory_space<smem>>
      %eq3A_1257 = arith.constant 18 : i32
      %eq3A_1258 = vector.broadcast %eq3A_1257 : i32 to vector<64x128xi32>
      %eq3A_1259 = arith.cmpi eq, %get3A_896, %eq3A_1258 : vector<64x128xi32>
      %jit3A_1260 = arith.constant 1.000000e+00 : f32
      %jit3A_1261 = arith.constant 0.000000e+00 : f32
      %broadcast_in_dim3A_1262 = vector.broadcast %jit3A_1260 : f32 to vector<64x128xf32>
      %broadcast_in_dim3A_1263 = vector.broadcast %jit3A_1261 : f32 to vector<64x128xf32>
      %select_n3A_1264 = arith.select %eq3A_1259, %broadcast_in_dim3A_1262, %broadcast_in_dim3A_1263 : vector<64x128xi1>, vector<64x128xf32>
      %reduce_sum3A_1265 = vector.shape_cast %select_n3A_1264 : vector<64x128xf32> to vector<1x64x128xf32>
      %reduce_sum3A_1266 = arith.constant dense<0.000000e+00> : vector<1xf32>
      %reduce_sum3A_1267 = vector.multi_reduction <add>, %reduce_sum3A_1265, %reduce_sum3A_1266 [1, 2] : vector<1x64x128xf32> to vector<1xf32>
      %reduce_sum3A_1268 = vector.shape_cast %reduce_sum3A_1267 : vector<1xf32> to vector<1x1x1xf32>
      %reduce_sum3A_1269 = vector.extract %reduce_sum3A_1268[0, 0, 0] : f32 from vector<1x1x1xf32>
      %get3A_1270 = arith.constant 18 : index
      %get3A_1271 = memref.load %arg6[%get3A_1270] : memref<65xf32, #tpu.memory_space<smem>>
      %add3A_1272 = arith.constant 1.000000e+00 : f32
      %add3A_1273 = arith.addf %add3A_1272, %reduce_sum3A_1269 : f32
      %mul3A_1274 = arith.mulf %get3A_1271, %add3A_1273 : f32
      %swap3A_1275 = arith.constant 18 : index
      %swap3A_1276 = memref.load %arg9[%swap3A_1275] : memref<65xf32, #tpu.memory_space<smem>>
      memref.store %mul3A_1274, %arg9[%swap3A_1275] : memref<65xf32, #tpu.memory_space<smem>>
      %eq3A_1277 = arith.constant 19 : i32
      %eq3A_1278 = vector.broadcast %eq3A_1277 : i32 to vector<64x128xi32>
      %eq3A_1279 = arith.cmpi eq, %get3A_896, %eq3A_1278 : vector<64x128xi32>
      %jit3A_1280 = arith.constant 1.000000e+00 : f32
      %jit3A_1281 = arith.constant 0.000000e+00 : f32
      %broadcast_in_dim3A_1282 = vector.broadcast %jit3A_1280 : f32 to vector<64x128xf32>
      %broadcast_in_dim3A_1283 = vector.broadcast %jit3A_1281 : f32 to vector<64x128xf32>
      %select_n3A_1284 = arith.select %eq3A_1279, %broadcast_in_dim3A_1282, %broadcast_in_dim3A_1283 : vector<64x128xi1>, vector<64x128xf32>
      %reduce_sum3A_1285 = vector.shape_cast %select_n3A_1284 : vector<64x128xf32> to vector<1x64x128xf32>
      %reduce_sum3A_1286 = arith.constant dense<0.000000e+00> : vector<1xf32>
      %reduce_sum3A_1287 = vector.multi_reduction <add>, %reduce_sum3A_1285, %reduce_sum3A_1286 [1, 2] : vector<1x64x128xf32> to vector<1xf32>
      %reduce_sum3A_1288 = vector.shape_cast %reduce_sum3A_1287 : vector<1xf32> to vector<1x1x1xf32>
      %reduce_sum3A_1289 = vector.extract %reduce_sum3A_1288[0, 0, 0] : f32 from vector<1x1x1xf32>
      %get3A_1290 = arith.constant 19 : index
      %get3A_1291 = memref.load %arg6[%get3A_1290] : memref<65xf32, #tpu.memory_space<smem>>
      %add3A_1292 = arith.constant 1.000000e+00 : f32
      %add3A_1293 = arith.addf %add3A_1292, %reduce_sum3A_1289 : f32
      %mul3A_1294 = arith.mulf %get3A_1291, %add3A_1293 : f32
      %swap3A_1295 = arith.constant 19 : index
      %swap3A_1296 = memref.load %arg9[%swap3A_1295] : memref<65xf32, #tpu.memory_space<smem>>
      memref.store %mul3A_1294, %arg9[%swap3A_1295] : memref<65xf32, #tpu.memory_space<smem>>
      %eq3A_1297 = arith.constant 20 : i32
      %eq3A_1298 = vector.broadcast %eq3A_1297 : i32 to vector<64x128xi32>
      %eq3A_1299 = arith.cmpi eq, %get3A_896, %eq3A_1298 : vector<64x128xi32>
      %jit3A_1300 = arith.constant 1.000000e+00 : f32
      %jit3A_1301 = arith.constant 0.000000e+00 : f32
      %broadcast_in_dim3A_1302 = vector.broadcast %jit3A_1300 : f32 to vector<64x128xf32>
      %broadcast_in_dim3A_1303 = vector.broadcast %jit3A_1301 : f32 to vector<64x128xf32>
      %select_n3A_1304 = arith.select %eq3A_1299, %broadcast_in_dim3A_1302, %broadcast_in_dim3A_1303 : vector<64x128xi1>, vector<64x128xf32>
      %reduce_sum3A_1305 = vector.shape_cast %select_n3A_1304 : vector<64x128xf32> to vector<1x64x128xf32>
      %reduce_sum3A_1306 = arith.constant dense<0.000000e+00> : vector<1xf32>
      %reduce_sum3A_1307 = vector.multi_reduction <add>, %reduce_sum3A_1305, %reduce_sum3A_1306 [1, 2] : vector<1x64x128xf32> to vector<1xf32>
      %reduce_sum3A_1308 = vector.shape_cast %reduce_sum3A_1307 : vector<1xf32> to vector<1x1x1xf32>
      %reduce_sum3A_1309 = vector.extract %reduce_sum3A_1308[0, 0, 0] : f32 from vector<1x1x1xf32>
      %get3A_1310 = arith.constant 20 : index
      %get3A_1311 = memref.load %arg6[%get3A_1310] : memref<65xf32, #tpu.memory_space<smem>>
      %add3A_1312 = arith.constant 1.000000e+00 : f32
      %add3A_1313 = arith.addf %add3A_1312, %reduce_sum3A_1309 : f32
      %mul3A_1314 = arith.mulf %get3A_1311, %add3A_1313 : f32
      %swap3A_1315 = arith.constant 20 : index
      %swap3A_1316 = memref.load %arg9[%swap3A_1315] : memref<65xf32, #tpu.memory_space<smem>>
      memref.store %mul3A_1314, %arg9[%swap3A_1315] : memref<65xf32, #tpu.memory_space<smem>>
      %eq3A_1317 = arith.constant 21 : i32
      %eq3A_1318 = vector.broadcast %eq3A_1317 : i32 to vector<64x128xi32>
      %eq3A_1319 = arith.cmpi eq, %get3A_896, %eq3A_1318 : vector<64x128xi32>
      %jit3A_1320 = arith.constant 1.000000e+00 : f32
      %jit3A_1321 = arith.constant 0.000000e+00 : f32
      %broadcast_in_dim3A_1322 = vector.broadcast %jit3A_1320 : f32 to vector<64x128xf32>
      %broadcast_in_dim3A_1323 = vector.broadcast %jit3A_1321 : f32 to vector<64x128xf32>
      %select_n3A_1324 = arith.select %eq3A_1319, %broadcast_in_dim3A_1322, %broadcast_in_dim3A_1323 : vector<64x128xi1>, vector<64x128xf32>
      %reduce_sum3A_1325 = vector.shape_cast %select_n3A_1324 : vector<64x128xf32> to vector<1x64x128xf32>
      %reduce_sum3A_1326 = arith.constant dense<0.000000e+00> : vector<1xf32>
      %reduce_sum3A_1327 = vector.multi_reduction <add>, %reduce_sum3A_1325, %reduce_sum3A_1326 [1, 2] : vector<1x64x128xf32> to vector<1xf32>
      %reduce_sum3A_1328 = vector.shape_cast %reduce_sum3A_1327 : vector<1xf32> to vector<1x1x1xf32>
      %reduce_sum3A_1329 = vector.extract %reduce_sum3A_1328[0, 0, 0] : f32 from vector<1x1x1xf32>
      %get3A_1330 = arith.constant 21 : index
      %get3A_1331 = memref.load %arg6[%get3A_1330] : memref<65xf32, #tpu.memory_space<smem>>
      %add3A_1332 = arith.constant 1.000000e+00 : f32
      %add3A_1333 = arith.addf %add3A_1332, %reduce_sum3A_1329 : f32
      %mul3A_1334 = arith.mulf %get3A_1331, %add3A_1333 : f32
      %swap3A_1335 = arith.constant 21 : index
      %swap3A_1336 = memref.load %arg9[%swap3A_1335] : memref<65xf32, #tpu.memory_space<smem>>
      memref.store %mul3A_1334, %arg9[%swap3A_1335] : memref<65xf32, #tpu.memory_space<smem>>
      %eq3A_1337 = arith.constant 22 : i32
      %eq3A_1338 = vector.broadcast %eq3A_1337 : i32 to vector<64x128xi32>
      %eq3A_1339 = arith.cmpi eq, %get3A_896, %eq3A_1338 : vector<64x128xi32>
      %jit3A_1340 = arith.constant 1.000000e+00 : f32
      %jit3A_1341 = arith.constant 0.000000e+00 : f32
      %broadcast_in_dim3A_1342 = vector.broadcast %jit3A_1340 : f32 to vector<64x128xf32>
      %broadcast_in_dim3A_1343 = vector.broadcast %jit3A_1341 : f32 to vector<64x128xf32>
      %select_n3A_1344 = arith.select %eq3A_1339, %broadcast_in_dim3A_1342, %broadcast_in_dim3A_1343 : vector<64x128xi1>, vector<64x128xf32>
      %reduce_sum3A_1345 = vector.shape_cast %select_n3A_1344 : vector<64x128xf32> to vector<1x64x128xf32>
      %reduce_sum3A_1346 = arith.constant dense<0.000000e+00> : vector<1xf32>
      %reduce_sum3A_1347 = vector.multi_reduction <add>, %reduce_sum3A_1345, %reduce_sum3A_1346 [1, 2] : vector<1x64x128xf32> to vector<1xf32>
      %reduce_sum3A_1348 = vector.shape_cast %reduce_sum3A_1347 : vector<1xf32> to vector<1x1x1xf32>
      %reduce_sum3A_1349 = vector.extract %reduce_sum3A_1348[0, 0, 0] : f32 from vector<1x1x1xf32>
      %get3A_1350 = arith.constant 22 : index
      %get3A_1351 = memref.load %arg6[%get3A_1350] : memref<65xf32, #tpu.memory_space<smem>>
      %add3A_1352 = arith.constant 1.000000e+00 : f32
      %add3A_1353 = arith.addf %add3A_1352, %reduce_sum3A_1349 : f32
      %mul3A_1354 = arith.mulf %get3A_1351, %add3A_1353 : f32
      %swap3A_1355 = arith.constant 22 : index
      %swap3A_1356 = memref.load %arg9[%swap3A_1355] : memref<65xf32, #tpu.memory_space<smem>>
      memref.store %mul3A_1354, %arg9[%swap3A_1355] : memref<65xf32, #tpu.memory_space<smem>>
      %eq3A_1357 = arith.constant 23 : i32
      %eq3A_1358 = vector.broadcast %eq3A_1357 : i32 to vector<64x128xi32>
      %eq3A_1359 = arith.cmpi eq, %get3A_896, %eq3A_1358 : vector<64x128xi32>
      %jit3A_1360 = arith.constant 1.000000e+00 : f32
      %jit3A_1361 = arith.constant 0.000000e+00 : f32
      %broadcast_in_dim3A_1362 = vector.broadcast %jit3A_1360 : f32 to vector<64x128xf32>
      %broadcast_in_dim3A_1363 = vector.broadcast %jit3A_1361 : f32 to vector<64x128xf32>
      %select_n3A_1364 = arith.select %eq3A_1359, %broadcast_in_dim3A_1362, %broadcast_in_dim3A_1363 : vector<64x128xi1>, vector<64x128xf32>
      %reduce_sum3A_1365 = vector.shape_cast %select_n3A_1364 : vector<64x128xf32> to vector<1x64x128xf32>
      %reduce_sum3A_1366 = arith.constant dense<0.000000e+00> : vector<1xf32>
      %reduce_sum3A_1367 = vector.multi_reduction <add>, %reduce_sum3A_1365, %reduce_sum3A_1366 [1, 2] : vector<1x64x128xf32> to vector<1xf32>
      %reduce_sum3A_1368 = vector.shape_cast %reduce_sum3A_1367 : vector<1xf32> to vector<1x1x1xf32>
      %reduce_sum3A_1369 = vector.extract %reduce_sum3A_1368[0, 0, 0] : f32 from vector<1x1x1xf32>
      %get3A_1370 = arith.constant 23 : index
      %get3A_1371 = memref.load %arg6[%get3A_1370] : memref<65xf32, #tpu.memory_space<smem>>
      %add3A_1372 = arith.constant 1.000000e+00 : f32
      %add3A_1373 = arith.addf %add3A_1372, %reduce_sum3A_1369 : f32
      %mul3A_1374 = arith.mulf %get3A_1371, %add3A_1373 : f32
      %swap3A_1375 = arith.constant 23 : index
      %swap3A_1376 = memref.load %arg9[%swap3A_1375] : memref<65xf32, #tpu.memory_space<smem>>
      memref.store %mul3A_1374, %arg9[%swap3A_1375] : memref<65xf32, #tpu.memory_space<smem>>
      %eq3A_1377 = arith.constant 24 : i32
      %eq3A_1378 = vector.broadcast %eq3A_1377 : i32 to vector<64x128xi32>
      %eq3A_1379 = arith.cmpi eq, %get3A_896, %eq3A_1378 : vector<64x128xi32>
      %jit3A_1380 = arith.constant 1.000000e+00 : f32
      %jit3A_1381 = arith.constant 0.000000e+00 : f32
      %broadcast_in_dim3A_1382 = vector.broadcast %jit3A_1380 : f32 to vector<64x128xf32>
      %broadcast_in_dim3A_1383 = vector.broadcast %jit3A_1381 : f32 to vector<64x128xf32>
      %select_n3A_1384 = arith.select %eq3A_1379, %broadcast_in_dim3A_1382, %broadcast_in_dim3A_1383 : vector<64x128xi1>, vector<64x128xf32>
      %reduce_sum3A_1385 = vector.shape_cast %select_n3A_1384 : vector<64x128xf32> to vector<1x64x128xf32>
      %reduce_sum3A_1386 = arith.constant dense<0.000000e+00> : vector<1xf32>
      %reduce_sum3A_1387 = vector.multi_reduction <add>, %reduce_sum3A_1385, %reduce_sum3A_1386 [1, 2] : vector<1x64x128xf32> to vector<1xf32>
      %reduce_sum3A_1388 = vector.shape_cast %reduce_sum3A_1387 : vector<1xf32> to vector<1x1x1xf32>
      %reduce_sum3A_1389 = vector.extract %reduce_sum3A_1388[0, 0, 0] : f32 from vector<1x1x1xf32>
      %get3A_1390 = arith.constant 24 : index
      %get3A_1391 = memref.load %arg6[%get3A_1390] : memref<65xf32, #tpu.memory_space<smem>>
      %add3A_1392 = arith.constant 1.000000e+00 : f32
      %add3A_1393 = arith.addf %add3A_1392, %reduce_sum3A_1389 : f32
      %mul3A_1394 = arith.mulf %get3A_1391, %add3A_1393 : f32
      %swap3A_1395 = arith.constant 24 : index
      %swap3A_1396 = memref.load %arg9[%swap3A_1395] : memref<65xf32, #tpu.memory_space<smem>>
      memref.store %mul3A_1394, %arg9[%swap3A_1395] : memref<65xf32, #tpu.memory_space<smem>>
      %eq3A_1397 = arith.constant 25 : i32
      %eq3A_1398 = vector.broadcast %eq3A_1397 : i32 to vector<64x128xi32>
      %eq3A_1399 = arith.cmpi eq, %get3A_896, %eq3A_1398 : vector<64x128xi32>
      %jit3A_1400 = arith.constant 1.000000e+00 : f32
      %jit3A_1401 = arith.constant 0.000000e+00 : f32
      %broadcast_in_dim3A_1402 = vector.broadcast %jit3A_1400 : f32 to vector<64x128xf32>
      %broadcast_in_dim3A_1403 = vector.broadcast %jit3A_1401 : f32 to vector<64x128xf32>
      %select_n3A_1404 = arith.select %eq3A_1399, %broadcast_in_dim3A_1402, %broadcast_in_dim3A_1403 : vector<64x128xi1>, vector<64x128xf32>
      %reduce_sum3A_1405 = vector.shape_cast %select_n3A_1404 : vector<64x128xf32> to vector<1x64x128xf32>
      %reduce_sum3A_1406 = arith.constant dense<0.000000e+00> : vector<1xf32>
      %reduce_sum3A_1407 = vector.multi_reduction <add>, %reduce_sum3A_1405, %reduce_sum3A_1406 [1, 2] : vector<1x64x128xf32> to vector<1xf32>
      %reduce_sum3A_1408 = vector.shape_cast %reduce_sum3A_1407 : vector<1xf32> to vector<1x1x1xf32>
      %reduce_sum3A_1409 = vector.extract %reduce_sum3A_1408[0, 0, 0] : f32 from vector<1x1x1xf32>
      %get3A_1410 = arith.constant 25 : index
      %get3A_1411 = memref.load %arg6[%get3A_1410] : memref<65xf32, #tpu.memory_space<smem>>
      %add3A_1412 = arith.constant 1.000000e+00 : f32
      %add3A_1413 = arith.addf %add3A_1412, %reduce_sum3A_1409 : f32
      %mul3A_1414 = arith.mulf %get3A_1411, %add3A_1413 : f32
      %swap3A_1415 = arith.constant 25 : index
      %swap3A_1416 = memref.load %arg9[%swap3A_1415] : memref<65xf32, #tpu.memory_space<smem>>
      memref.store %mul3A_1414, %arg9[%swap3A_1415] : memref<65xf32, #tpu.memory_space<smem>>
      %eq3A_1417 = arith.constant 26 : i32
      %eq3A_1418 = vector.broadcast %eq3A_1417 : i32 to vector<64x128xi32>
      %eq3A_1419 = arith.cmpi eq, %get3A_896, %eq3A_1418 : vector<64x128xi32>
      %jit3A_1420 = arith.constant 1.000000e+00 : f32
      %jit3A_1421 = arith.constant 0.000000e+00 : f32
      %broadcast_in_dim3A_1422 = vector.broadcast %jit3A_1420 : f32 to vector<64x128xf32>
      %broadcast_in_dim3A_1423 = vector.broadcast %jit3A_1421 : f32 to vector<64x128xf32>
      %select_n3A_1424 = arith.select %eq3A_1419, %broadcast_in_dim3A_1422, %broadcast_in_dim3A_1423 : vector<64x128xi1>, vector<64x128xf32>
      %reduce_sum3A_1425 = vector.shape_cast %select_n3A_1424 : vector<64x128xf32> to vector<1x64x128xf32>
      %reduce_sum3A_1426 = arith.constant dense<0.000000e+00> : vector<1xf32>
      %reduce_sum3A_1427 = vector.multi_reduction <add>, %reduce_sum3A_1425, %reduce_sum3A_1426 [1, 2] : vector<1x64x128xf32> to vector<1xf32>
      %reduce_sum3A_1428 = vector.shape_cast %reduce_sum3A_1427 : vector<1xf32> to vector<1x1x1xf32>
      %reduce_sum3A_1429 = vector.extract %reduce_sum3A_1428[0, 0, 0] : f32 from vector<1x1x1xf32>
      %get3A_1430 = arith.constant 26 : index
      %get3A_1431 = memref.load %arg6[%get3A_1430] : memref<65xf32, #tpu.memory_space<smem>>
      %add3A_1432 = arith.constant 1.000000e+00 : f32
      %add3A_1433 = arith.addf %add3A_1432, %reduce_sum3A_1429 : f32
      %mul3A_1434 = arith.mulf %get3A_1431, %add3A_1433 : f32
      %swap3A_1435 = arith.constant 26 : index
      %swap3A_1436 = memref.load %arg9[%swap3A_1435] : memref<65xf32, #tpu.memory_space<smem>>
      memref.store %mul3A_1434, %arg9[%swap3A_1435] : memref<65xf32, #tpu.memory_space<smem>>
      %eq3A_1437 = arith.constant 27 : i32
      %eq3A_1438 = vector.broadcast %eq3A_1437 : i32 to vector<64x128xi32>
      %eq3A_1439 = arith.cmpi eq, %get3A_896, %eq3A_1438 : vector<64x128xi32>
      %jit3A_1440 = arith.constant 1.000000e+00 : f32
      %jit3A_1441 = arith.constant 0.000000e+00 : f32
      %broadcast_in_dim3A_1442 = vector.broadcast %jit3A_1440 : f32 to vector<64x128xf32>
      %broadcast_in_dim3A_1443 = vector.broadcast %jit3A_1441 : f32 to vector<64x128xf32>
      %select_n3A_1444 = arith.select %eq3A_1439, %broadcast_in_dim3A_1442, %broadcast_in_dim3A_1443 : vector<64x128xi1>, vector<64x128xf32>
      %reduce_sum3A_1445 = vector.shape_cast %select_n3A_1444 : vector<64x128xf32> to vector<1x64x128xf32>
      %reduce_sum3A_1446 = arith.constant dense<0.000000e+00> : vector<1xf32>
      %reduce_sum3A_1447 = vector.multi_reduction <add>, %reduce_sum3A_1445, %reduce_sum3A_1446 [1, 2] : vector<1x64x128xf32> to vector<1xf32>
      %reduce_sum3A_1448 = vector.shape_cast %reduce_sum3A_1447 : vector<1xf32> to vector<1x1x1xf32>
      %reduce_sum3A_1449 = vector.extract %reduce_sum3A_1448[0, 0, 0] : f32 from vector<1x1x1xf32>
      %get3A_1450 = arith.constant 27 : index
      %get3A_1451 = memref.load %arg6[%get3A_1450] : memref<65xf32, #tpu.memory_space<smem>>
      %add3A_1452 = arith.constant 1.000000e+00 : f32
      %add3A_1453 = arith.addf %add3A_1452, %reduce_sum3A_1449 : f32
      %mul3A_1454 = arith.mulf %get3A_1451, %add3A_1453 : f32
      %swap3A_1455 = arith.constant 27 : index
      %swap3A_1456 = memref.load %arg9[%swap3A_1455] : memref<65xf32, #tpu.memory_space<smem>>
      memref.store %mul3A_1454, %arg9[%swap3A_1455] : memref<65xf32, #tpu.memory_space<smem>>
      %eq3A_1457 = arith.constant 28 : i32
      %eq3A_1458 = vector.broadcast %eq3A_1457 : i32 to vector<64x128xi32>
      %eq3A_1459 = arith.cmpi eq, %get3A_896, %eq3A_1458 : vector<64x128xi32>
      %jit3A_1460 = arith.constant 1.000000e+00 : f32
      %jit3A_1461 = arith.constant 0.000000e+00 : f32
      %broadcast_in_dim3A_1462 = vector.broadcast %jit3A_1460 : f32 to vector<64x128xf32>
      %broadcast_in_dim3A_1463 = vector.broadcast %jit3A_1461 : f32 to vector<64x128xf32>
      %select_n3A_1464 = arith.select %eq3A_1459, %broadcast_in_dim3A_1462, %broadcast_in_dim3A_1463 : vector<64x128xi1>, vector<64x128xf32>
      %reduce_sum3A_1465 = vector.shape_cast %select_n3A_1464 : vector<64x128xf32> to vector<1x64x128xf32>
      %reduce_sum3A_1466 = arith.constant dense<0.000000e+00> : vector<1xf32>
      %reduce_sum3A_1467 = vector.multi_reduction <add>, %reduce_sum3A_1465, %reduce_sum3A_1466 [1, 2] : vector<1x64x128xf32> to vector<1xf32>
      %reduce_sum3A_1468 = vector.shape_cast %reduce_sum3A_1467 : vector<1xf32> to vector<1x1x1xf32>
      %reduce_sum3A_1469 = vector.extract %reduce_sum3A_1468[0, 0, 0] : f32 from vector<1x1x1xf32>
      %get3A_1470 = arith.constant 28 : index
      %get3A_1471 = memref.load %arg6[%get3A_1470] : memref<65xf32, #tpu.memory_space<smem>>
      %add3A_1472 = arith.constant 1.000000e+00 : f32
      %add3A_1473 = arith.addf %add3A_1472, %reduce_sum3A_1469 : f32
      %mul3A_1474 = arith.mulf %get3A_1471, %add3A_1473 : f32
      %swap3A_1475 = arith.constant 28 : index
      %swap3A_1476 = memref.load %arg9[%swap3A_1475] : memref<65xf32, #tpu.memory_space<smem>>
      memref.store %mul3A_1474, %arg9[%swap3A_1475] : memref<65xf32, #tpu.memory_space<smem>>
      %eq3A_1477 = arith.constant 29 : i32
      %eq3A_1478 = vector.broadcast %eq3A_1477 : i32 to vector<64x128xi32>
      %eq3A_1479 = arith.cmpi eq, %get3A_896, %eq3A_1478 : vector<64x128xi32>
      %jit3A_1480 = arith.constant 1.000000e+00 : f32
      %jit3A_1481 = arith.constant 0.000000e+00 : f32
      %broadcast_in_dim3A_1482 = vector.broadcast %jit3A_1480 : f32 to vector<64x128xf32>
      %broadcast_in_dim3A_1483 = vector.broadcast %jit3A_1481 : f32 to vector<64x128xf32>
      %select_n3A_1484 = arith.select %eq3A_1479, %broadcast_in_dim3A_1482, %broadcast_in_dim3A_1483 : vector<64x128xi1>, vector<64x128xf32>
      %reduce_sum3A_1485 = vector.shape_cast %select_n3A_1484 : vector<64x128xf32> to vector<1x64x128xf32>
      %reduce_sum3A_1486 = arith.constant dense<0.000000e+00> : vector<1xf32>
      %reduce_sum3A_1487 = vector.multi_reduction <add>, %reduce_sum3A_1485, %reduce_sum3A_1486 [1, 2] : vector<1x64x128xf32> to vector<1xf32>
      %reduce_sum3A_1488 = vector.shape_cast %reduce_sum3A_1487 : vector<1xf32> to vector<1x1x1xf32>
      %reduce_sum3A_1489 = vector.extract %reduce_sum3A_1488[0, 0, 0] : f32 from vector<1x1x1xf32>
      %get3A_1490 = arith.constant 29 : index
      %get3A_1491 = memref.load %arg6[%get3A_1490] : memref<65xf32, #tpu.memory_space<smem>>
      %add3A_1492 = arith.constant 1.000000e+00 : f32
      %add3A_1493 = arith.addf %add3A_1492, %reduce_sum3A_1489 : f32
      %mul3A_1494 = arith.mulf %get3A_1491, %add3A_1493 : f32
      %swap3A_1495 = arith.constant 29 : index
      %swap3A_1496 = memref.load %arg9[%swap3A_1495] : memref<65xf32, #tpu.memory_space<smem>>
      memref.store %mul3A_1494, %arg9[%swap3A_1495] : memref<65xf32, #tpu.memory_space<smem>>
      %eq3A_1497 = arith.constant 30 : i32
      %eq3A_1498 = vector.broadcast %eq3A_1497 : i32 to vector<64x128xi32>
      %eq3A_1499 = arith.cmpi eq, %get3A_896, %eq3A_1498 : vector<64x128xi32>
      %jit3A_1500 = arith.constant 1.000000e+00 : f32
      %jit3A_1501 = arith.constant 0.000000e+00 : f32
      %broadcast_in_dim3A_1502 = vector.broadcast %jit3A_1500 : f32 to vector<64x128xf32>
      %broadcast_in_dim3A_1503 = vector.broadcast %jit3A_1501 : f32 to vector<64x128xf32>
      %select_n3A_1504 = arith.select %eq3A_1499, %broadcast_in_dim3A_1502, %broadcast_in_dim3A_1503 : vector<64x128xi1>, vector<64x128xf32>
      %reduce_sum3A_1505 = vector.shape_cast %select_n3A_1504 : vector<64x128xf32> to vector<1x64x128xf32>
      %reduce_sum3A_1506 = arith.constant dense<0.000000e+00> : vector<1xf32>
      %reduce_sum3A_1507 = vector.multi_reduction <add>, %reduce_sum3A_1505, %reduce_sum3A_1506 [1, 2] : vector<1x64x128xf32> to vector<1xf32>
      %reduce_sum3A_1508 = vector.shape_cast %reduce_sum3A_1507 : vector<1xf32> to vector<1x1x1xf32>
      %reduce_sum3A_1509 = vector.extract %reduce_sum3A_1508[0, 0, 0] : f32 from vector<1x1x1xf32>
      %get3A_1510 = arith.constant 30 : index
      %get3A_1511 = memref.load %arg6[%get3A_1510] : memref<65xf32, #tpu.memory_space<smem>>
      %add3A_1512 = arith.constant 1.000000e+00 : f32
      %add3A_1513 = arith.addf %add3A_1512, %reduce_sum3A_1509 : f32
      %mul3A_1514 = arith.mulf %get3A_1511, %add3A_1513 : f32
      %swap3A_1515 = arith.constant 30 : index
      %swap3A_1516 = memref.load %arg9[%swap3A_1515] : memref<65xf32, #tpu.memory_space<smem>>
      memref.store %mul3A_1514, %arg9[%swap3A_1515] : memref<65xf32, #tpu.memory_space<smem>>
      %eq3A_1517 = arith.constant 31 : i32
      %eq3A_1518 = vector.broadcast %eq3A_1517 : i32 to vector<64x128xi32>
      %eq3A_1519 = arith.cmpi eq, %get3A_896, %eq3A_1518 : vector<64x128xi32>
      %jit3A_1520 = arith.constant 1.000000e+00 : f32
      %jit3A_1521 = arith.constant 0.000000e+00 : f32
      %broadcast_in_dim3A_1522 = vector.broadcast %jit3A_1520 : f32 to vector<64x128xf32>
      %broadcast_in_dim3A_1523 = vector.broadcast %jit3A_1521 : f32 to vector<64x128xf32>
      %select_n3A_1524 = arith.select %eq3A_1519, %broadcast_in_dim3A_1522, %broadcast_in_dim3A_1523 : vector<64x128xi1>, vector<64x128xf32>
      %reduce_sum3A_1525 = vector.shape_cast %select_n3A_1524 : vector<64x128xf32> to vector<1x64x128xf32>
      %reduce_sum3A_1526 = arith.constant dense<0.000000e+00> : vector<1xf32>
      %reduce_sum3A_1527 = vector.multi_reduction <add>, %reduce_sum3A_1525, %reduce_sum3A_1526 [1, 2] : vector<1x64x128xf32> to vector<1xf32>
      %reduce_sum3A_1528 = vector.shape_cast %reduce_sum3A_1527 : vector<1xf32> to vector<1x1x1xf32>
      %reduce_sum3A_1529 = vector.extract %reduce_sum3A_1528[0, 0, 0] : f32 from vector<1x1x1xf32>
      %get3A_1530 = arith.constant 31 : index
      %get3A_1531 = memref.load %arg6[%get3A_1530] : memref<65xf32, #tpu.memory_space<smem>>
      %add3A_1532 = arith.constant 1.000000e+00 : f32
      %add3A_1533 = arith.addf %add3A_1532, %reduce_sum3A_1529 : f32
      %mul3A_1534 = arith.mulf %get3A_1531, %add3A_1533 : f32
      %swap3A_1535 = arith.constant 31 : index
      %swap3A_1536 = memref.load %arg9[%swap3A_1535] : memref<65xf32, #tpu.memory_space<smem>>
      memref.store %mul3A_1534, %arg9[%swap3A_1535] : memref<65xf32, #tpu.memory_space<smem>>
      %eq3A_1537 = arith.constant 32 : i32
      %eq3A_1538 = vector.broadcast %eq3A_1537 : i32 to vector<64x128xi32>
      %eq3A_1539 = arith.cmpi eq, %get3A_896, %eq3A_1538 : vector<64x128xi32>
      %jit3A_1540 = arith.constant 1.000000e+00 : f32
      %jit3A_1541 = arith.constant 0.000000e+00 : f32
      %broadcast_in_dim3A_1542 = vector.broadcast %jit3A_1540 : f32 to vector<64x128xf32>
      %broadcast_in_dim3A_1543 = vector.broadcast %jit3A_1541 : f32 to vector<64x128xf32>
      %select_n3A_1544 = arith.select %eq3A_1539, %broadcast_in_dim3A_1542, %broadcast_in_dim3A_1543 : vector<64x128xi1>, vector<64x128xf32>
      %reduce_sum3A_1545 = vector.shape_cast %select_n3A_1544 : vector<64x128xf32> to vector<1x64x128xf32>
      %reduce_sum3A_1546 = arith.constant dense<0.000000e+00> : vector<1xf32>
      %reduce_sum3A_1547 = vector.multi_reduction <add>, %reduce_sum3A_1545, %reduce_sum3A_1546 [1, 2] : vector<1x64x128xf32> to vector<1xf32>
      %reduce_sum3A_1548 = vector.shape_cast %reduce_sum3A_1547 : vector<1xf32> to vector<1x1x1xf32>
      %reduce_sum3A_1549 = vector.extract %reduce_sum3A_1548[0, 0, 0] : f32 from vector<1x1x1xf32>
      %get3A_1550 = arith.constant 32 : index
      %get3A_1551 = memref.load %arg6[%get3A_1550] : memref<65xf32, #tpu.memory_space<smem>>
      %add3A_1552 = arith.constant 1.000000e+00 : f32
      %add3A_1553 = arith.addf %add3A_1552, %reduce_sum3A_1549 : f32
      %mul3A_1554 = arith.mulf %get3A_1551, %add3A_1553 : f32
      %swap3A_1555 = arith.constant 32 : index
      %swap3A_1556 = memref.load %arg9[%swap3A_1555] : memref<65xf32, #tpu.memory_space<smem>>
      memref.store %mul3A_1554, %arg9[%swap3A_1555] : memref<65xf32, #tpu.memory_space<smem>>
      %eq3A_1557 = arith.constant 33 : i32
      %eq3A_1558 = vector.broadcast %eq3A_1557 : i32 to vector<64x128xi32>
      %eq3A_1559 = arith.cmpi eq, %get3A_896, %eq3A_1558 : vector<64x128xi32>
      %jit3A_1560 = arith.constant 1.000000e+00 : f32
      %jit3A_1561 = arith.constant 0.000000e+00 : f32
      %broadcast_in_dim3A_1562 = vector.broadcast %jit3A_1560 : f32 to vector<64x128xf32>
      %broadcast_in_dim3A_1563 = vector.broadcast %jit3A_1561 : f32 to vector<64x128xf32>
      %select_n3A_1564 = arith.select %eq3A_1559, %broadcast_in_dim3A_1562, %broadcast_in_dim3A_1563 : vector<64x128xi1>, vector<64x128xf32>
      %reduce_sum3A_1565 = vector.shape_cast %select_n3A_1564 : vector<64x128xf32> to vector<1x64x128xf32>
      %reduce_sum3A_1566 = arith.constant dense<0.000000e+00> : vector<1xf32>
      %reduce_sum3A_1567 = vector.multi_reduction <add>, %reduce_sum3A_1565, %reduce_sum3A_1566 [1, 2] : vector<1x64x128xf32> to vector<1xf32>
      %reduce_sum3A_1568 = vector.shape_cast %reduce_sum3A_1567 : vector<1xf32> to vector<1x1x1xf32>
      %reduce_sum3A_1569 = vector.extract %reduce_sum3A_1568[0, 0, 0] : f32 from vector<1x1x1xf32>
      %get3A_1570 = arith.constant 33 : index
      %get3A_1571 = memref.load %arg6[%get3A_1570] : memref<65xf32, #tpu.memory_space<smem>>
      %add3A_1572 = arith.constant 1.000000e+00 : f32
      %add3A_1573 = arith.addf %add3A_1572, %reduce_sum3A_1569 : f32
      %mul3A_1574 = arith.mulf %get3A_1571, %add3A_1573 : f32
      %swap3A_1575 = arith.constant 33 : index
      %swap3A_1576 = memref.load %arg9[%swap3A_1575] : memref<65xf32, #tpu.memory_space<smem>>
      memref.store %mul3A_1574, %arg9[%swap3A_1575] : memref<65xf32, #tpu.memory_space<smem>>
      %eq3A_1577 = arith.constant 34 : i32
      %eq3A_1578 = vector.broadcast %eq3A_1577 : i32 to vector<64x128xi32>
      %eq3A_1579 = arith.cmpi eq, %get3A_896, %eq3A_1578 : vector<64x128xi32>
      %jit3A_1580 = arith.constant 1.000000e+00 : f32
      %jit3A_1581 = arith.constant 0.000000e+00 : f32
      %broadcast_in_dim3A_1582 = vector.broadcast %jit3A_1580 : f32 to vector<64x128xf32>
      %broadcast_in_dim3A_1583 = vector.broadcast %jit3A_1581 : f32 to vector<64x128xf32>
      %select_n3A_1584 = arith.select %eq3A_1579, %broadcast_in_dim3A_1582, %broadcast_in_dim3A_1583 : vector<64x128xi1>, vector<64x128xf32>
      %reduce_sum3A_1585 = vector.shape_cast %select_n3A_1584 : vector<64x128xf32> to vector<1x64x128xf32>
      %reduce_sum3A_1586 = arith.constant dense<0.000000e+00> : vector<1xf32>
      %reduce_sum3A_1587 = vector.multi_reduction <add>, %reduce_sum3A_1585, %reduce_sum3A_1586 [1, 2] : vector<1x64x128xf32> to vector<1xf32>
      %reduce_sum3A_1588 = vector.shape_cast %reduce_sum3A_1587 : vector<1xf32> to vector<1x1x1xf32>
      %reduce_sum3A_1589 = vector.extract %reduce_sum3A_1588[0, 0, 0] : f32 from vector<1x1x1xf32>
      %get3A_1590 = arith.constant 34 : index
      %get3A_1591 = memref.load %arg6[%get3A_1590] : memref<65xf32, #tpu.memory_space<smem>>
      %add3A_1592 = arith.constant 1.000000e+00 : f32
      %add3A_1593 = arith.addf %add3A_1592, %reduce_sum3A_1589 : f32
      %mul3A_1594 = arith.mulf %get3A_1591, %add3A_1593 : f32
      %swap3A_1595 = arith.constant 34 : index
      %swap3A_1596 = memref.load %arg9[%swap3A_1595] : memref<65xf32, #tpu.memory_space<smem>>
      memref.store %mul3A_1594, %arg9[%swap3A_1595] : memref<65xf32, #tpu.memory_space<smem>>
      %eq3A_1597 = arith.constant 35 : i32
      %eq3A_1598 = vector.broadcast %eq3A_1597 : i32 to vector<64x128xi32>
      %eq3A_1599 = arith.cmpi eq, %get3A_896, %eq3A_1598 : vector<64x128xi32>
      %jit3A_1600 = arith.constant 1.000000e+00 : f32
      %jit3A_1601 = arith.constant 0.000000e+00 : f32
      %broadcast_in_dim3A_1602 = vector.broadcast %jit3A_1600 : f32 to vector<64x128xf32>
      %broadcast_in_dim3A_1603 = vector.broadcast %jit3A_1601 : f32 to vector<64x128xf32>
      %select_n3A_1604 = arith.select %eq3A_1599, %broadcast_in_dim3A_1602, %broadcast_in_dim3A_1603 : vector<64x128xi1>, vector<64x128xf32>
      %reduce_sum3A_1605 = vector.shape_cast %select_n3A_1604 : vector<64x128xf32> to vector<1x64x128xf32>
      %reduce_sum3A_1606 = arith.constant dense<0.000000e+00> : vector<1xf32>
      %reduce_sum3A_1607 = vector.multi_reduction <add>, %reduce_sum3A_1605, %reduce_sum3A_1606 [1, 2] : vector<1x64x128xf32> to vector<1xf32>
      %reduce_sum3A_1608 = vector.shape_cast %reduce_sum3A_1607 : vector<1xf32> to vector<1x1x1xf32>
      %reduce_sum3A_1609 = vector.extract %reduce_sum3A_1608[0, 0, 0] : f32 from vector<1x1x1xf32>
      %get3A_1610 = arith.constant 35 : index
      %get3A_1611 = memref.load %arg6[%get3A_1610] : memref<65xf32, #tpu.memory_space<smem>>
      %add3A_1612 = arith.constant 1.000000e+00 : f32
      %add3A_1613 = arith.addf %add3A_1612, %reduce_sum3A_1609 : f32
      %mul3A_1614 = arith.mulf %get3A_1611, %add3A_1613 : f32
      %swap3A_1615 = arith.constant 35 : index
      %swap3A_1616 = memref.load %arg9[%swap3A_1615] : memref<65xf32, #tpu.memory_space<smem>>
      memref.store %mul3A_1614, %arg9[%swap3A_1615] : memref<65xf32, #tpu.memory_space<smem>>
      %eq3A_1617 = arith.constant 36 : i32
      %eq3A_1618 = vector.broadcast %eq3A_1617 : i32 to vector<64x128xi32>
      %eq3A_1619 = arith.cmpi eq, %get3A_896, %eq3A_1618 : vector<64x128xi32>
      %jit3A_1620 = arith.constant 1.000000e+00 : f32
      %jit3A_1621 = arith.constant 0.000000e+00 : f32
      %broadcast_in_dim3A_1622 = vector.broadcast %jit3A_1620 : f32 to vector<64x128xf32>
      %broadcast_in_dim3A_1623 = vector.broadcast %jit3A_1621 : f32 to vector<64x128xf32>
      %select_n3A_1624 = arith.select %eq3A_1619, %broadcast_in_dim3A_1622, %broadcast_in_dim3A_1623 : vector<64x128xi1>, vector<64x128xf32>
      %reduce_sum3A_1625 = vector.shape_cast %select_n3A_1624 : vector<64x128xf32> to vector<1x64x128xf32>
      %reduce_sum3A_1626 = arith.constant dense<0.000000e+00> : vector<1xf32>
      %reduce_sum3A_1627 = vector.multi_reduction <add>, %reduce_sum3A_1625, %reduce_sum3A_1626 [1, 2] : vector<1x64x128xf32> to vector<1xf32>
      %reduce_sum3A_1628 = vector.shape_cast %reduce_sum3A_1627 : vector<1xf32> to vector<1x1x1xf32>
      %reduce_sum3A_1629 = vector.extract %reduce_sum3A_1628[0, 0, 0] : f32 from vector<1x1x1xf32>
      %get3A_1630 = arith.constant 36 : index
      %get3A_1631 = memref.load %arg6[%get3A_1630] : memref<65xf32, #tpu.memory_space<smem>>
      %add3A_1632 = arith.constant 1.000000e+00 : f32
      %add3A_1633 = arith.addf %add3A_1632, %reduce_sum3A_1629 : f32
      %mul3A_1634 = arith.mulf %get3A_1631, %add3A_1633 : f32
      %swap3A_1635 = arith.constant 36 : index
      %swap3A_1636 = memref.load %arg9[%swap3A_1635] : memref<65xf32, #tpu.memory_space<smem>>
      memref.store %mul3A_1634, %arg9[%swap3A_1635] : memref<65xf32, #tpu.memory_space<smem>>
      %eq3A_1637 = arith.constant 37 : i32
      %eq3A_1638 = vector.broadcast %eq3A_1637 : i32 to vector<64x128xi32>
      %eq3A_1639 = arith.cmpi eq, %get3A_896, %eq3A_1638 : vector<64x128xi32>
      %jit3A_1640 = arith.constant 1.000000e+00 : f32
      %jit3A_1641 = arith.constant 0.000000e+00 : f32
      %broadcast_in_dim3A_1642 = vector.broadcast %jit3A_1640 : f32 to vector<64x128xf32>
      %broadcast_in_dim3A_1643 = vector.broadcast %jit3A_1641 : f32 to vector<64x128xf32>
      %select_n3A_1644 = arith.select %eq3A_1639, %broadcast_in_dim3A_1642, %broadcast_in_dim3A_1643 : vector<64x128xi1>, vector<64x128xf32>
      %reduce_sum3A_1645 = vector.shape_cast %select_n3A_1644 : vector<64x128xf32> to vector<1x64x128xf32>
      %reduce_sum3A_1646 = arith.constant dense<0.000000e+00> : vector<1xf32>
      %reduce_sum3A_1647 = vector.multi_reduction <add>, %reduce_sum3A_1645, %reduce_sum3A_1646 [1, 2] : vector<1x64x128xf32> to vector<1xf32>
      %reduce_sum3A_1648 = vector.shape_cast %reduce_sum3A_1647 : vector<1xf32> to vector<1x1x1xf32>
      %reduce_sum3A_1649 = vector.extract %reduce_sum3A_1648[0, 0, 0] : f32 from vector<1x1x1xf32>
      %get3A_1650 = arith.constant 37 : index
      %get3A_1651 = memref.load %arg6[%get3A_1650] : memref<65xf32, #tpu.memory_space<smem>>
      %add3A_1652 = arith.constant 1.000000e+00 : f32
      %add3A_1653 = arith.addf %add3A_1652, %reduce_sum3A_1649 : f32
      %mul3A_1654 = arith.mulf %get3A_1651, %add3A_1653 : f32
      %swap3A_1655 = arith.constant 37 : index
      %swap3A_1656 = memref.load %arg9[%swap3A_1655] : memref<65xf32, #tpu.memory_space<smem>>
      memref.store %mul3A_1654, %arg9[%swap3A_1655] : memref<65xf32, #tpu.memory_space<smem>>
      %eq3A_1657 = arith.constant 38 : i32
      %eq3A_1658 = vector.broadcast %eq3A_1657 : i32 to vector<64x128xi32>
      %eq3A_1659 = arith.cmpi eq, %get3A_896, %eq3A_1658 : vector<64x128xi32>
      %jit3A_1660 = arith.constant 1.000000e+00 : f32
      %jit3A_1661 = arith.constant 0.000000e+00 : f32
      %broadcast_in_dim3A_1662 = vector.broadcast %jit3A_1660 : f32 to vector<64x128xf32>
      %broadcast_in_dim3A_1663 = vector.broadcast %jit3A_1661 : f32 to vector<64x128xf32>
      %select_n3A_1664 = arith.select %eq3A_1659, %broadcast_in_dim3A_1662, %broadcast_in_dim3A_1663 : vector<64x128xi1>, vector<64x128xf32>
      %reduce_sum3A_1665 = vector.shape_cast %select_n3A_1664 : vector<64x128xf32> to vector<1x64x128xf32>
      %reduce_sum3A_1666 = arith.constant dense<0.000000e+00> : vector<1xf32>
      %reduce_sum3A_1667 = vector.multi_reduction <add>, %reduce_sum3A_1665, %reduce_sum3A_1666 [1, 2] : vector<1x64x128xf32> to vector<1xf32>
      %reduce_sum3A_1668 = vector.shape_cast %reduce_sum3A_1667 : vector<1xf32> to vector<1x1x1xf32>
      %reduce_sum3A_1669 = vector.extract %reduce_sum3A_1668[0, 0, 0] : f32 from vector<1x1x1xf32>
      %get3A_1670 = arith.constant 38 : index
      %get3A_1671 = memref.load %arg6[%get3A_1670] : memref<65xf32, #tpu.memory_space<smem>>
      %add3A_1672 = arith.constant 1.000000e+00 : f32
      %add3A_1673 = arith.addf %add3A_1672, %reduce_sum3A_1669 : f32
      %mul3A_1674 = arith.mulf %get3A_1671, %add3A_1673 : f32
      %swap3A_1675 = arith.constant 38 : index
      %swap3A_1676 = memref.load %arg9[%swap3A_1675] : memref<65xf32, #tpu.memory_space<smem>>
      memref.store %mul3A_1674, %arg9[%swap3A_1675] : memref<65xf32, #tpu.memory_space<smem>>
      %eq3A_1677 = arith.constant 39 : i32
      %eq3A_1678 = vector.broadcast %eq3A_1677 : i32 to vector<64x128xi32>
      %eq3A_1679 = arith.cmpi eq, %get3A_896, %eq3A_1678 : vector<64x128xi32>
      %jit3A_1680 = arith.constant 1.000000e+00 : f32
      %jit3A_1681 = arith.constant 0.000000e+00 : f32
      %broadcast_in_dim3A_1682 = vector.broadcast %jit3A_1680 : f32 to vector<64x128xf32>
      %broadcast_in_dim3A_1683 = vector.broadcast %jit3A_1681 : f32 to vector<64x128xf32>
      %select_n3A_1684 = arith.select %eq3A_1679, %broadcast_in_dim3A_1682, %broadcast_in_dim3A_1683 : vector<64x128xi1>, vector<64x128xf32>
      %reduce_sum3A_1685 = vector.shape_cast %select_n3A_1684 : vector<64x128xf32> to vector<1x64x128xf32>
      %reduce_sum3A_1686 = arith.constant dense<0.000000e+00> : vector<1xf32>
      %reduce_sum3A_1687 = vector.multi_reduction <add>, %reduce_sum3A_1685, %reduce_sum3A_1686 [1, 2] : vector<1x64x128xf32> to vector<1xf32>
      %reduce_sum3A_1688 = vector.shape_cast %reduce_sum3A_1687 : vector<1xf32> to vector<1x1x1xf32>
      %reduce_sum3A_1689 = vector.extract %reduce_sum3A_1688[0, 0, 0] : f32 from vector<1x1x1xf32>
      %get3A_1690 = arith.constant 39 : index
      %get3A_1691 = memref.load %arg6[%get3A_1690] : memref<65xf32, #tpu.memory_space<smem>>
      %add3A_1692 = arith.constant 1.000000e+00 : f32
      %add3A_1693 = arith.addf %add3A_1692, %reduce_sum3A_1689 : f32
      %mul3A_1694 = arith.mulf %get3A_1691, %add3A_1693 : f32
      %swap3A_1695 = arith.constant 39 : index
      %swap3A_1696 = memref.load %arg9[%swap3A_1695] : memref<65xf32, #tpu.memory_space<smem>>
      memref.store %mul3A_1694, %arg9[%swap3A_1695] : memref<65xf32, #tpu.memory_space<smem>>
      %eq3A_1697 = arith.constant 40 : i32
      %eq3A_1698 = vector.broadcast %eq3A_1697 : i32 to vector<64x128xi32>
      %eq3A_1699 = arith.cmpi eq, %get3A_896, %eq3A_1698 : vector<64x128xi32>
      %jit3A_1700 = arith.constant 1.000000e+00 : f32
      %jit3A_1701 = arith.constant 0.000000e+00 : f32
      %broadcast_in_dim3A_1702 = vector.broadcast %jit3A_1700 : f32 to vector<64x128xf32>
      %broadcast_in_dim3A_1703 = vector.broadcast %jit3A_1701 : f32 to vector<64x128xf32>
      %select_n3A_1704 = arith.select %eq3A_1699, %broadcast_in_dim3A_1702, %broadcast_in_dim3A_1703 : vector<64x128xi1>, vector<64x128xf32>
      %reduce_sum3A_1705 = vector.shape_cast %select_n3A_1704 : vector<64x128xf32> to vector<1x64x128xf32>
      %reduce_sum3A_1706 = arith.constant dense<0.000000e+00> : vector<1xf32>
      %reduce_sum3A_1707 = vector.multi_reduction <add>, %reduce_sum3A_1705, %reduce_sum3A_1706 [1, 2] : vector<1x64x128xf32> to vector<1xf32>
      %reduce_sum3A_1708 = vector.shape_cast %reduce_sum3A_1707 : vector<1xf32> to vector<1x1x1xf32>
      %reduce_sum3A_1709 = vector.extract %reduce_sum3A_1708[0, 0, 0] : f32 from vector<1x1x1xf32>
      %get3A_1710 = arith.constant 40 : index
      %get3A_1711 = memref.load %arg6[%get3A_1710] : memref<65xf32, #tpu.memory_space<smem>>
      %add3A_1712 = arith.constant 1.000000e+00 : f32
      %add3A_1713 = arith.addf %add3A_1712, %reduce_sum3A_1709 : f32
      %mul3A_1714 = arith.mulf %get3A_1711, %add3A_1713 : f32
      %swap3A_1715 = arith.constant 40 : index
      %swap3A_1716 = memref.load %arg9[%swap3A_1715] : memref<65xf32, #tpu.memory_space<smem>>
      memref.store %mul3A_1714, %arg9[%swap3A_1715] : memref<65xf32, #tpu.memory_space<smem>>
      %eq3A_1717 = arith.constant 41 : i32
      %eq3A_1718 = vector.broadcast %eq3A_1717 : i32 to vector<64x128xi32>
      %eq3A_1719 = arith.cmpi eq, %get3A_896, %eq3A_1718 : vector<64x128xi32>
      %jit3A_1720 = arith.constant 1.000000e+00 : f32
      %jit3A_1721 = arith.constant 0.000000e+00 : f32
      %broadcast_in_dim3A_1722 = vector.broadcast %jit3A_1720 : f32 to vector<64x128xf32>
      %broadcast_in_dim3A_1723 = vector.broadcast %jit3A_1721 : f32 to vector<64x128xf32>
      %select_n3A_1724 = arith.select %eq3A_1719, %broadcast_in_dim3A_1722, %broadcast_in_dim3A_1723 : vector<64x128xi1>, vector<64x128xf32>
      %reduce_sum3A_1725 = vector.shape_cast %select_n3A_1724 : vector<64x128xf32> to vector<1x64x128xf32>
      %reduce_sum3A_1726 = arith.constant dense<0.000000e+00> : vector<1xf32>
      %reduce_sum3A_1727 = vector.multi_reduction <add>, %reduce_sum3A_1725, %reduce_sum3A_1726 [1, 2] : vector<1x64x128xf32> to vector<1xf32>
      %reduce_sum3A_1728 = vector.shape_cast %reduce_sum3A_1727 : vector<1xf32> to vector<1x1x1xf32>
      %reduce_sum3A_1729 = vector.extract %reduce_sum3A_1728[0, 0, 0] : f32 from vector<1x1x1xf32>
      %get3A_1730 = arith.constant 41 : index
      %get3A_1731 = memref.load %arg6[%get3A_1730] : memref<65xf32, #tpu.memory_space<smem>>
      %add3A_1732 = arith.constant 1.000000e+00 : f32
      %add3A_1733 = arith.addf %add3A_1732, %reduce_sum3A_1729 : f32
      %mul3A_1734 = arith.mulf %get3A_1731, %add3A_1733 : f32
      %swap3A_1735 = arith.constant 41 : index
      %swap3A_1736 = memref.load %arg9[%swap3A_1735] : memref<65xf32, #tpu.memory_space<smem>>
      memref.store %mul3A_1734, %arg9[%swap3A_1735] : memref<65xf32, #tpu.memory_space<smem>>
      %eq3A_1737 = arith.constant 42 : i32
      %eq3A_1738 = vector.broadcast %eq3A_1737 : i32 to vector<64x128xi32>
      %eq3A_1739 = arith.cmpi eq, %get3A_896, %eq3A_1738 : vector<64x128xi32>
      %jit3A_1740 = arith.constant 1.000000e+00 : f32
      %jit3A_1741 = arith.constant 0.000000e+00 : f32
      %broadcast_in_dim3A_1742 = vector.broadcast %jit3A_1740 : f32 to vector<64x128xf32>
      %broadcast_in_dim3A_1743 = vector.broadcast %jit3A_1741 : f32 to vector<64x128xf32>
      %select_n3A_1744 = arith.select %eq3A_1739, %broadcast_in_dim3A_1742, %broadcast_in_dim3A_1743 : vector<64x128xi1>, vector<64x128xf32>
      %reduce_sum3A_1745 = vector.shape_cast %select_n3A_1744 : vector<64x128xf32> to vector<1x64x128xf32>
      %reduce_sum3A_1746 = arith.constant dense<0.000000e+00> : vector<1xf32>
      %reduce_sum3A_1747 = vector.multi_reduction <add>, %reduce_sum3A_1745, %reduce_sum3A_1746 [1, 2] : vector<1x64x128xf32> to vector<1xf32>
      %reduce_sum3A_1748 = vector.shape_cast %reduce_sum3A_1747 : vector<1xf32> to vector<1x1x1xf32>
      %reduce_sum3A_1749 = vector.extract %reduce_sum3A_1748[0, 0, 0] : f32 from vector<1x1x1xf32>
      %get3A_1750 = arith.constant 42 : index
      %get3A_1751 = memref.load %arg6[%get3A_1750] : memref<65xf32, #tpu.memory_space<smem>>
      %add3A_1752 = arith.constant 1.000000e+00 : f32
      %add3A_1753 = arith.addf %add3A_1752, %reduce_sum3A_1749 : f32
      %mul3A_1754 = arith.mulf %get3A_1751, %add3A_1753 : f32
      %swap3A_1755 = arith.constant 42 : index
      %swap3A_1756 = memref.load %arg9[%swap3A_1755] : memref<65xf32, #tpu.memory_space<smem>>
      memref.store %mul3A_1754, %arg9[%swap3A_1755] : memref<65xf32, #tpu.memory_space<smem>>
      %eq3A_1757 = arith.constant 43 : i32
      %eq3A_1758 = vector.broadcast %eq3A_1757 : i32 to vector<64x128xi32>
      %eq3A_1759 = arith.cmpi eq, %get3A_896, %eq3A_1758 : vector<64x128xi32>
      %jit3A_1760 = arith.constant 1.000000e+00 : f32
      %jit3A_1761 = arith.constant 0.000000e+00 : f32
      %broadcast_in_dim3A_1762 = vector.broadcast %jit3A_1760 : f32 to vector<64x128xf32>
      %broadcast_in_dim3A_1763 = vector.broadcast %jit3A_1761 : f32 to vector<64x128xf32>
      %select_n3A_1764 = arith.select %eq3A_1759, %broadcast_in_dim3A_1762, %broadcast_in_dim3A_1763 : vector<64x128xi1>, vector<64x128xf32>
      %reduce_sum3A_1765 = vector.shape_cast %select_n3A_1764 : vector<64x128xf32> to vector<1x64x128xf32>
      %reduce_sum3A_1766 = arith.constant dense<0.000000e+00> : vector<1xf32>
      %reduce_sum3A_1767 = vector.multi_reduction <add>, %reduce_sum3A_1765, %reduce_sum3A_1766 [1, 2] : vector<1x64x128xf32> to vector<1xf32>
      %reduce_sum3A_1768 = vector.shape_cast %reduce_sum3A_1767 : vector<1xf32> to vector<1x1x1xf32>
      %reduce_sum3A_1769 = vector.extract %reduce_sum3A_1768[0, 0, 0] : f32 from vector<1x1x1xf32>
      %get3A_1770 = arith.constant 43 : index
      %get3A_1771 = memref.load %arg6[%get3A_1770] : memref<65xf32, #tpu.memory_space<smem>>
      %add3A_1772 = arith.constant 1.000000e+00 : f32
      %add3A_1773 = arith.addf %add3A_1772, %reduce_sum3A_1769 : f32
      %mul3A_1774 = arith.mulf %get3A_1771, %add3A_1773 : f32
      %swap3A_1775 = arith.constant 43 : index
      %swap3A_1776 = memref.load %arg9[%swap3A_1775] : memref<65xf32, #tpu.memory_space<smem>>
      memref.store %mul3A_1774, %arg9[%swap3A_1775] : memref<65xf32, #tpu.memory_space<smem>>
      %eq3A_1777 = arith.constant 44 : i32
      %eq3A_1778 = vector.broadcast %eq3A_1777 : i32 to vector<64x128xi32>
      %eq3A_1779 = arith.cmpi eq, %get3A_896, %eq3A_1778 : vector<64x128xi32>
      %jit3A_1780 = arith.constant 1.000000e+00 : f32
      %jit3A_1781 = arith.constant 0.000000e+00 : f32
      %broadcast_in_dim3A_1782 = vector.broadcast %jit3A_1780 : f32 to vector<64x128xf32>
      %broadcast_in_dim3A_1783 = vector.broadcast %jit3A_1781 : f32 to vector<64x128xf32>
      %select_n3A_1784 = arith.select %eq3A_1779, %broadcast_in_dim3A_1782, %broadcast_in_dim3A_1783 : vector<64x128xi1>, vector<64x128xf32>
      %reduce_sum3A_1785 = vector.shape_cast %select_n3A_1784 : vector<64x128xf32> to vector<1x64x128xf32>
      %reduce_sum3A_1786 = arith.constant dense<0.000000e+00> : vector<1xf32>
      %reduce_sum3A_1787 = vector.multi_reduction <add>, %reduce_sum3A_1785, %reduce_sum3A_1786 [1, 2] : vector<1x64x128xf32> to vector<1xf32>
      %reduce_sum3A_1788 = vector.shape_cast %reduce_sum3A_1787 : vector<1xf32> to vector<1x1x1xf32>
      %reduce_sum3A_1789 = vector.extract %reduce_sum3A_1788[0, 0, 0] : f32 from vector<1x1x1xf32>
      %get3A_1790 = arith.constant 44 : index
      %get3A_1791 = memref.load %arg6[%get3A_1790] : memref<65xf32, #tpu.memory_space<smem>>
      %add3A_1792 = arith.constant 1.000000e+00 : f32
      %add3A_1793 = arith.addf %add3A_1792, %reduce_sum3A_1789 : f32
      %mul3A_1794 = arith.mulf %get3A_1791, %add3A_1793 : f32
      %swap3A_1795 = arith.constant 44 : index
      %swap3A_1796 = memref.load %arg9[%swap3A_1795] : memref<65xf32, #tpu.memory_space<smem>>
      memref.store %mul3A_1794, %arg9[%swap3A_1795] : memref<65xf32, #tpu.memory_space<smem>>
      %eq3A_1797 = arith.constant 45 : i32
      %eq3A_1798 = vector.broadcast %eq3A_1797 : i32 to vector<64x128xi32>
      %eq3A_1799 = arith.cmpi eq, %get3A_896, %eq3A_1798 : vector<64x128xi32>
      %jit3A_1800 = arith.constant 1.000000e+00 : f32
      %jit3A_1801 = arith.constant 0.000000e+00 : f32
      %broadcast_in_dim3A_1802 = vector.broadcast %jit3A_1800 : f32 to vector<64x128xf32>
      %broadcast_in_dim3A_1803 = vector.broadcast %jit3A_1801 : f32 to vector<64x128xf32>
      %select_n3A_1804 = arith.select %eq3A_1799, %broadcast_in_dim3A_1802, %broadcast_in_dim3A_1803 : vector<64x128xi1>, vector<64x128xf32>
      %reduce_sum3A_1805 = vector.shape_cast %select_n3A_1804 : vector<64x128xf32> to vector<1x64x128xf32>
      %reduce_sum3A_1806 = arith.constant dense<0.000000e+00> : vector<1xf32>
      %reduce_sum3A_1807 = vector.multi_reduction <add>, %reduce_sum3A_1805, %reduce_sum3A_1806 [1, 2] : vector<1x64x128xf32> to vector<1xf32>
      %reduce_sum3A_1808 = vector.shape_cast %reduce_sum3A_1807 : vector<1xf32> to vector<1x1x1xf32>
      %reduce_sum3A_1809 = vector.extract %reduce_sum3A_1808[0, 0, 0] : f32 from vector<1x1x1xf32>
      %get3A_1810 = arith.constant 45 : index
      %get3A_1811 = memref.load %arg6[%get3A_1810] : memref<65xf32, #tpu.memory_space<smem>>
      %add3A_1812 = arith.constant 1.000000e+00 : f32
      %add3A_1813 = arith.addf %add3A_1812, %reduce_sum3A_1809 : f32
      %mul3A_1814 = arith.mulf %get3A_1811, %add3A_1813 : f32
      %swap3A_1815 = arith.constant 45 : index
      %swap3A_1816 = memref.load %arg9[%swap3A_1815] : memref<65xf32, #tpu.memory_space<smem>>
      memref.store %mul3A_1814, %arg9[%swap3A_1815] : memref<65xf32, #tpu.memory_space<smem>>
      %eq3A_1817 = arith.constant 46 : i32
      %eq3A_1818 = vector.broadcast %eq3A_1817 : i32 to vector<64x128xi32>
      %eq3A_1819 = arith.cmpi eq, %get3A_896, %eq3A_1818 : vector<64x128xi32>
      %jit3A_1820 = arith.constant 1.000000e+00 : f32
      %jit3A_1821 = arith.constant 0.000000e+00 : f32
      %broadcast_in_dim3A_1822 = vector.broadcast %jit3A_1820 : f32 to vector<64x128xf32>
      %broadcast_in_dim3A_1823 = vector.broadcast %jit3A_1821 : f32 to vector<64x128xf32>
      %select_n3A_1824 = arith.select %eq3A_1819, %broadcast_in_dim3A_1822, %broadcast_in_dim3A_1823 : vector<64x128xi1>, vector<64x128xf32>
      %reduce_sum3A_1825 = vector.shape_cast %select_n3A_1824 : vector<64x128xf32> to vector<1x64x128xf32>
      %reduce_sum3A_1826 = arith.constant dense<0.000000e+00> : vector<1xf32>
      %reduce_sum3A_1827 = vector.multi_reduction <add>, %reduce_sum3A_1825, %reduce_sum3A_1826 [1, 2] : vector<1x64x128xf32> to vector<1xf32>
      %reduce_sum3A_1828 = vector.shape_cast %reduce_sum3A_1827 : vector<1xf32> to vector<1x1x1xf32>
      %reduce_sum3A_1829 = vector.extract %reduce_sum3A_1828[0, 0, 0] : f32 from vector<1x1x1xf32>
      %get3A_1830 = arith.constant 46 : index
      %get3A_1831 = memref.load %arg6[%get3A_1830] : memref<65xf32, #tpu.memory_space<smem>>
      %add3A_1832 = arith.constant 1.000000e+00 : f32
      %add3A_1833 = arith.addf %add3A_1832, %reduce_sum3A_1829 : f32
      %mul3A_1834 = arith.mulf %get3A_1831, %add3A_1833 : f32
      %swap3A_1835 = arith.constant 46 : index
      %swap3A_1836 = memref.load %arg9[%swap3A_1835] : memref<65xf32, #tpu.memory_space<smem>>
      memref.store %mul3A_1834, %arg9[%swap3A_1835] : memref<65xf32, #tpu.memory_space<smem>>
      %eq3A_1837 = arith.constant 47 : i32
      %eq3A_1838 = vector.broadcast %eq3A_1837 : i32 to vector<64x128xi32>
      %eq3A_1839 = arith.cmpi eq, %get3A_896, %eq3A_1838 : vector<64x128xi32>
      %jit3A_1840 = arith.constant 1.000000e+00 : f32
      %jit3A_1841 = arith.constant 0.000000e+00 : f32
      %broadcast_in_dim3A_1842 = vector.broadcast %jit3A_1840 : f32 to vector<64x128xf32>
      %broadcast_in_dim3A_1843 = vector.broadcast %jit3A_1841 : f32 to vector<64x128xf32>
      %select_n3A_1844 = arith.select %eq3A_1839, %broadcast_in_dim3A_1842, %broadcast_in_dim3A_1843 : vector<64x128xi1>, vector<64x128xf32>
      %reduce_sum3A_1845 = vector.shape_cast %select_n3A_1844 : vector<64x128xf32> to vector<1x64x128xf32>
      %reduce_sum3A_1846 = arith.constant dense<0.000000e+00> : vector<1xf32>
      %reduce_sum3A_1847 = vector.multi_reduction <add>, %reduce_sum3A_1845, %reduce_sum3A_1846 [1, 2] : vector<1x64x128xf32> to vector<1xf32>
      %reduce_sum3A_1848 = vector.shape_cast %reduce_sum3A_1847 : vector<1xf32> to vector<1x1x1xf32>
      %reduce_sum3A_1849 = vector.extract %reduce_sum3A_1848[0, 0, 0] : f32 from vector<1x1x1xf32>
      %get3A_1850 = arith.constant 47 : index
      %get3A_1851 = memref.load %arg6[%get3A_1850] : memref<65xf32, #tpu.memory_space<smem>>
      %add3A_1852 = arith.constant 1.000000e+00 : f32
      %add3A_1853 = arith.addf %add3A_1852, %reduce_sum3A_1849 : f32
      %mul3A_1854 = arith.mulf %get3A_1851, %add3A_1853 : f32
      %swap3A_1855 = arith.constant 47 : index
      %swap3A_1856 = memref.load %arg9[%swap3A_1855] : memref<65xf32, #tpu.memory_space<smem>>
      memref.store %mul3A_1854, %arg9[%swap3A_1855] : memref<65xf32, #tpu.memory_space<smem>>
      %eq3A_1857 = arith.constant 48 : i32
      %eq3A_1858 = vector.broadcast %eq3A_1857 : i32 to vector<64x128xi32>
      %eq3A_1859 = arith.cmpi eq, %get3A_896, %eq3A_1858 : vector<64x128xi32>
      %jit3A_1860 = arith.constant 1.000000e+00 : f32
      %jit3A_1861 = arith.constant 0.000000e+00 : f32
      %broadcast_in_dim3A_1862 = vector.broadcast %jit3A_1860 : f32 to vector<64x128xf32>
      %broadcast_in_dim3A_1863 = vector.broadcast %jit3A_1861 : f32 to vector<64x128xf32>
      %select_n3A_1864 = arith.select %eq3A_1859, %broadcast_in_dim3A_1862, %broadcast_in_dim3A_1863 : vector<64x128xi1>, vector<64x128xf32>
      %reduce_sum3A_1865 = vector.shape_cast %select_n3A_1864 : vector<64x128xf32> to vector<1x64x128xf32>
      %reduce_sum3A_1866 = arith.constant dense<0.000000e+00> : vector<1xf32>
      %reduce_sum3A_1867 = vector.multi_reduction <add>, %reduce_sum3A_1865, %reduce_sum3A_1866 [1, 2] : vector<1x64x128xf32> to vector<1xf32>
      %reduce_sum3A_1868 = vector.shape_cast %reduce_sum3A_1867 : vector<1xf32> to vector<1x1x1xf32>
      %reduce_sum3A_1869 = vector.extract %reduce_sum3A_1868[0, 0, 0] : f32 from vector<1x1x1xf32>
      %get3A_1870 = arith.constant 48 : index
      %get3A_1871 = memref.load %arg6[%get3A_1870] : memref<65xf32, #tpu.memory_space<smem>>
      %add3A_1872 = arith.constant 1.000000e+00 : f32
      %add3A_1873 = arith.addf %add3A_1872, %reduce_sum3A_1869 : f32
      %mul3A_1874 = arith.mulf %get3A_1871, %add3A_1873 : f32
      %swap3A_1875 = arith.constant 48 : index
      %swap3A_1876 = memref.load %arg9[%swap3A_1875] : memref<65xf32, #tpu.memory_space<smem>>
      memref.store %mul3A_1874, %arg9[%swap3A_1875] : memref<65xf32, #tpu.memory_space<smem>>
      %eq3A_1877 = arith.constant 49 : i32
      %eq3A_1878 = vector.broadcast %eq3A_1877 : i32 to vector<64x128xi32>
      %eq3A_1879 = arith.cmpi eq, %get3A_896, %eq3A_1878 : vector<64x128xi32>
      %jit3A_1880 = arith.constant 1.000000e+00 : f32
      %jit3A_1881 = arith.constant 0.000000e+00 : f32
      %broadcast_in_dim3A_1882 = vector.broadcast %jit3A_1880 : f32 to vector<64x128xf32>
      %broadcast_in_dim3A_1883 = vector.broadcast %jit3A_1881 : f32 to vector<64x128xf32>
      %select_n3A_1884 = arith.select %eq3A_1879, %broadcast_in_dim3A_1882, %broadcast_in_dim3A_1883 : vector<64x128xi1>, vector<64x128xf32>
      %reduce_sum3A_1885 = vector.shape_cast %select_n3A_1884 : vector<64x128xf32> to vector<1x64x128xf32>
      %reduce_sum3A_1886 = arith.constant dense<0.000000e+00> : vector<1xf32>
      %reduce_sum3A_1887 = vector.multi_reduction <add>, %reduce_sum3A_1885, %reduce_sum3A_1886 [1, 2] : vector<1x64x128xf32> to vector<1xf32>
      %reduce_sum3A_1888 = vector.shape_cast %reduce_sum3A_1887 : vector<1xf32> to vector<1x1x1xf32>
      %reduce_sum3A_1889 = vector.extract %reduce_sum3A_1888[0, 0, 0] : f32 from vector<1x1x1xf32>
      %get3A_1890 = arith.constant 49 : index
      %get3A_1891 = memref.load %arg6[%get3A_1890] : memref<65xf32, #tpu.memory_space<smem>>
      %add3A_1892 = arith.constant 1.000000e+00 : f32
      %add3A_1893 = arith.addf %add3A_1892, %reduce_sum3A_1889 : f32
      %mul3A_1894 = arith.mulf %get3A_1891, %add3A_1893 : f32
      %swap3A_1895 = arith.constant 49 : index
      %swap3A_1896 = memref.load %arg9[%swap3A_1895] : memref<65xf32, #tpu.memory_space<smem>>
      memref.store %mul3A_1894, %arg9[%swap3A_1895] : memref<65xf32, #tpu.memory_space<smem>>
      %eq3A_1897 = arith.constant 50 : i32
      %eq3A_1898 = vector.broadcast %eq3A_1897 : i32 to vector<64x128xi32>
      %eq3A_1899 = arith.cmpi eq, %get3A_896, %eq3A_1898 : vector<64x128xi32>
      %jit3A_1900 = arith.constant 1.000000e+00 : f32
      %jit3A_1901 = arith.constant 0.000000e+00 : f32
      %broadcast_in_dim3A_1902 = vector.broadcast %jit3A_1900 : f32 to vector<64x128xf32>
      %broadcast_in_dim3A_1903 = vector.broadcast %jit3A_1901 : f32 to vector<64x128xf32>
      %select_n3A_1904 = arith.select %eq3A_1899, %broadcast_in_dim3A_1902, %broadcast_in_dim3A_1903 : vector<64x128xi1>, vector<64x128xf32>
      %reduce_sum3A_1905 = vector.shape_cast %select_n3A_1904 : vector<64x128xf32> to vector<1x64x128xf32>
      %reduce_sum3A_1906 = arith.constant dense<0.000000e+00> : vector<1xf32>
      %reduce_sum3A_1907 = vector.multi_reduction <add>, %reduce_sum3A_1905, %reduce_sum3A_1906 [1, 2] : vector<1x64x128xf32> to vector<1xf32>
      %reduce_sum3A_1908 = vector.shape_cast %reduce_sum3A_1907 : vector<1xf32> to vector<1x1x1xf32>
      %reduce_sum3A_1909 = vector.extract %reduce_sum3A_1908[0, 0, 0] : f32 from vector<1x1x1xf32>
      %get3A_1910 = arith.constant 50 : index
      %get3A_1911 = memref.load %arg6[%get3A_1910] : memref<65xf32, #tpu.memory_space<smem>>
      %add3A_1912 = arith.constant 1.000000e+00 : f32
      %add3A_1913 = arith.addf %add3A_1912, %reduce_sum3A_1909 : f32
      %mul3A_1914 = arith.mulf %get3A_1911, %add3A_1913 : f32
      %swap3A_1915 = arith.constant 50 : index
      %swap3A_1916 = memref.load %arg9[%swap3A_1915] : memref<65xf32, #tpu.memory_space<smem>>
      memref.store %mul3A_1914, %arg9[%swap3A_1915] : memref<65xf32, #tpu.memory_space<smem>>
      %eq3A_1917 = arith.constant 51 : i32
      %eq3A_1918 = vector.broadcast %eq3A_1917 : i32 to vector<64x128xi32>
      %eq3A_1919 = arith.cmpi eq, %get3A_896, %eq3A_1918 : vector<64x128xi32>
      %jit3A_1920 = arith.constant 1.000000e+00 : f32
      %jit3A_1921 = arith.constant 0.000000e+00 : f32
      %broadcast_in_dim3A_1922 = vector.broadcast %jit3A_1920 : f32 to vector<64x128xf32>
      %broadcast_in_dim3A_1923 = vector.broadcast %jit3A_1921 : f32 to vector<64x128xf32>
      %select_n3A_1924 = arith.select %eq3A_1919, %broadcast_in_dim3A_1922, %broadcast_in_dim3A_1923 : vector<64x128xi1>, vector<64x128xf32>
      %reduce_sum3A_1925 = vector.shape_cast %select_n3A_1924 : vector<64x128xf32> to vector<1x64x128xf32>
      %reduce_sum3A_1926 = arith.constant dense<0.000000e+00> : vector<1xf32>
      %reduce_sum3A_1927 = vector.multi_reduction <add>, %reduce_sum3A_1925, %reduce_sum3A_1926 [1, 2] : vector<1x64x128xf32> to vector<1xf32>
      %reduce_sum3A_1928 = vector.shape_cast %reduce_sum3A_1927 : vector<1xf32> to vector<1x1x1xf32>
      %reduce_sum3A_1929 = vector.extract %reduce_sum3A_1928[0, 0, 0] : f32 from vector<1x1x1xf32>
      %get3A_1930 = arith.constant 51 : index
      %get3A_1931 = memref.load %arg6[%get3A_1930] : memref<65xf32, #tpu.memory_space<smem>>
      %add3A_1932 = arith.constant 1.000000e+00 : f32
      %add3A_1933 = arith.addf %add3A_1932, %reduce_sum3A_1929 : f32
      %mul3A_1934 = arith.mulf %get3A_1931, %add3A_1933 : f32
      %swap3A_1935 = arith.constant 51 : index
      %swap3A_1936 = memref.load %arg9[%swap3A_1935] : memref<65xf32, #tpu.memory_space<smem>>
      memref.store %mul3A_1934, %arg9[%swap3A_1935] : memref<65xf32, #tpu.memory_space<smem>>
      %eq3A_1937 = arith.constant 52 : i32
      %eq3A_1938 = vector.broadcast %eq3A_1937 : i32 to vector<64x128xi32>
      %eq3A_1939 = arith.cmpi eq, %get3A_896, %eq3A_1938 : vector<64x128xi32>
      %jit3A_1940 = arith.constant 1.000000e+00 : f32
      %jit3A_1941 = arith.constant 0.000000e+00 : f32
      %broadcast_in_dim3A_1942 = vector.broadcast %jit3A_1940 : f32 to vector<64x128xf32>
      %broadcast_in_dim3A_1943 = vector.broadcast %jit3A_1941 : f32 to vector<64x128xf32>
      %select_n3A_1944 = arith.select %eq3A_1939, %broadcast_in_dim3A_1942, %broadcast_in_dim3A_1943 : vector<64x128xi1>, vector<64x128xf32>
      %reduce_sum3A_1945 = vector.shape_cast %select_n3A_1944 : vector<64x128xf32> to vector<1x64x128xf32>
      %reduce_sum3A_1946 = arith.constant dense<0.000000e+00> : vector<1xf32>
      %reduce_sum3A_1947 = vector.multi_reduction <add>, %reduce_sum3A_1945, %reduce_sum3A_1946 [1, 2] : vector<1x64x128xf32> to vector<1xf32>
      %reduce_sum3A_1948 = vector.shape_cast %reduce_sum3A_1947 : vector<1xf32> to vector<1x1x1xf32>
      %reduce_sum3A_1949 = vector.extract %reduce_sum3A_1948[0, 0, 0] : f32 from vector<1x1x1xf32>
      %get3A_1950 = arith.constant 52 : index
      %get3A_1951 = memref.load %arg6[%get3A_1950] : memref<65xf32, #tpu.memory_space<smem>>
      %add3A_1952 = arith.constant 1.000000e+00 : f32
      %add3A_1953 = arith.addf %add3A_1952, %reduce_sum3A_1949 : f32
      %mul3A_1954 = arith.mulf %get3A_1951, %add3A_1953 : f32
      %swap3A_1955 = arith.constant 52 : index
      %swap3A_1956 = memref.load %arg9[%swap3A_1955] : memref<65xf32, #tpu.memory_space<smem>>
      memref.store %mul3A_1954, %arg9[%swap3A_1955] : memref<65xf32, #tpu.memory_space<smem>>
      %eq3A_1957 = arith.constant 53 : i32
      %eq3A_1958 = vector.broadcast %eq3A_1957 : i32 to vector<64x128xi32>
      %eq3A_1959 = arith.cmpi eq, %get3A_896, %eq3A_1958 : vector<64x128xi32>
      %jit3A_1960 = arith.constant 1.000000e+00 : f32
      %jit3A_1961 = arith.constant 0.000000e+00 : f32
      %broadcast_in_dim3A_1962 = vector.broadcast %jit3A_1960 : f32 to vector<64x128xf32>
      %broadcast_in_dim3A_1963 = vector.broadcast %jit3A_1961 : f32 to vector<64x128xf32>
      %select_n3A_1964 = arith.select %eq3A_1959, %broadcast_in_dim3A_1962, %broadcast_in_dim3A_1963 : vector<64x128xi1>, vector<64x128xf32>
      %reduce_sum3A_1965 = vector.shape_cast %select_n3A_1964 : vector<64x128xf32> to vector<1x64x128xf32>
      %reduce_sum3A_1966 = arith.constant dense<0.000000e+00> : vector<1xf32>
      %reduce_sum3A_1967 = vector.multi_reduction <add>, %reduce_sum3A_1965, %reduce_sum3A_1966 [1, 2] : vector<1x64x128xf32> to vector<1xf32>
      %reduce_sum3A_1968 = vector.shape_cast %reduce_sum3A_1967 : vector<1xf32> to vector<1x1x1xf32>
      %reduce_sum3A_1969 = vector.extract %reduce_sum3A_1968[0, 0, 0] : f32 from vector<1x1x1xf32>
      %get3A_1970 = arith.constant 53 : index
      %get3A_1971 = memref.load %arg6[%get3A_1970] : memref<65xf32, #tpu.memory_space<smem>>
      %add3A_1972 = arith.constant 1.000000e+00 : f32
      %add3A_1973 = arith.addf %add3A_1972, %reduce_sum3A_1969 : f32
      %mul3A_1974 = arith.mulf %get3A_1971, %add3A_1973 : f32
      %swap3A_1975 = arith.constant 53 : index
      %swap3A_1976 = memref.load %arg9[%swap3A_1975] : memref<65xf32, #tpu.memory_space<smem>>
      memref.store %mul3A_1974, %arg9[%swap3A_1975] : memref<65xf32, #tpu.memory_space<smem>>
      %eq3A_1977 = arith.constant 54 : i32
      %eq3A_1978 = vector.broadcast %eq3A_1977 : i32 to vector<64x128xi32>
      %eq3A_1979 = arith.cmpi eq, %get3A_896, %eq3A_1978 : vector<64x128xi32>
      %jit3A_1980 = arith.constant 1.000000e+00 : f32
      %jit3A_1981 = arith.constant 0.000000e+00 : f32
      %broadcast_in_dim3A_1982 = vector.broadcast %jit3A_1980 : f32 to vector<64x128xf32>
      %broadcast_in_dim3A_1983 = vector.broadcast %jit3A_1981 : f32 to vector<64x128xf32>
      %select_n3A_1984 = arith.select %eq3A_1979, %broadcast_in_dim3A_1982, %broadcast_in_dim3A_1983 : vector<64x128xi1>, vector<64x128xf32>
      %reduce_sum3A_1985 = vector.shape_cast %select_n3A_1984 : vector<64x128xf32> to vector<1x64x128xf32>
      %reduce_sum3A_1986 = arith.constant dense<0.000000e+00> : vector<1xf32>
      %reduce_sum3A_1987 = vector.multi_reduction <add>, %reduce_sum3A_1985, %reduce_sum3A_1986 [1, 2] : vector<1x64x128xf32> to vector<1xf32>
      %reduce_sum3A_1988 = vector.shape_cast %reduce_sum3A_1987 : vector<1xf32> to vector<1x1x1xf32>
      %reduce_sum3A_1989 = vector.extract %reduce_sum3A_1988[0, 0, 0] : f32 from vector<1x1x1xf32>
      %get3A_1990 = arith.constant 54 : index
      %get3A_1991 = memref.load %arg6[%get3A_1990] : memref<65xf32, #tpu.memory_space<smem>>
      %add3A_1992 = arith.constant 1.000000e+00 : f32
      %add3A_1993 = arith.addf %add3A_1992, %reduce_sum3A_1989 : f32
      %mul3A_1994 = arith.mulf %get3A_1991, %add3A_1993 : f32
      %swap3A_1995 = arith.constant 54 : index
      %swap3A_1996 = memref.load %arg9[%swap3A_1995] : memref<65xf32, #tpu.memory_space<smem>>
      memref.store %mul3A_1994, %arg9[%swap3A_1995] : memref<65xf32, #tpu.memory_space<smem>>
      %eq3A_1997 = arith.constant 55 : i32
      %eq3A_1998 = vector.broadcast %eq3A_1997 : i32 to vector<64x128xi32>
      %eq3A_1999 = arith.cmpi eq, %get3A_896, %eq3A_1998 : vector<64x128xi32>
      %jit3A_2000 = arith.constant 1.000000e+00 : f32
      %jit3A_2001 = arith.constant 0.000000e+00 : f32
      %broadcast_in_dim3A_2002 = vector.broadcast %jit3A_2000 : f32 to vector<64x128xf32>
      %broadcast_in_dim3A_2003 = vector.broadcast %jit3A_2001 : f32 to vector<64x128xf32>
      %select_n3A_2004 = arith.select %eq3A_1999, %broadcast_in_dim3A_2002, %broadcast_in_dim3A_2003 : vector<64x128xi1>, vector<64x128xf32>
      %reduce_sum3A_2005 = vector.shape_cast %select_n3A_2004 : vector<64x128xf32> to vector<1x64x128xf32>
      %reduce_sum3A_2006 = arith.constant dense<0.000000e+00> : vector<1xf32>
      %reduce_sum3A_2007 = vector.multi_reduction <add>, %reduce_sum3A_2005, %reduce_sum3A_2006 [1, 2] : vector<1x64x128xf32> to vector<1xf32>
      %reduce_sum3A_2008 = vector.shape_cast %reduce_sum3A_2007 : vector<1xf32> to vector<1x1x1xf32>
      %reduce_sum3A_2009 = vector.extract %reduce_sum3A_2008[0, 0, 0] : f32 from vector<1x1x1xf32>
      %get3A_2010 = arith.constant 55 : index
      %get3A_2011 = memref.load %arg6[%get3A_2010] : memref<65xf32, #tpu.memory_space<smem>>
      %add3A_2012 = arith.constant 1.000000e+00 : f32
      %add3A_2013 = arith.addf %add3A_2012, %reduce_sum3A_2009 : f32
      %mul3A_2014 = arith.mulf %get3A_2011, %add3A_2013 : f32
      %swap3A_2015 = arith.constant 55 : index
      %swap3A_2016 = memref.load %arg9[%swap3A_2015] : memref<65xf32, #tpu.memory_space<smem>>
      memref.store %mul3A_2014, %arg9[%swap3A_2015] : memref<65xf32, #tpu.memory_space<smem>>
      %eq3A_2017 = arith.constant 56 : i32
      %eq3A_2018 = vector.broadcast %eq3A_2017 : i32 to vector<64x128xi32>
      %eq3A_2019 = arith.cmpi eq, %get3A_896, %eq3A_2018 : vector<64x128xi32>
      %jit3A_2020 = arith.constant 1.000000e+00 : f32
      %jit3A_2021 = arith.constant 0.000000e+00 : f32
      %broadcast_in_dim3A_2022 = vector.broadcast %jit3A_2020 : f32 to vector<64x128xf32>
      %broadcast_in_dim3A_2023 = vector.broadcast %jit3A_2021 : f32 to vector<64x128xf32>
      %select_n3A_2024 = arith.select %eq3A_2019, %broadcast_in_dim3A_2022, %broadcast_in_dim3A_2023 : vector<64x128xi1>, vector<64x128xf32>
      %reduce_sum3A_2025 = vector.shape_cast %select_n3A_2024 : vector<64x128xf32> to vector<1x64x128xf32>
      %reduce_sum3A_2026 = arith.constant dense<0.000000e+00> : vector<1xf32>
      %reduce_sum3A_2027 = vector.multi_reduction <add>, %reduce_sum3A_2025, %reduce_sum3A_2026 [1, 2] : vector<1x64x128xf32> to vector<1xf32>
      %reduce_sum3A_2028 = vector.shape_cast %reduce_sum3A_2027 : vector<1xf32> to vector<1x1x1xf32>
      %reduce_sum3A_2029 = vector.extract %reduce_sum3A_2028[0, 0, 0] : f32 from vector<1x1x1xf32>
      %get3A_2030 = arith.constant 56 : index
      %get3A_2031 = memref.load %arg6[%get3A_2030] : memref<65xf32, #tpu.memory_space<smem>>
      %add3A_2032 = arith.constant 1.000000e+00 : f32
      %add3A_2033 = arith.addf %add3A_2032, %reduce_sum3A_2029 : f32
      %mul3A_2034 = arith.mulf %get3A_2031, %add3A_2033 : f32
      %swap3A_2035 = arith.constant 56 : index
      %swap3A_2036 = memref.load %arg9[%swap3A_2035] : memref<65xf32, #tpu.memory_space<smem>>
      memref.store %mul3A_2034, %arg9[%swap3A_2035] : memref<65xf32, #tpu.memory_space<smem>>
      %eq3A_2037 = arith.constant 57 : i32
      %eq3A_2038 = vector.broadcast %eq3A_2037 : i32 to vector<64x128xi32>
      %eq3A_2039 = arith.cmpi eq, %get3A_896, %eq3A_2038 : vector<64x128xi32>
      %jit3A_2040 = arith.constant 1.000000e+00 : f32
      %jit3A_2041 = arith.constant 0.000000e+00 : f32
      %broadcast_in_dim3A_2042 = vector.broadcast %jit3A_2040 : f32 to vector<64x128xf32>
      %broadcast_in_dim3A_2043 = vector.broadcast %jit3A_2041 : f32 to vector<64x128xf32>
      %select_n3A_2044 = arith.select %eq3A_2039, %broadcast_in_dim3A_2042, %broadcast_in_dim3A_2043 : vector<64x128xi1>, vector<64x128xf32>
      %reduce_sum3A_2045 = vector.shape_cast %select_n3A_2044 : vector<64x128xf32> to vector<1x64x128xf32>
      %reduce_sum3A_2046 = arith.constant dense<0.000000e+00> : vector<1xf32>
      %reduce_sum3A_2047 = vector.multi_reduction <add>, %reduce_sum3A_2045, %reduce_sum3A_2046 [1, 2] : vector<1x64x128xf32> to vector<1xf32>
      %reduce_sum3A_2048 = vector.shape_cast %reduce_sum3A_2047 : vector<1xf32> to vector<1x1x1xf32>
      %reduce_sum3A_2049 = vector.extract %reduce_sum3A_2048[0, 0, 0] : f32 from vector<1x1x1xf32>
      %get3A_2050 = arith.constant 57 : index
      %get3A_2051 = memref.load %arg6[%get3A_2050] : memref<65xf32, #tpu.memory_space<smem>>
      %add3A_2052 = arith.constant 1.000000e+00 : f32
      %add3A_2053 = arith.addf %add3A_2052, %reduce_sum3A_2049 : f32
      %mul3A_2054 = arith.mulf %get3A_2051, %add3A_2053 : f32
      %swap3A_2055 = arith.constant 57 : index
      %swap3A_2056 = memref.load %arg9[%swap3A_2055] : memref<65xf32, #tpu.memory_space<smem>>
      memref.store %mul3A_2054, %arg9[%swap3A_2055] : memref<65xf32, #tpu.memory_space<smem>>
      %eq3A_2057 = arith.constant 58 : i32
      %eq3A_2058 = vector.broadcast %eq3A_2057 : i32 to vector<64x128xi32>
      %eq3A_2059 = arith.cmpi eq, %get3A_896, %eq3A_2058 : vector<64x128xi32>
      %jit3A_2060 = arith.constant 1.000000e+00 : f32
      %jit3A_2061 = arith.constant 0.000000e+00 : f32
      %broadcast_in_dim3A_2062 = vector.broadcast %jit3A_2060 : f32 to vector<64x128xf32>
      %broadcast_in_dim3A_2063 = vector.broadcast %jit3A_2061 : f32 to vector<64x128xf32>
      %select_n3A_2064 = arith.select %eq3A_2059, %broadcast_in_dim3A_2062, %broadcast_in_dim3A_2063 : vector<64x128xi1>, vector<64x128xf32>
      %reduce_sum3A_2065 = vector.shape_cast %select_n3A_2064 : vector<64x128xf32> to vector<1x64x128xf32>
      %reduce_sum3A_2066 = arith.constant dense<0.000000e+00> : vector<1xf32>
      %reduce_sum3A_2067 = vector.multi_reduction <add>, %reduce_sum3A_2065, %reduce_sum3A_2066 [1, 2] : vector<1x64x128xf32> to vector<1xf32>
      %reduce_sum3A_2068 = vector.shape_cast %reduce_sum3A_2067 : vector<1xf32> to vector<1x1x1xf32>
      %reduce_sum3A_2069 = vector.extract %reduce_sum3A_2068[0, 0, 0] : f32 from vector<1x1x1xf32>
      %get3A_2070 = arith.constant 58 : index
      %get3A_2071 = memref.load %arg6[%get3A_2070] : memref<65xf32, #tpu.memory_space<smem>>
      %add3A_2072 = arith.constant 1.000000e+00 : f32
      %add3A_2073 = arith.addf %add3A_2072, %reduce_sum3A_2069 : f32
      %mul3A_2074 = arith.mulf %get3A_2071, %add3A_2073 : f32
      %swap3A_2075 = arith.constant 58 : index
      %swap3A_2076 = memref.load %arg9[%swap3A_2075] : memref<65xf32, #tpu.memory_space<smem>>
      memref.store %mul3A_2074, %arg9[%swap3A_2075] : memref<65xf32, #tpu.memory_space<smem>>
      %eq3A_2077 = arith.constant 59 : i32
      %eq3A_2078 = vector.broadcast %eq3A_2077 : i32 to vector<64x128xi32>
      %eq3A_2079 = arith.cmpi eq, %get3A_896, %eq3A_2078 : vector<64x128xi32>
      %jit3A_2080 = arith.constant 1.000000e+00 : f32
      %jit3A_2081 = arith.constant 0.000000e+00 : f32
      %broadcast_in_dim3A_2082 = vector.broadcast %jit3A_2080 : f32 to vector<64x128xf32>
      %broadcast_in_dim3A_2083 = vector.broadcast %jit3A_2081 : f32 to vector<64x128xf32>
      %select_n3A_2084 = arith.select %eq3A_2079, %broadcast_in_dim3A_2082, %broadcast_in_dim3A_2083 : vector<64x128xi1>, vector<64x128xf32>
      %reduce_sum3A_2085 = vector.shape_cast %select_n3A_2084 : vector<64x128xf32> to vector<1x64x128xf32>
      %reduce_sum3A_2086 = arith.constant dense<0.000000e+00> : vector<1xf32>
      %reduce_sum3A_2087 = vector.multi_reduction <add>, %reduce_sum3A_2085, %reduce_sum3A_2086 [1, 2] : vector<1x64x128xf32> to vector<1xf32>
      %reduce_sum3A_2088 = vector.shape_cast %reduce_sum3A_2087 : vector<1xf32> to vector<1x1x1xf32>
      %reduce_sum3A_2089 = vector.extract %reduce_sum3A_2088[0, 0, 0] : f32 from vector<1x1x1xf32>
      %get3A_2090 = arith.constant 59 : index
      %get3A_2091 = memref.load %arg6[%get3A_2090] : memref<65xf32, #tpu.memory_space<smem>>
      %add3A_2092 = arith.constant 1.000000e+00 : f32
      %add3A_2093 = arith.addf %add3A_2092, %reduce_sum3A_2089 : f32
      %mul3A_2094 = arith.mulf %get3A_2091, %add3A_2093 : f32
      %swap3A_2095 = arith.constant 59 : index
      %swap3A_2096 = memref.load %arg9[%swap3A_2095] : memref<65xf32, #tpu.memory_space<smem>>
      memref.store %mul3A_2094, %arg9[%swap3A_2095] : memref<65xf32, #tpu.memory_space<smem>>
      %eq3A_2097 = arith.constant 60 : i32
      %eq3A_2098 = vector.broadcast %eq3A_2097 : i32 to vector<64x128xi32>
      %eq3A_2099 = arith.cmpi eq, %get3A_896, %eq3A_2098 : vector<64x128xi32>
      %jit3A_2100 = arith.constant 1.000000e+00 : f32
      %jit3A_2101 = arith.constant 0.000000e+00 : f32
      %broadcast_in_dim3A_2102 = vector.broadcast %jit3A_2100 : f32 to vector<64x128xf32>
      %broadcast_in_dim3A_2103 = vector.broadcast %jit3A_2101 : f32 to vector<64x128xf32>
      %select_n3A_2104 = arith.select %eq3A_2099, %broadcast_in_dim3A_2102, %broadcast_in_dim3A_2103 : vector<64x128xi1>, vector<64x128xf32>
      %reduce_sum3A_2105 = vector.shape_cast %select_n3A_2104 : vector<64x128xf32> to vector<1x64x128xf32>
      %reduce_sum3A_2106 = arith.constant dense<0.000000e+00> : vector<1xf32>
      %reduce_sum3A_2107 = vector.multi_reduction <add>, %reduce_sum3A_2105, %reduce_sum3A_2106 [1, 2] : vector<1x64x128xf32> to vector<1xf32>
      %reduce_sum3A_2108 = vector.shape_cast %reduce_sum3A_2107 : vector<1xf32> to vector<1x1x1xf32>
      %reduce_sum3A_2109 = vector.extract %reduce_sum3A_2108[0, 0, 0] : f32 from vector<1x1x1xf32>
      %get3A_2110 = arith.constant 60 : index
      %get3A_2111 = memref.load %arg6[%get3A_2110] : memref<65xf32, #tpu.memory_space<smem>>
      %add3A_2112 = arith.constant 1.000000e+00 : f32
      %add3A_2113 = arith.addf %add3A_2112, %reduce_sum3A_2109 : f32
      %mul3A_2114 = arith.mulf %get3A_2111, %add3A_2113 : f32
      %swap3A_2115 = arith.constant 60 : index
      %swap3A_2116 = memref.load %arg9[%swap3A_2115] : memref<65xf32, #tpu.memory_space<smem>>
      memref.store %mul3A_2114, %arg9[%swap3A_2115] : memref<65xf32, #tpu.memory_space<smem>>
      %eq3A_2117 = arith.constant 61 : i32
      %eq3A_2118 = vector.broadcast %eq3A_2117 : i32 to vector<64x128xi32>
      %eq3A_2119 = arith.cmpi eq, %get3A_896, %eq3A_2118 : vector<64x128xi32>
      %jit3A_2120 = arith.constant 1.000000e+00 : f32
      %jit3A_2121 = arith.constant 0.000000e+00 : f32
      %broadcast_in_dim3A_2122 = vector.broadcast %jit3A_2120 : f32 to vector<64x128xf32>
      %broadcast_in_dim3A_2123 = vector.broadcast %jit3A_2121 : f32 to vector<64x128xf32>
      %select_n3A_2124 = arith.select %eq3A_2119, %broadcast_in_dim3A_2122, %broadcast_in_dim3A_2123 : vector<64x128xi1>, vector<64x128xf32>
      %reduce_sum3A_2125 = vector.shape_cast %select_n3A_2124 : vector<64x128xf32> to vector<1x64x128xf32>
      %reduce_sum3A_2126 = arith.constant dense<0.000000e+00> : vector<1xf32>
      %reduce_sum3A_2127 = vector.multi_reduction <add>, %reduce_sum3A_2125, %reduce_sum3A_2126 [1, 2] : vector<1x64x128xf32> to vector<1xf32>
      %reduce_sum3A_2128 = vector.shape_cast %reduce_sum3A_2127 : vector<1xf32> to vector<1x1x1xf32>
      %reduce_sum3A_2129 = vector.extract %reduce_sum3A_2128[0, 0, 0] : f32 from vector<1x1x1xf32>
      %get3A_2130 = arith.constant 61 : index
      %get3A_2131 = memref.load %arg6[%get3A_2130] : memref<65xf32, #tpu.memory_space<smem>>
      %add3A_2132 = arith.constant 1.000000e+00 : f32
      %add3A_2133 = arith.addf %add3A_2132, %reduce_sum3A_2129 : f32
      %mul3A_2134 = arith.mulf %get3A_2131, %add3A_2133 : f32
      %swap3A_2135 = arith.constant 61 : index
      %swap3A_2136 = memref.load %arg9[%swap3A_2135] : memref<65xf32, #tpu.memory_space<smem>>
      memref.store %mul3A_2134, %arg9[%swap3A_2135] : memref<65xf32, #tpu.memory_space<smem>>
      %eq3A_2137 = arith.constant 62 : i32
      %eq3A_2138 = vector.broadcast %eq3A_2137 : i32 to vector<64x128xi32>
      %eq3A_2139 = arith.cmpi eq, %get3A_896, %eq3A_2138 : vector<64x128xi32>
      %jit3A_2140 = arith.constant 1.000000e+00 : f32
      %jit3A_2141 = arith.constant 0.000000e+00 : f32
      %broadcast_in_dim3A_2142 = vector.broadcast %jit3A_2140 : f32 to vector<64x128xf32>
      %broadcast_in_dim3A_2143 = vector.broadcast %jit3A_2141 : f32 to vector<64x128xf32>
      %select_n3A_2144 = arith.select %eq3A_2139, %broadcast_in_dim3A_2142, %broadcast_in_dim3A_2143 : vector<64x128xi1>, vector<64x128xf32>
      %reduce_sum3A_2145 = vector.shape_cast %select_n3A_2144 : vector<64x128xf32> to vector<1x64x128xf32>
      %reduce_sum3A_2146 = arith.constant dense<0.000000e+00> : vector<1xf32>
      %reduce_sum3A_2147 = vector.multi_reduction <add>, %reduce_sum3A_2145, %reduce_sum3A_2146 [1, 2] : vector<1x64x128xf32> to vector<1xf32>
      %reduce_sum3A_2148 = vector.shape_cast %reduce_sum3A_2147 : vector<1xf32> to vector<1x1x1xf32>
      %reduce_sum3A_2149 = vector.extract %reduce_sum3A_2148[0, 0, 0] : f32 from vector<1x1x1xf32>
      %get3A_2150 = arith.constant 62 : index
      %get3A_2151 = memref.load %arg6[%get3A_2150] : memref<65xf32, #tpu.memory_space<smem>>
      %add3A_2152 = arith.constant 1.000000e+00 : f32
      %add3A_2153 = arith.addf %add3A_2152, %reduce_sum3A_2149 : f32
      %mul3A_2154 = arith.mulf %get3A_2151, %add3A_2153 : f32
      %swap3A_2155 = arith.constant 62 : index
      %swap3A_2156 = memref.load %arg9[%swap3A_2155] : memref<65xf32, #tpu.memory_space<smem>>
      memref.store %mul3A_2154, %arg9[%swap3A_2155] : memref<65xf32, #tpu.memory_space<smem>>
      %eq3A_2157 = arith.constant 63 : i32
      %eq3A_2158 = vector.broadcast %eq3A_2157 : i32 to vector<64x128xi32>
      %eq3A_2159 = arith.cmpi eq, %get3A_896, %eq3A_2158 : vector<64x128xi32>
      %jit3A_2160 = arith.constant 1.000000e+00 : f32
      %jit3A_2161 = arith.constant 0.000000e+00 : f32
      %broadcast_in_dim3A_2162 = vector.broadcast %jit3A_2160 : f32 to vector<64x128xf32>
      %broadcast_in_dim3A_2163 = vector.broadcast %jit3A_2161 : f32 to vector<64x128xf32>
      %select_n3A_2164 = arith.select %eq3A_2159, %broadcast_in_dim3A_2162, %broadcast_in_dim3A_2163 : vector<64x128xi1>, vector<64x128xf32>
      %reduce_sum3A_2165 = vector.shape_cast %select_n3A_2164 : vector<64x128xf32> to vector<1x64x128xf32>
      %reduce_sum3A_2166 = arith.constant dense<0.000000e+00> : vector<1xf32>
      %reduce_sum3A_2167 = vector.multi_reduction <add>, %reduce_sum3A_2165, %reduce_sum3A_2166 [1, 2] : vector<1x64x128xf32> to vector<1xf32>
      %reduce_sum3A_2168 = vector.shape_cast %reduce_sum3A_2167 : vector<1xf32> to vector<1x1x1xf32>
      %reduce_sum3A_2169 = vector.extract %reduce_sum3A_2168[0, 0, 0] : f32 from vector<1x1x1xf32>
      %get3A_2170 = arith.constant 63 : index
      %get3A_2171 = memref.load %arg6[%get3A_2170] : memref<65xf32, #tpu.memory_space<smem>>
      %add3A_2172 = arith.constant 1.000000e+00 : f32
      %add3A_2173 = arith.addf %add3A_2172, %reduce_sum3A_2169 : f32
      %mul3A_2174 = arith.mulf %get3A_2171, %add3A_2173 : f32
      %swap3A_2175 = arith.constant 63 : index
      %swap3A_2176 = memref.load %arg9[%swap3A_2175] : memref<65xf32, #tpu.memory_space<smem>>
      memref.store %mul3A_2174, %arg9[%swap3A_2175] : memref<65xf32, #tpu.memory_space<smem>>
      %eq3A_2177 = arith.constant 64 : i32
      %eq3A_2178 = vector.broadcast %eq3A_2177 : i32 to vector<64x128xi32>
      %eq3A_2179 = arith.cmpi eq, %get3A_896, %eq3A_2178 : vector<64x128xi32>
      %jit3A_2180 = arith.constant 1.000000e+00 : f32
      %jit3A_2181 = arith.constant 0.000000e+00 : f32
      %broadcast_in_dim3A_2182 = vector.broadcast %jit3A_2180 : f32 to vector<64x128xf32>
      %broadcast_in_dim3A_2183 = vector.broadcast %jit3A_2181 : f32 to vector<64x128xf32>
      %select_n3A_2184 = arith.select %eq3A_2179, %broadcast_in_dim3A_2182, %broadcast_in_dim3A_2183 : vector<64x128xi1>, vector<64x128xf32>
      %reduce_sum3A_2185 = vector.shape_cast %select_n3A_2184 : vector<64x128xf32> to vector<1x64x128xf32>
      %reduce_sum3A_2186 = arith.constant dense<0.000000e+00> : vector<1xf32>
      %reduce_sum3A_2187 = vector.multi_reduction <add>, %reduce_sum3A_2185, %reduce_sum3A_2186 [1, 2] : vector<1x64x128xf32> to vector<1xf32>
      %reduce_sum3A_2188 = vector.shape_cast %reduce_sum3A_2187 : vector<1xf32> to vector<1x1x1xf32>
      %reduce_sum3A_2189 = vector.extract %reduce_sum3A_2188[0, 0, 0] : f32 from vector<1x1x1xf32>
      %get3A_2190 = arith.constant 64 : index
      %get3A_2191 = memref.load %arg6[%get3A_2190] : memref<65xf32, #tpu.memory_space<smem>>
      %add3A_2192 = arith.constant 1.000000e+00 : f32
      %add3A_2193 = arith.addf %add3A_2192, %reduce_sum3A_2189 : f32
      %mul3A_2194 = arith.mulf %get3A_2191, %add3A_2193 : f32
      %swap3A_2195 = arith.constant 64 : index
      %swap3A_2196 = memref.load %arg9[%swap3A_2195] : memref<65xf32, #tpu.memory_space<smem>>
      memref.store %mul3A_2194, %arg9[%swap3A_2195] : memref<65xf32, #tpu.memory_space<smem>>
      %swap3A_2197 = arith.constant 0.000000e+00 : f32
      %swap3A_2198 = arith.constant 0 : index
      %swap3A_2199 = arith.constant 0 : index
      %swap3A_2200 = memref.load %arg8[%swap3A_2198, %swap3A_2199] : memref<1x1xf32, #tpu.memory_space<smem>>
      memref.store %swap3A_2197, %arg8[%swap3A_2198, %swap3A_2199] : memref<1x1xf32, #tpu.memory_space<smem>>
    } else {
    }
    %get3A = arith.constant 0 : index
    %get3A_2 = arith.constant 0 : index
    %get3A_3 = arith.constant 0 : index
    %get3A_4 = vector.load %arg1[%get3A, %get3A_2, %get3A_3] : memref<128x32x144xf32, #tpu.memory_space<vmem>>, vector<128x32x144xf32>
    %slice3A = vector.extract_strided_slice %get3A_4 {offsets = [0, 0, 0], sizes = [128, 32, 128], strides = [1, 1, 1]} : vector<128x32x144xf32> to vector<128x32x128xf32>
    %slice3A_5 = vector.extract_strided_slice %get3A_4 {offsets = [0, 0, 128], sizes = [128, 32, 1], strides = [1, 1, 1]} : vector<128x32x144xf32> to vector<128x32x1xf32>
    %squeeze3A = vector.shape_cast %slice3A_5 : vector<128x32x1xf32> to vector<128x32xf32>
    %slice3A_6 = vector.extract_strided_slice %get3A_4 {offsets = [0, 0, 129], sizes = [128, 32, 1], strides = [1, 1, 1]} : vector<128x32x144xf32> to vector<128x32x1xf32>
    %squeeze3A_7 = vector.shape_cast %slice3A_6 : vector<128x32x1xf32> to vector<128x32xf32>
    %get3A_8 = arith.constant 0 : index
    %get3A_9 = arith.constant 0 : index
    %get3A_10 = vector.load %arg2[%get3A_8, %get3A_9] : memref<128x128xf32, #tpu.memory_space<vmem>>, vector<128x128xf32>
    %get3A_11 = arith.constant 0 : index
    %get3A_12 = arith.constant 0 : index
    %get3A_13 = vector.load %arg3[%get3A_11, %get3A_12] : memref<128x128xf32, #tpu.memory_space<vmem>>, vector<128x128xf32>
    %get3A_14 = arith.constant 0 : index
    %get3A_15 = arith.constant 0 : index
    %get3A_16 = vector.load %arg4[%get3A_14, %get3A_15] : memref<128x32xi32, #tpu.memory_space<vmem>>, vector<128x32xi32>
    %broadcast_in_dim3A = arith.constant 0.000000e+00 : f32
    %broadcast_in_dim3A_17 = vector.broadcast %broadcast_in_dim3A : f32 to vector<128x32xf32>
    %eq3A_18 = arith.constant 0 : i32
    %eq3A_19 = vector.broadcast %eq3A_18 : i32 to vector<128x32xi32>
    %eq3A_20 = arith.cmpi eq, %get3A_16, %eq3A_19 : vector<128x32xi32>
    %get3A_21 = arith.constant 0 : index
    %get3A_22 = memref.load %arg9[%get3A_21] : memref<65xf32, #tpu.memory_space<smem>>
    %jit3A = arith.constant 0.000000e+00 : f32
    %broadcast_in_dim3A_23 = vector.broadcast %get3A_22 : f32 to vector<128x32xf32>
    %broadcast_in_dim3A_24 = vector.broadcast %jit3A : f32 to vector<128x32xf32>
    %select_n3A = arith.select %eq3A_20, %broadcast_in_dim3A_23, %broadcast_in_dim3A_24 : vector<128x32xi1>, vector<128x32xf32>
    %add3A = arith.addf %broadcast_in_dim3A_17, %select_n3A : vector<128x32xf32>
    %eq3A_25 = arith.constant 1 : i32
    %eq3A_26 = vector.broadcast %eq3A_25 : i32 to vector<128x32xi32>
    %eq3A_27 = arith.cmpi eq, %get3A_16, %eq3A_26 : vector<128x32xi32>
    %get3A_28 = arith.constant 1 : index
    %get3A_29 = memref.load %arg9[%get3A_28] : memref<65xf32, #tpu.memory_space<smem>>
    %jit3A_30 = arith.constant 0.000000e+00 : f32
    %broadcast_in_dim3A_31 = vector.broadcast %get3A_29 : f32 to vector<128x32xf32>
    %broadcast_in_dim3A_32 = vector.broadcast %jit3A_30 : f32 to vector<128x32xf32>
    %select_n3A_33 = arith.select %eq3A_27, %broadcast_in_dim3A_31, %broadcast_in_dim3A_32 : vector<128x32xi1>, vector<128x32xf32>
    %add3A_34 = arith.addf %add3A, %select_n3A_33 : vector<128x32xf32>
    %eq3A_35 = arith.constant 2 : i32
    %eq3A_36 = vector.broadcast %eq3A_35 : i32 to vector<128x32xi32>
    %eq3A_37 = arith.cmpi eq, %get3A_16, %eq3A_36 : vector<128x32xi32>
    %get3A_38 = arith.constant 2 : index
    %get3A_39 = memref.load %arg9[%get3A_38] : memref<65xf32, #tpu.memory_space<smem>>
    %jit3A_40 = arith.constant 0.000000e+00 : f32
    %broadcast_in_dim3A_41 = vector.broadcast %get3A_39 : f32 to vector<128x32xf32>
    %broadcast_in_dim3A_42 = vector.broadcast %jit3A_40 : f32 to vector<128x32xf32>
    %select_n3A_43 = arith.select %eq3A_37, %broadcast_in_dim3A_41, %broadcast_in_dim3A_42 : vector<128x32xi1>, vector<128x32xf32>
    %add3A_44 = arith.addf %add3A_34, %select_n3A_43 : vector<128x32xf32>
    %eq3A_45 = arith.constant 3 : i32
    %eq3A_46 = vector.broadcast %eq3A_45 : i32 to vector<128x32xi32>
    %eq3A_47 = arith.cmpi eq, %get3A_16, %eq3A_46 : vector<128x32xi32>
    %get3A_48 = arith.constant 3 : index
    %get3A_49 = memref.load %arg9[%get3A_48] : memref<65xf32, #tpu.memory_space<smem>>
    %jit3A_50 = arith.constant 0.000000e+00 : f32
    %broadcast_in_dim3A_51 = vector.broadcast %get3A_49 : f32 to vector<128x32xf32>
    %broadcast_in_dim3A_52 = vector.broadcast %jit3A_50 : f32 to vector<128x32xf32>
    %select_n3A_53 = arith.select %eq3A_47, %broadcast_in_dim3A_51, %broadcast_in_dim3A_52 : vector<128x32xi1>, vector<128x32xf32>
    %add3A_54 = arith.addf %add3A_44, %select_n3A_53 : vector<128x32xf32>
    %eq3A_55 = arith.constant 4 : i32
    %eq3A_56 = vector.broadcast %eq3A_55 : i32 to vector<128x32xi32>
    %eq3A_57 = arith.cmpi eq, %get3A_16, %eq3A_56 : vector<128x32xi32>
    %get3A_58 = arith.constant 4 : index
    %get3A_59 = memref.load %arg9[%get3A_58] : memref<65xf32, #tpu.memory_space<smem>>
    %jit3A_60 = arith.constant 0.000000e+00 : f32
    %broadcast_in_dim3A_61 = vector.broadcast %get3A_59 : f32 to vector<128x32xf32>
    %broadcast_in_dim3A_62 = vector.broadcast %jit3A_60 : f32 to vector<128x32xf32>
    %select_n3A_63 = arith.select %eq3A_57, %broadcast_in_dim3A_61, %broadcast_in_dim3A_62 : vector<128x32xi1>, vector<128x32xf32>
    %add3A_64 = arith.addf %add3A_54, %select_n3A_63 : vector<128x32xf32>
    %eq3A_65 = arith.constant 5 : i32
    %eq3A_66 = vector.broadcast %eq3A_65 : i32 to vector<128x32xi32>
    %eq3A_67 = arith.cmpi eq, %get3A_16, %eq3A_66 : vector<128x32xi32>
    %get3A_68 = arith.constant 5 : index
    %get3A_69 = memref.load %arg9[%get3A_68] : memref<65xf32, #tpu.memory_space<smem>>
    %jit3A_70 = arith.constant 0.000000e+00 : f32
    %broadcast_in_dim3A_71 = vector.broadcast %get3A_69 : f32 to vector<128x32xf32>
    %broadcast_in_dim3A_72 = vector.broadcast %jit3A_70 : f32 to vector<128x32xf32>
    %select_n3A_73 = arith.select %eq3A_67, %broadcast_in_dim3A_71, %broadcast_in_dim3A_72 : vector<128x32xi1>, vector<128x32xf32>
    %add3A_74 = arith.addf %add3A_64, %select_n3A_73 : vector<128x32xf32>
    %eq3A_75 = arith.constant 6 : i32
    %eq3A_76 = vector.broadcast %eq3A_75 : i32 to vector<128x32xi32>
    %eq3A_77 = arith.cmpi eq, %get3A_16, %eq3A_76 : vector<128x32xi32>
    %get3A_78 = arith.constant 6 : index
    %get3A_79 = memref.load %arg9[%get3A_78] : memref<65xf32, #tpu.memory_space<smem>>
    %jit3A_80 = arith.constant 0.000000e+00 : f32
    %broadcast_in_dim3A_81 = vector.broadcast %get3A_79 : f32 to vector<128x32xf32>
    %broadcast_in_dim3A_82 = vector.broadcast %jit3A_80 : f32 to vector<128x32xf32>
    %select_n3A_83 = arith.select %eq3A_77, %broadcast_in_dim3A_81, %broadcast_in_dim3A_82 : vector<128x32xi1>, vector<128x32xf32>
    %add3A_84 = arith.addf %add3A_74, %select_n3A_83 : vector<128x32xf32>
    %eq3A_85 = arith.constant 7 : i32
    %eq3A_86 = vector.broadcast %eq3A_85 : i32 to vector<128x32xi32>
    %eq3A_87 = arith.cmpi eq, %get3A_16, %eq3A_86 : vector<128x32xi32>
    %get3A_88 = arith.constant 7 : index
    %get3A_89 = memref.load %arg9[%get3A_88] : memref<65xf32, #tpu.memory_space<smem>>
    %jit3A_90 = arith.constant 0.000000e+00 : f32
    %broadcast_in_dim3A_91 = vector.broadcast %get3A_89 : f32 to vector<128x32xf32>
    %broadcast_in_dim3A_92 = vector.broadcast %jit3A_90 : f32 to vector<128x32xf32>
    %select_n3A_93 = arith.select %eq3A_87, %broadcast_in_dim3A_91, %broadcast_in_dim3A_92 : vector<128x32xi1>, vector<128x32xf32>
    %add3A_94 = arith.addf %add3A_84, %select_n3A_93 : vector<128x32xf32>
    %eq3A_95 = arith.constant 8 : i32
    %eq3A_96 = vector.broadcast %eq3A_95 : i32 to vector<128x32xi32>
    %eq3A_97 = arith.cmpi eq, %get3A_16, %eq3A_96 : vector<128x32xi32>
    %get3A_98 = arith.constant 8 : index
    %get3A_99 = memref.load %arg9[%get3A_98] : memref<65xf32, #tpu.memory_space<smem>>
    %jit3A_100 = arith.constant 0.000000e+00 : f32
    %broadcast_in_dim3A_101 = vector.broadcast %get3A_99 : f32 to vector<128x32xf32>
    %broadcast_in_dim3A_102 = vector.broadcast %jit3A_100 : f32 to vector<128x32xf32>
    %select_n3A_103 = arith.select %eq3A_97, %broadcast_in_dim3A_101, %broadcast_in_dim3A_102 : vector<128x32xi1>, vector<128x32xf32>
    %add3A_104 = arith.addf %add3A_94, %select_n3A_103 : vector<128x32xf32>
    %eq3A_105 = arith.constant 9 : i32
    %eq3A_106 = vector.broadcast %eq3A_105 : i32 to vector<128x32xi32>
    %eq3A_107 = arith.cmpi eq, %get3A_16, %eq3A_106 : vector<128x32xi32>
    %get3A_108 = arith.constant 9 : index
    %get3A_109 = memref.load %arg9[%get3A_108] : memref<65xf32, #tpu.memory_space<smem>>
    %jit3A_110 = arith.constant 0.000000e+00 : f32
    %broadcast_in_dim3A_111 = vector.broadcast %get3A_109 : f32 to vector<128x32xf32>
    %broadcast_in_dim3A_112 = vector.broadcast %jit3A_110 : f32 to vector<128x32xf32>
    %select_n3A_113 = arith.select %eq3A_107, %broadcast_in_dim3A_111, %broadcast_in_dim3A_112 : vector<128x32xi1>, vector<128x32xf32>
    %add3A_114 = arith.addf %add3A_104, %select_n3A_113 : vector<128x32xf32>
    %eq3A_115 = arith.constant 10 : i32
    %eq3A_116 = vector.broadcast %eq3A_115 : i32 to vector<128x32xi32>
    %eq3A_117 = arith.cmpi eq, %get3A_16, %eq3A_116 : vector<128x32xi32>
    %get3A_118 = arith.constant 10 : index
    %get3A_119 = memref.load %arg9[%get3A_118] : memref<65xf32, #tpu.memory_space<smem>>
    %jit3A_120 = arith.constant 0.000000e+00 : f32
    %broadcast_in_dim3A_121 = vector.broadcast %get3A_119 : f32 to vector<128x32xf32>
    %broadcast_in_dim3A_122 = vector.broadcast %jit3A_120 : f32 to vector<128x32xf32>
    %select_n3A_123 = arith.select %eq3A_117, %broadcast_in_dim3A_121, %broadcast_in_dim3A_122 : vector<128x32xi1>, vector<128x32xf32>
    %add3A_124 = arith.addf %add3A_114, %select_n3A_123 : vector<128x32xf32>
    %eq3A_125 = arith.constant 11 : i32
    %eq3A_126 = vector.broadcast %eq3A_125 : i32 to vector<128x32xi32>
    %eq3A_127 = arith.cmpi eq, %get3A_16, %eq3A_126 : vector<128x32xi32>
    %get3A_128 = arith.constant 11 : index
    %get3A_129 = memref.load %arg9[%get3A_128] : memref<65xf32, #tpu.memory_space<smem>>
    %jit3A_130 = arith.constant 0.000000e+00 : f32
    %broadcast_in_dim3A_131 = vector.broadcast %get3A_129 : f32 to vector<128x32xf32>
    %broadcast_in_dim3A_132 = vector.broadcast %jit3A_130 : f32 to vector<128x32xf32>
    %select_n3A_133 = arith.select %eq3A_127, %broadcast_in_dim3A_131, %broadcast_in_dim3A_132 : vector<128x32xi1>, vector<128x32xf32>
    %add3A_134 = arith.addf %add3A_124, %select_n3A_133 : vector<128x32xf32>
    %eq3A_135 = arith.constant 12 : i32
    %eq3A_136 = vector.broadcast %eq3A_135 : i32 to vector<128x32xi32>
    %eq3A_137 = arith.cmpi eq, %get3A_16, %eq3A_136 : vector<128x32xi32>
    %get3A_138 = arith.constant 12 : index
    %get3A_139 = memref.load %arg9[%get3A_138] : memref<65xf32, #tpu.memory_space<smem>>
    %jit3A_140 = arith.constant 0.000000e+00 : f32
    %broadcast_in_dim3A_141 = vector.broadcast %get3A_139 : f32 to vector<128x32xf32>
    %broadcast_in_dim3A_142 = vector.broadcast %jit3A_140 : f32 to vector<128x32xf32>
    %select_n3A_143 = arith.select %eq3A_137, %broadcast_in_dim3A_141, %broadcast_in_dim3A_142 : vector<128x32xi1>, vector<128x32xf32>
    %add3A_144 = arith.addf %add3A_134, %select_n3A_143 : vector<128x32xf32>
    %eq3A_145 = arith.constant 13 : i32
    %eq3A_146 = vector.broadcast %eq3A_145 : i32 to vector<128x32xi32>
    %eq3A_147 = arith.cmpi eq, %get3A_16, %eq3A_146 : vector<128x32xi32>
    %get3A_148 = arith.constant 13 : index
    %get3A_149 = memref.load %arg9[%get3A_148] : memref<65xf32, #tpu.memory_space<smem>>
    %jit3A_150 = arith.constant 0.000000e+00 : f32
    %broadcast_in_dim3A_151 = vector.broadcast %get3A_149 : f32 to vector<128x32xf32>
    %broadcast_in_dim3A_152 = vector.broadcast %jit3A_150 : f32 to vector<128x32xf32>
    %select_n3A_153 = arith.select %eq3A_147, %broadcast_in_dim3A_151, %broadcast_in_dim3A_152 : vector<128x32xi1>, vector<128x32xf32>
    %add3A_154 = arith.addf %add3A_144, %select_n3A_153 : vector<128x32xf32>
    %eq3A_155 = arith.constant 14 : i32
    %eq3A_156 = vector.broadcast %eq3A_155 : i32 to vector<128x32xi32>
    %eq3A_157 = arith.cmpi eq, %get3A_16, %eq3A_156 : vector<128x32xi32>
    %get3A_158 = arith.constant 14 : index
    %get3A_159 = memref.load %arg9[%get3A_158] : memref<65xf32, #tpu.memory_space<smem>>
    %jit3A_160 = arith.constant 0.000000e+00 : f32
    %broadcast_in_dim3A_161 = vector.broadcast %get3A_159 : f32 to vector<128x32xf32>
    %broadcast_in_dim3A_162 = vector.broadcast %jit3A_160 : f32 to vector<128x32xf32>
    %select_n3A_163 = arith.select %eq3A_157, %broadcast_in_dim3A_161, %broadcast_in_dim3A_162 : vector<128x32xi1>, vector<128x32xf32>
    %add3A_164 = arith.addf %add3A_154, %select_n3A_163 : vector<128x32xf32>
    %eq3A_165 = arith.constant 15 : i32
    %eq3A_166 = vector.broadcast %eq3A_165 : i32 to vector<128x32xi32>
    %eq3A_167 = arith.cmpi eq, %get3A_16, %eq3A_166 : vector<128x32xi32>
    %get3A_168 = arith.constant 15 : index
    %get3A_169 = memref.load %arg9[%get3A_168] : memref<65xf32, #tpu.memory_space<smem>>
    %jit3A_170 = arith.constant 0.000000e+00 : f32
    %broadcast_in_dim3A_171 = vector.broadcast %get3A_169 : f32 to vector<128x32xf32>
    %broadcast_in_dim3A_172 = vector.broadcast %jit3A_170 : f32 to vector<128x32xf32>
    %select_n3A_173 = arith.select %eq3A_167, %broadcast_in_dim3A_171, %broadcast_in_dim3A_172 : vector<128x32xi1>, vector<128x32xf32>
    %add3A_174 = arith.addf %add3A_164, %select_n3A_173 : vector<128x32xf32>
    %eq3A_175 = arith.constant 16 : i32
    %eq3A_176 = vector.broadcast %eq3A_175 : i32 to vector<128x32xi32>
    %eq3A_177 = arith.cmpi eq, %get3A_16, %eq3A_176 : vector<128x32xi32>
    %get3A_178 = arith.constant 16 : index
    %get3A_179 = memref.load %arg9[%get3A_178] : memref<65xf32, #tpu.memory_space<smem>>
    %jit3A_180 = arith.constant 0.000000e+00 : f32
    %broadcast_in_dim3A_181 = vector.broadcast %get3A_179 : f32 to vector<128x32xf32>
    %broadcast_in_dim3A_182 = vector.broadcast %jit3A_180 : f32 to vector<128x32xf32>
    %select_n3A_183 = arith.select %eq3A_177, %broadcast_in_dim3A_181, %broadcast_in_dim3A_182 : vector<128x32xi1>, vector<128x32xf32>
    %add3A_184 = arith.addf %add3A_174, %select_n3A_183 : vector<128x32xf32>
    %eq3A_185 = arith.constant 17 : i32
    %eq3A_186 = vector.broadcast %eq3A_185 : i32 to vector<128x32xi32>
    %eq3A_187 = arith.cmpi eq, %get3A_16, %eq3A_186 : vector<128x32xi32>
    %get3A_188 = arith.constant 17 : index
    %get3A_189 = memref.load %arg9[%get3A_188] : memref<65xf32, #tpu.memory_space<smem>>
    %jit3A_190 = arith.constant 0.000000e+00 : f32
    %broadcast_in_dim3A_191 = vector.broadcast %get3A_189 : f32 to vector<128x32xf32>
    %broadcast_in_dim3A_192 = vector.broadcast %jit3A_190 : f32 to vector<128x32xf32>
    %select_n3A_193 = arith.select %eq3A_187, %broadcast_in_dim3A_191, %broadcast_in_dim3A_192 : vector<128x32xi1>, vector<128x32xf32>
    %add3A_194 = arith.addf %add3A_184, %select_n3A_193 : vector<128x32xf32>
    %eq3A_195 = arith.constant 18 : i32
    %eq3A_196 = vector.broadcast %eq3A_195 : i32 to vector<128x32xi32>
    %eq3A_197 = arith.cmpi eq, %get3A_16, %eq3A_196 : vector<128x32xi32>
    %get3A_198 = arith.constant 18 : index
    %get3A_199 = memref.load %arg9[%get3A_198] : memref<65xf32, #tpu.memory_space<smem>>
    %jit3A_200 = arith.constant 0.000000e+00 : f32
    %broadcast_in_dim3A_201 = vector.broadcast %get3A_199 : f32 to vector<128x32xf32>
    %broadcast_in_dim3A_202 = vector.broadcast %jit3A_200 : f32 to vector<128x32xf32>
    %select_n3A_203 = arith.select %eq3A_197, %broadcast_in_dim3A_201, %broadcast_in_dim3A_202 : vector<128x32xi1>, vector<128x32xf32>
    %add3A_204 = arith.addf %add3A_194, %select_n3A_203 : vector<128x32xf32>
    %eq3A_205 = arith.constant 19 : i32
    %eq3A_206 = vector.broadcast %eq3A_205 : i32 to vector<128x32xi32>
    %eq3A_207 = arith.cmpi eq, %get3A_16, %eq3A_206 : vector<128x32xi32>
    %get3A_208 = arith.constant 19 : index
    %get3A_209 = memref.load %arg9[%get3A_208] : memref<65xf32, #tpu.memory_space<smem>>
    %jit3A_210 = arith.constant 0.000000e+00 : f32
    %broadcast_in_dim3A_211 = vector.broadcast %get3A_209 : f32 to vector<128x32xf32>
    %broadcast_in_dim3A_212 = vector.broadcast %jit3A_210 : f32 to vector<128x32xf32>
    %select_n3A_213 = arith.select %eq3A_207, %broadcast_in_dim3A_211, %broadcast_in_dim3A_212 : vector<128x32xi1>, vector<128x32xf32>
    %add3A_214 = arith.addf %add3A_204, %select_n3A_213 : vector<128x32xf32>
    %eq3A_215 = arith.constant 20 : i32
    %eq3A_216 = vector.broadcast %eq3A_215 : i32 to vector<128x32xi32>
    %eq3A_217 = arith.cmpi eq, %get3A_16, %eq3A_216 : vector<128x32xi32>
    %get3A_218 = arith.constant 20 : index
    %get3A_219 = memref.load %arg9[%get3A_218] : memref<65xf32, #tpu.memory_space<smem>>
    %jit3A_220 = arith.constant 0.000000e+00 : f32
    %broadcast_in_dim3A_221 = vector.broadcast %get3A_219 : f32 to vector<128x32xf32>
    %broadcast_in_dim3A_222 = vector.broadcast %jit3A_220 : f32 to vector<128x32xf32>
    %select_n3A_223 = arith.select %eq3A_217, %broadcast_in_dim3A_221, %broadcast_in_dim3A_222 : vector<128x32xi1>, vector<128x32xf32>
    %add3A_224 = arith.addf %add3A_214, %select_n3A_223 : vector<128x32xf32>
    %eq3A_225 = arith.constant 21 : i32
    %eq3A_226 = vector.broadcast %eq3A_225 : i32 to vector<128x32xi32>
    %eq3A_227 = arith.cmpi eq, %get3A_16, %eq3A_226 : vector<128x32xi32>
    %get3A_228 = arith.constant 21 : index
    %get3A_229 = memref.load %arg9[%get3A_228] : memref<65xf32, #tpu.memory_space<smem>>
    %jit3A_230 = arith.constant 0.000000e+00 : f32
    %broadcast_in_dim3A_231 = vector.broadcast %get3A_229 : f32 to vector<128x32xf32>
    %broadcast_in_dim3A_232 = vector.broadcast %jit3A_230 : f32 to vector<128x32xf32>
    %select_n3A_233 = arith.select %eq3A_227, %broadcast_in_dim3A_231, %broadcast_in_dim3A_232 : vector<128x32xi1>, vector<128x32xf32>
    %add3A_234 = arith.addf %add3A_224, %select_n3A_233 : vector<128x32xf32>
    %eq3A_235 = arith.constant 22 : i32
    %eq3A_236 = vector.broadcast %eq3A_235 : i32 to vector<128x32xi32>
    %eq3A_237 = arith.cmpi eq, %get3A_16, %eq3A_236 : vector<128x32xi32>
    %get3A_238 = arith.constant 22 : index
    %get3A_239 = memref.load %arg9[%get3A_238] : memref<65xf32, #tpu.memory_space<smem>>
    %jit3A_240 = arith.constant 0.000000e+00 : f32
    %broadcast_in_dim3A_241 = vector.broadcast %get3A_239 : f32 to vector<128x32xf32>
    %broadcast_in_dim3A_242 = vector.broadcast %jit3A_240 : f32 to vector<128x32xf32>
    %select_n3A_243 = arith.select %eq3A_237, %broadcast_in_dim3A_241, %broadcast_in_dim3A_242 : vector<128x32xi1>, vector<128x32xf32>
    %add3A_244 = arith.addf %add3A_234, %select_n3A_243 : vector<128x32xf32>
    %eq3A_245 = arith.constant 23 : i32
    %eq3A_246 = vector.broadcast %eq3A_245 : i32 to vector<128x32xi32>
    %eq3A_247 = arith.cmpi eq, %get3A_16, %eq3A_246 : vector<128x32xi32>
    %get3A_248 = arith.constant 23 : index
    %get3A_249 = memref.load %arg9[%get3A_248] : memref<65xf32, #tpu.memory_space<smem>>
    %jit3A_250 = arith.constant 0.000000e+00 : f32
    %broadcast_in_dim3A_251 = vector.broadcast %get3A_249 : f32 to vector<128x32xf32>
    %broadcast_in_dim3A_252 = vector.broadcast %jit3A_250 : f32 to vector<128x32xf32>
    %select_n3A_253 = arith.select %eq3A_247, %broadcast_in_dim3A_251, %broadcast_in_dim3A_252 : vector<128x32xi1>, vector<128x32xf32>
    %add3A_254 = arith.addf %add3A_244, %select_n3A_253 : vector<128x32xf32>
    %eq3A_255 = arith.constant 24 : i32
    %eq3A_256 = vector.broadcast %eq3A_255 : i32 to vector<128x32xi32>
    %eq3A_257 = arith.cmpi eq, %get3A_16, %eq3A_256 : vector<128x32xi32>
    %get3A_258 = arith.constant 24 : index
    %get3A_259 = memref.load %arg9[%get3A_258] : memref<65xf32, #tpu.memory_space<smem>>
    %jit3A_260 = arith.constant 0.000000e+00 : f32
    %broadcast_in_dim3A_261 = vector.broadcast %get3A_259 : f32 to vector<128x32xf32>
    %broadcast_in_dim3A_262 = vector.broadcast %jit3A_260 : f32 to vector<128x32xf32>
    %select_n3A_263 = arith.select %eq3A_257, %broadcast_in_dim3A_261, %broadcast_in_dim3A_262 : vector<128x32xi1>, vector<128x32xf32>
    %add3A_264 = arith.addf %add3A_254, %select_n3A_263 : vector<128x32xf32>
    %eq3A_265 = arith.constant 25 : i32
    %eq3A_266 = vector.broadcast %eq3A_265 : i32 to vector<128x32xi32>
    %eq3A_267 = arith.cmpi eq, %get3A_16, %eq3A_266 : vector<128x32xi32>
    %get3A_268 = arith.constant 25 : index
    %get3A_269 = memref.load %arg9[%get3A_268] : memref<65xf32, #tpu.memory_space<smem>>
    %jit3A_270 = arith.constant 0.000000e+00 : f32
    %broadcast_in_dim3A_271 = vector.broadcast %get3A_269 : f32 to vector<128x32xf32>
    %broadcast_in_dim3A_272 = vector.broadcast %jit3A_270 : f32 to vector<128x32xf32>
    %select_n3A_273 = arith.select %eq3A_267, %broadcast_in_dim3A_271, %broadcast_in_dim3A_272 : vector<128x32xi1>, vector<128x32xf32>
    %add3A_274 = arith.addf %add3A_264, %select_n3A_273 : vector<128x32xf32>
    %eq3A_275 = arith.constant 26 : i32
    %eq3A_276 = vector.broadcast %eq3A_275 : i32 to vector<128x32xi32>
    %eq3A_277 = arith.cmpi eq, %get3A_16, %eq3A_276 : vector<128x32xi32>
    %get3A_278 = arith.constant 26 : index
    %get3A_279 = memref.load %arg9[%get3A_278] : memref<65xf32, #tpu.memory_space<smem>>
    %jit3A_280 = arith.constant 0.000000e+00 : f32
    %broadcast_in_dim3A_281 = vector.broadcast %get3A_279 : f32 to vector<128x32xf32>
    %broadcast_in_dim3A_282 = vector.broadcast %jit3A_280 : f32 to vector<128x32xf32>
    %select_n3A_283 = arith.select %eq3A_277, %broadcast_in_dim3A_281, %broadcast_in_dim3A_282 : vector<128x32xi1>, vector<128x32xf32>
    %add3A_284 = arith.addf %add3A_274, %select_n3A_283 : vector<128x32xf32>
    %eq3A_285 = arith.constant 27 : i32
    %eq3A_286 = vector.broadcast %eq3A_285 : i32 to vector<128x32xi32>
    %eq3A_287 = arith.cmpi eq, %get3A_16, %eq3A_286 : vector<128x32xi32>
    %get3A_288 = arith.constant 27 : index
    %get3A_289 = memref.load %arg9[%get3A_288] : memref<65xf32, #tpu.memory_space<smem>>
    %jit3A_290 = arith.constant 0.000000e+00 : f32
    %broadcast_in_dim3A_291 = vector.broadcast %get3A_289 : f32 to vector<128x32xf32>
    %broadcast_in_dim3A_292 = vector.broadcast %jit3A_290 : f32 to vector<128x32xf32>
    %select_n3A_293 = arith.select %eq3A_287, %broadcast_in_dim3A_291, %broadcast_in_dim3A_292 : vector<128x32xi1>, vector<128x32xf32>
    %add3A_294 = arith.addf %add3A_284, %select_n3A_293 : vector<128x32xf32>
    %eq3A_295 = arith.constant 28 : i32
    %eq3A_296 = vector.broadcast %eq3A_295 : i32 to vector<128x32xi32>
    %eq3A_297 = arith.cmpi eq, %get3A_16, %eq3A_296 : vector<128x32xi32>
    %get3A_298 = arith.constant 28 : index
    %get3A_299 = memref.load %arg9[%get3A_298] : memref<65xf32, #tpu.memory_space<smem>>
    %jit3A_300 = arith.constant 0.000000e+00 : f32
    %broadcast_in_dim3A_301 = vector.broadcast %get3A_299 : f32 to vector<128x32xf32>
    %broadcast_in_dim3A_302 = vector.broadcast %jit3A_300 : f32 to vector<128x32xf32>
    %select_n3A_303 = arith.select %eq3A_297, %broadcast_in_dim3A_301, %broadcast_in_dim3A_302 : vector<128x32xi1>, vector<128x32xf32>
    %add3A_304 = arith.addf %add3A_294, %select_n3A_303 : vector<128x32xf32>
    %eq3A_305 = arith.constant 29 : i32
    %eq3A_306 = vector.broadcast %eq3A_305 : i32 to vector<128x32xi32>
    %eq3A_307 = arith.cmpi eq, %get3A_16, %eq3A_306 : vector<128x32xi32>
    %get3A_308 = arith.constant 29 : index
    %get3A_309 = memref.load %arg9[%get3A_308] : memref<65xf32, #tpu.memory_space<smem>>
    %jit3A_310 = arith.constant 0.000000e+00 : f32
    %broadcast_in_dim3A_311 = vector.broadcast %get3A_309 : f32 to vector<128x32xf32>
    %broadcast_in_dim3A_312 = vector.broadcast %jit3A_310 : f32 to vector<128x32xf32>
    %select_n3A_313 = arith.select %eq3A_307, %broadcast_in_dim3A_311, %broadcast_in_dim3A_312 : vector<128x32xi1>, vector<128x32xf32>
    %add3A_314 = arith.addf %add3A_304, %select_n3A_313 : vector<128x32xf32>
    %eq3A_315 = arith.constant 30 : i32
    %eq3A_316 = vector.broadcast %eq3A_315 : i32 to vector<128x32xi32>
    %eq3A_317 = arith.cmpi eq, %get3A_16, %eq3A_316 : vector<128x32xi32>
    %get3A_318 = arith.constant 30 : index
    %get3A_319 = memref.load %arg9[%get3A_318] : memref<65xf32, #tpu.memory_space<smem>>
    %jit3A_320 = arith.constant 0.000000e+00 : f32
    %broadcast_in_dim3A_321 = vector.broadcast %get3A_319 : f32 to vector<128x32xf32>
    %broadcast_in_dim3A_322 = vector.broadcast %jit3A_320 : f32 to vector<128x32xf32>
    %select_n3A_323 = arith.select %eq3A_317, %broadcast_in_dim3A_321, %broadcast_in_dim3A_322 : vector<128x32xi1>, vector<128x32xf32>
    %add3A_324 = arith.addf %add3A_314, %select_n3A_323 : vector<128x32xf32>
    %eq3A_325 = arith.constant 31 : i32
    %eq3A_326 = vector.broadcast %eq3A_325 : i32 to vector<128x32xi32>
    %eq3A_327 = arith.cmpi eq, %get3A_16, %eq3A_326 : vector<128x32xi32>
    %get3A_328 = arith.constant 31 : index
    %get3A_329 = memref.load %arg9[%get3A_328] : memref<65xf32, #tpu.memory_space<smem>>
    %jit3A_330 = arith.constant 0.000000e+00 : f32
    %broadcast_in_dim3A_331 = vector.broadcast %get3A_329 : f32 to vector<128x32xf32>
    %broadcast_in_dim3A_332 = vector.broadcast %jit3A_330 : f32 to vector<128x32xf32>
    %select_n3A_333 = arith.select %eq3A_327, %broadcast_in_dim3A_331, %broadcast_in_dim3A_332 : vector<128x32xi1>, vector<128x32xf32>
    %add3A_334 = arith.addf %add3A_324, %select_n3A_333 : vector<128x32xf32>
    %eq3A_335 = arith.constant 32 : i32
    %eq3A_336 = vector.broadcast %eq3A_335 : i32 to vector<128x32xi32>
    %eq3A_337 = arith.cmpi eq, %get3A_16, %eq3A_336 : vector<128x32xi32>
    %get3A_338 = arith.constant 32 : index
    %get3A_339 = memref.load %arg9[%get3A_338] : memref<65xf32, #tpu.memory_space<smem>>
    %jit3A_340 = arith.constant 0.000000e+00 : f32
    %broadcast_in_dim3A_341 = vector.broadcast %get3A_339 : f32 to vector<128x32xf32>
    %broadcast_in_dim3A_342 = vector.broadcast %jit3A_340 : f32 to vector<128x32xf32>
    %select_n3A_343 = arith.select %eq3A_337, %broadcast_in_dim3A_341, %broadcast_in_dim3A_342 : vector<128x32xi1>, vector<128x32xf32>
    %add3A_344 = arith.addf %add3A_334, %select_n3A_343 : vector<128x32xf32>
    %eq3A_345 = arith.constant 33 : i32
    %eq3A_346 = vector.broadcast %eq3A_345 : i32 to vector<128x32xi32>
    %eq3A_347 = arith.cmpi eq, %get3A_16, %eq3A_346 : vector<128x32xi32>
    %get3A_348 = arith.constant 33 : index
    %get3A_349 = memref.load %arg9[%get3A_348] : memref<65xf32, #tpu.memory_space<smem>>
    %jit3A_350 = arith.constant 0.000000e+00 : f32
    %broadcast_in_dim3A_351 = vector.broadcast %get3A_349 : f32 to vector<128x32xf32>
    %broadcast_in_dim3A_352 = vector.broadcast %jit3A_350 : f32 to vector<128x32xf32>
    %select_n3A_353 = arith.select %eq3A_347, %broadcast_in_dim3A_351, %broadcast_in_dim3A_352 : vector<128x32xi1>, vector<128x32xf32>
    %add3A_354 = arith.addf %add3A_344, %select_n3A_353 : vector<128x32xf32>
    %eq3A_355 = arith.constant 34 : i32
    %eq3A_356 = vector.broadcast %eq3A_355 : i32 to vector<128x32xi32>
    %eq3A_357 = arith.cmpi eq, %get3A_16, %eq3A_356 : vector<128x32xi32>
    %get3A_358 = arith.constant 34 : index
    %get3A_359 = memref.load %arg9[%get3A_358] : memref<65xf32, #tpu.memory_space<smem>>
    %jit3A_360 = arith.constant 0.000000e+00 : f32
    %broadcast_in_dim3A_361 = vector.broadcast %get3A_359 : f32 to vector<128x32xf32>
    %broadcast_in_dim3A_362 = vector.broadcast %jit3A_360 : f32 to vector<128x32xf32>
    %select_n3A_363 = arith.select %eq3A_357, %broadcast_in_dim3A_361, %broadcast_in_dim3A_362 : vector<128x32xi1>, vector<128x32xf32>
    %add3A_364 = arith.addf %add3A_354, %select_n3A_363 : vector<128x32xf32>
    %eq3A_365 = arith.constant 35 : i32
    %eq3A_366 = vector.broadcast %eq3A_365 : i32 to vector<128x32xi32>
    %eq3A_367 = arith.cmpi eq, %get3A_16, %eq3A_366 : vector<128x32xi32>
    %get3A_368 = arith.constant 35 : index
    %get3A_369 = memref.load %arg9[%get3A_368] : memref<65xf32, #tpu.memory_space<smem>>
    %jit3A_370 = arith.constant 0.000000e+00 : f32
    %broadcast_in_dim3A_371 = vector.broadcast %get3A_369 : f32 to vector<128x32xf32>
    %broadcast_in_dim3A_372 = vector.broadcast %jit3A_370 : f32 to vector<128x32xf32>
    %select_n3A_373 = arith.select %eq3A_367, %broadcast_in_dim3A_371, %broadcast_in_dim3A_372 : vector<128x32xi1>, vector<128x32xf32>
    %add3A_374 = arith.addf %add3A_364, %select_n3A_373 : vector<128x32xf32>
    %eq3A_375 = arith.constant 36 : i32
    %eq3A_376 = vector.broadcast %eq3A_375 : i32 to vector<128x32xi32>
    %eq3A_377 = arith.cmpi eq, %get3A_16, %eq3A_376 : vector<128x32xi32>
    %get3A_378 = arith.constant 36 : index
    %get3A_379 = memref.load %arg9[%get3A_378] : memref<65xf32, #tpu.memory_space<smem>>
    %jit3A_380 = arith.constant 0.000000e+00 : f32
    %broadcast_in_dim3A_381 = vector.broadcast %get3A_379 : f32 to vector<128x32xf32>
    %broadcast_in_dim3A_382 = vector.broadcast %jit3A_380 : f32 to vector<128x32xf32>
    %select_n3A_383 = arith.select %eq3A_377, %broadcast_in_dim3A_381, %broadcast_in_dim3A_382 : vector<128x32xi1>, vector<128x32xf32>
    %add3A_384 = arith.addf %add3A_374, %select_n3A_383 : vector<128x32xf32>
    %eq3A_385 = arith.constant 37 : i32
    %eq3A_386 = vector.broadcast %eq3A_385 : i32 to vector<128x32xi32>
    %eq3A_387 = arith.cmpi eq, %get3A_16, %eq3A_386 : vector<128x32xi32>
    %get3A_388 = arith.constant 37 : index
    %get3A_389 = memref.load %arg9[%get3A_388] : memref<65xf32, #tpu.memory_space<smem>>
    %jit3A_390 = arith.constant 0.000000e+00 : f32
    %broadcast_in_dim3A_391 = vector.broadcast %get3A_389 : f32 to vector<128x32xf32>
    %broadcast_in_dim3A_392 = vector.broadcast %jit3A_390 : f32 to vector<128x32xf32>
    %select_n3A_393 = arith.select %eq3A_387, %broadcast_in_dim3A_391, %broadcast_in_dim3A_392 : vector<128x32xi1>, vector<128x32xf32>
    %add3A_394 = arith.addf %add3A_384, %select_n3A_393 : vector<128x32xf32>
    %eq3A_395 = arith.constant 38 : i32
    %eq3A_396 = vector.broadcast %eq3A_395 : i32 to vector<128x32xi32>
    %eq3A_397 = arith.cmpi eq, %get3A_16, %eq3A_396 : vector<128x32xi32>
    %get3A_398 = arith.constant 38 : index
    %get3A_399 = memref.load %arg9[%get3A_398] : memref<65xf32, #tpu.memory_space<smem>>
    %jit3A_400 = arith.constant 0.000000e+00 : f32
    %broadcast_in_dim3A_401 = vector.broadcast %get3A_399 : f32 to vector<128x32xf32>
    %broadcast_in_dim3A_402 = vector.broadcast %jit3A_400 : f32 to vector<128x32xf32>
    %select_n3A_403 = arith.select %eq3A_397, %broadcast_in_dim3A_401, %broadcast_in_dim3A_402 : vector<128x32xi1>, vector<128x32xf32>
    %add3A_404 = arith.addf %add3A_394, %select_n3A_403 : vector<128x32xf32>
    %eq3A_405 = arith.constant 39 : i32
    %eq3A_406 = vector.broadcast %eq3A_405 : i32 to vector<128x32xi32>
    %eq3A_407 = arith.cmpi eq, %get3A_16, %eq3A_406 : vector<128x32xi32>
    %get3A_408 = arith.constant 39 : index
    %get3A_409 = memref.load %arg9[%get3A_408] : memref<65xf32, #tpu.memory_space<smem>>
    %jit3A_410 = arith.constant 0.000000e+00 : f32
    %broadcast_in_dim3A_411 = vector.broadcast %get3A_409 : f32 to vector<128x32xf32>
    %broadcast_in_dim3A_412 = vector.broadcast %jit3A_410 : f32 to vector<128x32xf32>
    %select_n3A_413 = arith.select %eq3A_407, %broadcast_in_dim3A_411, %broadcast_in_dim3A_412 : vector<128x32xi1>, vector<128x32xf32>
    %add3A_414 = arith.addf %add3A_404, %select_n3A_413 : vector<128x32xf32>
    %eq3A_415 = arith.constant 40 : i32
    %eq3A_416 = vector.broadcast %eq3A_415 : i32 to vector<128x32xi32>
    %eq3A_417 = arith.cmpi eq, %get3A_16, %eq3A_416 : vector<128x32xi32>
    %get3A_418 = arith.constant 40 : index
    %get3A_419 = memref.load %arg9[%get3A_418] : memref<65xf32, #tpu.memory_space<smem>>
    %jit3A_420 = arith.constant 0.000000e+00 : f32
    %broadcast_in_dim3A_421 = vector.broadcast %get3A_419 : f32 to vector<128x32xf32>
    %broadcast_in_dim3A_422 = vector.broadcast %jit3A_420 : f32 to vector<128x32xf32>
    %select_n3A_423 = arith.select %eq3A_417, %broadcast_in_dim3A_421, %broadcast_in_dim3A_422 : vector<128x32xi1>, vector<128x32xf32>
    %add3A_424 = arith.addf %add3A_414, %select_n3A_423 : vector<128x32xf32>
    %eq3A_425 = arith.constant 41 : i32
    %eq3A_426 = vector.broadcast %eq3A_425 : i32 to vector<128x32xi32>
    %eq3A_427 = arith.cmpi eq, %get3A_16, %eq3A_426 : vector<128x32xi32>
    %get3A_428 = arith.constant 41 : index
    %get3A_429 = memref.load %arg9[%get3A_428] : memref<65xf32, #tpu.memory_space<smem>>
    %jit3A_430 = arith.constant 0.000000e+00 : f32
    %broadcast_in_dim3A_431 = vector.broadcast %get3A_429 : f32 to vector<128x32xf32>
    %broadcast_in_dim3A_432 = vector.broadcast %jit3A_430 : f32 to vector<128x32xf32>
    %select_n3A_433 = arith.select %eq3A_427, %broadcast_in_dim3A_431, %broadcast_in_dim3A_432 : vector<128x32xi1>, vector<128x32xf32>
    %add3A_434 = arith.addf %add3A_424, %select_n3A_433 : vector<128x32xf32>
    %eq3A_435 = arith.constant 42 : i32
    %eq3A_436 = vector.broadcast %eq3A_435 : i32 to vector<128x32xi32>
    %eq3A_437 = arith.cmpi eq, %get3A_16, %eq3A_436 : vector<128x32xi32>
    %get3A_438 = arith.constant 42 : index
    %get3A_439 = memref.load %arg9[%get3A_438] : memref<65xf32, #tpu.memory_space<smem>>
    %jit3A_440 = arith.constant 0.000000e+00 : f32
    %broadcast_in_dim3A_441 = vector.broadcast %get3A_439 : f32 to vector<128x32xf32>
    %broadcast_in_dim3A_442 = vector.broadcast %jit3A_440 : f32 to vector<128x32xf32>
    %select_n3A_443 = arith.select %eq3A_437, %broadcast_in_dim3A_441, %broadcast_in_dim3A_442 : vector<128x32xi1>, vector<128x32xf32>
    %add3A_444 = arith.addf %add3A_434, %select_n3A_443 : vector<128x32xf32>
    %eq3A_445 = arith.constant 43 : i32
    %eq3A_446 = vector.broadcast %eq3A_445 : i32 to vector<128x32xi32>
    %eq3A_447 = arith.cmpi eq, %get3A_16, %eq3A_446 : vector<128x32xi32>
    %get3A_448 = arith.constant 43 : index
    %get3A_449 = memref.load %arg9[%get3A_448] : memref<65xf32, #tpu.memory_space<smem>>
    %jit3A_450 = arith.constant 0.000000e+00 : f32
    %broadcast_in_dim3A_451 = vector.broadcast %get3A_449 : f32 to vector<128x32xf32>
    %broadcast_in_dim3A_452 = vector.broadcast %jit3A_450 : f32 to vector<128x32xf32>
    %select_n3A_453 = arith.select %eq3A_447, %broadcast_in_dim3A_451, %broadcast_in_dim3A_452 : vector<128x32xi1>, vector<128x32xf32>
    %add3A_454 = arith.addf %add3A_444, %select_n3A_453 : vector<128x32xf32>
    %eq3A_455 = arith.constant 44 : i32
    %eq3A_456 = vector.broadcast %eq3A_455 : i32 to vector<128x32xi32>
    %eq3A_457 = arith.cmpi eq, %get3A_16, %eq3A_456 : vector<128x32xi32>
    %get3A_458 = arith.constant 44 : index
    %get3A_459 = memref.load %arg9[%get3A_458] : memref<65xf32, #tpu.memory_space<smem>>
    %jit3A_460 = arith.constant 0.000000e+00 : f32
    %broadcast_in_dim3A_461 = vector.broadcast %get3A_459 : f32 to vector<128x32xf32>
    %broadcast_in_dim3A_462 = vector.broadcast %jit3A_460 : f32 to vector<128x32xf32>
    %select_n3A_463 = arith.select %eq3A_457, %broadcast_in_dim3A_461, %broadcast_in_dim3A_462 : vector<128x32xi1>, vector<128x32xf32>
    %add3A_464 = arith.addf %add3A_454, %select_n3A_463 : vector<128x32xf32>
    %eq3A_465 = arith.constant 45 : i32
    %eq3A_466 = vector.broadcast %eq3A_465 : i32 to vector<128x32xi32>
    %eq3A_467 = arith.cmpi eq, %get3A_16, %eq3A_466 : vector<128x32xi32>
    %get3A_468 = arith.constant 45 : index
    %get3A_469 = memref.load %arg9[%get3A_468] : memref<65xf32, #tpu.memory_space<smem>>
    %jit3A_470 = arith.constant 0.000000e+00 : f32
    %broadcast_in_dim3A_471 = vector.broadcast %get3A_469 : f32 to vector<128x32xf32>
    %broadcast_in_dim3A_472 = vector.broadcast %jit3A_470 : f32 to vector<128x32xf32>
    %select_n3A_473 = arith.select %eq3A_467, %broadcast_in_dim3A_471, %broadcast_in_dim3A_472 : vector<128x32xi1>, vector<128x32xf32>
    %add3A_474 = arith.addf %add3A_464, %select_n3A_473 : vector<128x32xf32>
    %eq3A_475 = arith.constant 46 : i32
    %eq3A_476 = vector.broadcast %eq3A_475 : i32 to vector<128x32xi32>
    %eq3A_477 = arith.cmpi eq, %get3A_16, %eq3A_476 : vector<128x32xi32>
    %get3A_478 = arith.constant 46 : index
    %get3A_479 = memref.load %arg9[%get3A_478] : memref<65xf32, #tpu.memory_space<smem>>
    %jit3A_480 = arith.constant 0.000000e+00 : f32
    %broadcast_in_dim3A_481 = vector.broadcast %get3A_479 : f32 to vector<128x32xf32>
    %broadcast_in_dim3A_482 = vector.broadcast %jit3A_480 : f32 to vector<128x32xf32>
    %select_n3A_483 = arith.select %eq3A_477, %broadcast_in_dim3A_481, %broadcast_in_dim3A_482 : vector<128x32xi1>, vector<128x32xf32>
    %add3A_484 = arith.addf %add3A_474, %select_n3A_483 : vector<128x32xf32>
    %eq3A_485 = arith.constant 47 : i32
    %eq3A_486 = vector.broadcast %eq3A_485 : i32 to vector<128x32xi32>
    %eq3A_487 = arith.cmpi eq, %get3A_16, %eq3A_486 : vector<128x32xi32>
    %get3A_488 = arith.constant 47 : index
    %get3A_489 = memref.load %arg9[%get3A_488] : memref<65xf32, #tpu.memory_space<smem>>
    %jit3A_490 = arith.constant 0.000000e+00 : f32
    %broadcast_in_dim3A_491 = vector.broadcast %get3A_489 : f32 to vector<128x32xf32>
    %broadcast_in_dim3A_492 = vector.broadcast %jit3A_490 : f32 to vector<128x32xf32>
    %select_n3A_493 = arith.select %eq3A_487, %broadcast_in_dim3A_491, %broadcast_in_dim3A_492 : vector<128x32xi1>, vector<128x32xf32>
    %add3A_494 = arith.addf %add3A_484, %select_n3A_493 : vector<128x32xf32>
    %eq3A_495 = arith.constant 48 : i32
    %eq3A_496 = vector.broadcast %eq3A_495 : i32 to vector<128x32xi32>
    %eq3A_497 = arith.cmpi eq, %get3A_16, %eq3A_496 : vector<128x32xi32>
    %get3A_498 = arith.constant 48 : index
    %get3A_499 = memref.load %arg9[%get3A_498] : memref<65xf32, #tpu.memory_space<smem>>
    %jit3A_500 = arith.constant 0.000000e+00 : f32
    %broadcast_in_dim3A_501 = vector.broadcast %get3A_499 : f32 to vector<128x32xf32>
    %broadcast_in_dim3A_502 = vector.broadcast %jit3A_500 : f32 to vector<128x32xf32>
    %select_n3A_503 = arith.select %eq3A_497, %broadcast_in_dim3A_501, %broadcast_in_dim3A_502 : vector<128x32xi1>, vector<128x32xf32>
    %add3A_504 = arith.addf %add3A_494, %select_n3A_503 : vector<128x32xf32>
    %eq3A_505 = arith.constant 49 : i32
    %eq3A_506 = vector.broadcast %eq3A_505 : i32 to vector<128x32xi32>
    %eq3A_507 = arith.cmpi eq, %get3A_16, %eq3A_506 : vector<128x32xi32>
    %get3A_508 = arith.constant 49 : index
    %get3A_509 = memref.load %arg9[%get3A_508] : memref<65xf32, #tpu.memory_space<smem>>
    %jit3A_510 = arith.constant 0.000000e+00 : f32
    %broadcast_in_dim3A_511 = vector.broadcast %get3A_509 : f32 to vector<128x32xf32>
    %broadcast_in_dim3A_512 = vector.broadcast %jit3A_510 : f32 to vector<128x32xf32>
    %select_n3A_513 = arith.select %eq3A_507, %broadcast_in_dim3A_511, %broadcast_in_dim3A_512 : vector<128x32xi1>, vector<128x32xf32>
    %add3A_514 = arith.addf %add3A_504, %select_n3A_513 : vector<128x32xf32>
    %eq3A_515 = arith.constant 50 : i32
    %eq3A_516 = vector.broadcast %eq3A_515 : i32 to vector<128x32xi32>
    %eq3A_517 = arith.cmpi eq, %get3A_16, %eq3A_516 : vector<128x32xi32>
    %get3A_518 = arith.constant 50 : index
    %get3A_519 = memref.load %arg9[%get3A_518] : memref<65xf32, #tpu.memory_space<smem>>
    %jit3A_520 = arith.constant 0.000000e+00 : f32
    %broadcast_in_dim3A_521 = vector.broadcast %get3A_519 : f32 to vector<128x32xf32>
    %broadcast_in_dim3A_522 = vector.broadcast %jit3A_520 : f32 to vector<128x32xf32>
    %select_n3A_523 = arith.select %eq3A_517, %broadcast_in_dim3A_521, %broadcast_in_dim3A_522 : vector<128x32xi1>, vector<128x32xf32>
    %add3A_524 = arith.addf %add3A_514, %select_n3A_523 : vector<128x32xf32>
    %eq3A_525 = arith.constant 51 : i32
    %eq3A_526 = vector.broadcast %eq3A_525 : i32 to vector<128x32xi32>
    %eq3A_527 = arith.cmpi eq, %get3A_16, %eq3A_526 : vector<128x32xi32>
    %get3A_528 = arith.constant 51 : index
    %get3A_529 = memref.load %arg9[%get3A_528] : memref<65xf32, #tpu.memory_space<smem>>
    %jit3A_530 = arith.constant 0.000000e+00 : f32
    %broadcast_in_dim3A_531 = vector.broadcast %get3A_529 : f32 to vector<128x32xf32>
    %broadcast_in_dim3A_532 = vector.broadcast %jit3A_530 : f32 to vector<128x32xf32>
    %select_n3A_533 = arith.select %eq3A_527, %broadcast_in_dim3A_531, %broadcast_in_dim3A_532 : vector<128x32xi1>, vector<128x32xf32>
    %add3A_534 = arith.addf %add3A_524, %select_n3A_533 : vector<128x32xf32>
    %eq3A_535 = arith.constant 52 : i32
    %eq3A_536 = vector.broadcast %eq3A_535 : i32 to vector<128x32xi32>
    %eq3A_537 = arith.cmpi eq, %get3A_16, %eq3A_536 : vector<128x32xi32>
    %get3A_538 = arith.constant 52 : index
    %get3A_539 = memref.load %arg9[%get3A_538] : memref<65xf32, #tpu.memory_space<smem>>
    %jit3A_540 = arith.constant 0.000000e+00 : f32
    %broadcast_in_dim3A_541 = vector.broadcast %get3A_539 : f32 to vector<128x32xf32>
    %broadcast_in_dim3A_542 = vector.broadcast %jit3A_540 : f32 to vector<128x32xf32>
    %select_n3A_543 = arith.select %eq3A_537, %broadcast_in_dim3A_541, %broadcast_in_dim3A_542 : vector<128x32xi1>, vector<128x32xf32>
    %add3A_544 = arith.addf %add3A_534, %select_n3A_543 : vector<128x32xf32>
    %eq3A_545 = arith.constant 53 : i32
    %eq3A_546 = vector.broadcast %eq3A_545 : i32 to vector<128x32xi32>
    %eq3A_547 = arith.cmpi eq, %get3A_16, %eq3A_546 : vector<128x32xi32>
    %get3A_548 = arith.constant 53 : index
    %get3A_549 = memref.load %arg9[%get3A_548] : memref<65xf32, #tpu.memory_space<smem>>
    %jit3A_550 = arith.constant 0.000000e+00 : f32
    %broadcast_in_dim3A_551 = vector.broadcast %get3A_549 : f32 to vector<128x32xf32>
    %broadcast_in_dim3A_552 = vector.broadcast %jit3A_550 : f32 to vector<128x32xf32>
    %select_n3A_553 = arith.select %eq3A_547, %broadcast_in_dim3A_551, %broadcast_in_dim3A_552 : vector<128x32xi1>, vector<128x32xf32>
    %add3A_554 = arith.addf %add3A_544, %select_n3A_553 : vector<128x32xf32>
    %eq3A_555 = arith.constant 54 : i32
    %eq3A_556 = vector.broadcast %eq3A_555 : i32 to vector<128x32xi32>
    %eq3A_557 = arith.cmpi eq, %get3A_16, %eq3A_556 : vector<128x32xi32>
    %get3A_558 = arith.constant 54 : index
    %get3A_559 = memref.load %arg9[%get3A_558] : memref<65xf32, #tpu.memory_space<smem>>
    %jit3A_560 = arith.constant 0.000000e+00 : f32
    %broadcast_in_dim3A_561 = vector.broadcast %get3A_559 : f32 to vector<128x32xf32>
    %broadcast_in_dim3A_562 = vector.broadcast %jit3A_560 : f32 to vector<128x32xf32>
    %select_n3A_563 = arith.select %eq3A_557, %broadcast_in_dim3A_561, %broadcast_in_dim3A_562 : vector<128x32xi1>, vector<128x32xf32>
    %add3A_564 = arith.addf %add3A_554, %select_n3A_563 : vector<128x32xf32>
    %eq3A_565 = arith.constant 55 : i32
    %eq3A_566 = vector.broadcast %eq3A_565 : i32 to vector<128x32xi32>
    %eq3A_567 = arith.cmpi eq, %get3A_16, %eq3A_566 : vector<128x32xi32>
    %get3A_568 = arith.constant 55 : index
    %get3A_569 = memref.load %arg9[%get3A_568] : memref<65xf32, #tpu.memory_space<smem>>
    %jit3A_570 = arith.constant 0.000000e+00 : f32
    %broadcast_in_dim3A_571 = vector.broadcast %get3A_569 : f32 to vector<128x32xf32>
    %broadcast_in_dim3A_572 = vector.broadcast %jit3A_570 : f32 to vector<128x32xf32>
    %select_n3A_573 = arith.select %eq3A_567, %broadcast_in_dim3A_571, %broadcast_in_dim3A_572 : vector<128x32xi1>, vector<128x32xf32>
    %add3A_574 = arith.addf %add3A_564, %select_n3A_573 : vector<128x32xf32>
    %eq3A_575 = arith.constant 56 : i32
    %eq3A_576 = vector.broadcast %eq3A_575 : i32 to vector<128x32xi32>
    %eq3A_577 = arith.cmpi eq, %get3A_16, %eq3A_576 : vector<128x32xi32>
    %get3A_578 = arith.constant 56 : index
    %get3A_579 = memref.load %arg9[%get3A_578] : memref<65xf32, #tpu.memory_space<smem>>
    %jit3A_580 = arith.constant 0.000000e+00 : f32
    %broadcast_in_dim3A_581 = vector.broadcast %get3A_579 : f32 to vector<128x32xf32>
    %broadcast_in_dim3A_582 = vector.broadcast %jit3A_580 : f32 to vector<128x32xf32>
    %select_n3A_583 = arith.select %eq3A_577, %broadcast_in_dim3A_581, %broadcast_in_dim3A_582 : vector<128x32xi1>, vector<128x32xf32>
    %add3A_584 = arith.addf %add3A_574, %select_n3A_583 : vector<128x32xf32>
    %eq3A_585 = arith.constant 57 : i32
    %eq3A_586 = vector.broadcast %eq3A_585 : i32 to vector<128x32xi32>
    %eq3A_587 = arith.cmpi eq, %get3A_16, %eq3A_586 : vector<128x32xi32>
    %get3A_588 = arith.constant 57 : index
    %get3A_589 = memref.load %arg9[%get3A_588] : memref<65xf32, #tpu.memory_space<smem>>
    %jit3A_590 = arith.constant 0.000000e+00 : f32
    %broadcast_in_dim3A_591 = vector.broadcast %get3A_589 : f32 to vector<128x32xf32>
    %broadcast_in_dim3A_592 = vector.broadcast %jit3A_590 : f32 to vector<128x32xf32>
    %select_n3A_593 = arith.select %eq3A_587, %broadcast_in_dim3A_591, %broadcast_in_dim3A_592 : vector<128x32xi1>, vector<128x32xf32>
    %add3A_594 = arith.addf %add3A_584, %select_n3A_593 : vector<128x32xf32>
    %eq3A_595 = arith.constant 58 : i32
    %eq3A_596 = vector.broadcast %eq3A_595 : i32 to vector<128x32xi32>
    %eq3A_597 = arith.cmpi eq, %get3A_16, %eq3A_596 : vector<128x32xi32>
    %get3A_598 = arith.constant 58 : index
    %get3A_599 = memref.load %arg9[%get3A_598] : memref<65xf32, #tpu.memory_space<smem>>
    %jit3A_600 = arith.constant 0.000000e+00 : f32
    %broadcast_in_dim3A_601 = vector.broadcast %get3A_599 : f32 to vector<128x32xf32>
    %broadcast_in_dim3A_602 = vector.broadcast %jit3A_600 : f32 to vector<128x32xf32>
    %select_n3A_603 = arith.select %eq3A_597, %broadcast_in_dim3A_601, %broadcast_in_dim3A_602 : vector<128x32xi1>, vector<128x32xf32>
    %add3A_604 = arith.addf %add3A_594, %select_n3A_603 : vector<128x32xf32>
    %eq3A_605 = arith.constant 59 : i32
    %eq3A_606 = vector.broadcast %eq3A_605 : i32 to vector<128x32xi32>
    %eq3A_607 = arith.cmpi eq, %get3A_16, %eq3A_606 : vector<128x32xi32>
    %get3A_608 = arith.constant 59 : index
    %get3A_609 = memref.load %arg9[%get3A_608] : memref<65xf32, #tpu.memory_space<smem>>
    %jit3A_610 = arith.constant 0.000000e+00 : f32
    %broadcast_in_dim3A_611 = vector.broadcast %get3A_609 : f32 to vector<128x32xf32>
    %broadcast_in_dim3A_612 = vector.broadcast %jit3A_610 : f32 to vector<128x32xf32>
    %select_n3A_613 = arith.select %eq3A_607, %broadcast_in_dim3A_611, %broadcast_in_dim3A_612 : vector<128x32xi1>, vector<128x32xf32>
    %add3A_614 = arith.addf %add3A_604, %select_n3A_613 : vector<128x32xf32>
    %eq3A_615 = arith.constant 60 : i32
    %eq3A_616 = vector.broadcast %eq3A_615 : i32 to vector<128x32xi32>
    %eq3A_617 = arith.cmpi eq, %get3A_16, %eq3A_616 : vector<128x32xi32>
    %get3A_618 = arith.constant 60 : index
    %get3A_619 = memref.load %arg9[%get3A_618] : memref<65xf32, #tpu.memory_space<smem>>
    %jit3A_620 = arith.constant 0.000000e+00 : f32
    %broadcast_in_dim3A_621 = vector.broadcast %get3A_619 : f32 to vector<128x32xf32>
    %broadcast_in_dim3A_622 = vector.broadcast %jit3A_620 : f32 to vector<128x32xf32>
    %select_n3A_623 = arith.select %eq3A_617, %broadcast_in_dim3A_621, %broadcast_in_dim3A_622 : vector<128x32xi1>, vector<128x32xf32>
    %add3A_624 = arith.addf %add3A_614, %select_n3A_623 : vector<128x32xf32>
    %eq3A_625 = arith.constant 61 : i32
    %eq3A_626 = vector.broadcast %eq3A_625 : i32 to vector<128x32xi32>
    %eq3A_627 = arith.cmpi eq, %get3A_16, %eq3A_626 : vector<128x32xi32>
    %get3A_628 = arith.constant 61 : index
    %get3A_629 = memref.load %arg9[%get3A_628] : memref<65xf32, #tpu.memory_space<smem>>
    %jit3A_630 = arith.constant 0.000000e+00 : f32
    %broadcast_in_dim3A_631 = vector.broadcast %get3A_629 : f32 to vector<128x32xf32>
    %broadcast_in_dim3A_632 = vector.broadcast %jit3A_630 : f32 to vector<128x32xf32>
    %select_n3A_633 = arith.select %eq3A_627, %broadcast_in_dim3A_631, %broadcast_in_dim3A_632 : vector<128x32xi1>, vector<128x32xf32>
    %add3A_634 = arith.addf %add3A_624, %select_n3A_633 : vector<128x32xf32>
    %eq3A_635 = arith.constant 62 : i32
    %eq3A_636 = vector.broadcast %eq3A_635 : i32 to vector<128x32xi32>
    %eq3A_637 = arith.cmpi eq, %get3A_16, %eq3A_636 : vector<128x32xi32>
    %get3A_638 = arith.constant 62 : index
    %get3A_639 = memref.load %arg9[%get3A_638] : memref<65xf32, #tpu.memory_space<smem>>
    %jit3A_640 = arith.constant 0.000000e+00 : f32
    %broadcast_in_dim3A_641 = vector.broadcast %get3A_639 : f32 to vector<128x32xf32>
    %broadcast_in_dim3A_642 = vector.broadcast %jit3A_640 : f32 to vector<128x32xf32>
    %select_n3A_643 = arith.select %eq3A_637, %broadcast_in_dim3A_641, %broadcast_in_dim3A_642 : vector<128x32xi1>, vector<128x32xf32>
    %add3A_644 = arith.addf %add3A_634, %select_n3A_643 : vector<128x32xf32>
    %eq3A_645 = arith.constant 63 : i32
    %eq3A_646 = vector.broadcast %eq3A_645 : i32 to vector<128x32xi32>
    %eq3A_647 = arith.cmpi eq, %get3A_16, %eq3A_646 : vector<128x32xi32>
    %get3A_648 = arith.constant 63 : index
    %get3A_649 = memref.load %arg9[%get3A_648] : memref<65xf32, #tpu.memory_space<smem>>
    %jit3A_650 = arith.constant 0.000000e+00 : f32
    %broadcast_in_dim3A_651 = vector.broadcast %get3A_649 : f32 to vector<128x32xf32>
    %broadcast_in_dim3A_652 = vector.broadcast %jit3A_650 : f32 to vector<128x32xf32>
    %select_n3A_653 = arith.select %eq3A_647, %broadcast_in_dim3A_651, %broadcast_in_dim3A_652 : vector<128x32xi1>, vector<128x32xf32>
    %add3A_654 = arith.addf %add3A_644, %select_n3A_653 : vector<128x32xf32>
    %eq3A_655 = arith.constant 64 : i32
    %eq3A_656 = vector.broadcast %eq3A_655 : i32 to vector<128x32xi32>
    %eq3A_657 = arith.cmpi eq, %get3A_16, %eq3A_656 : vector<128x32xi32>
    %get3A_658 = arith.constant 64 : index
    %get3A_659 = memref.load %arg9[%get3A_658] : memref<65xf32, #tpu.memory_space<smem>>
    %jit3A_660 = arith.constant 0.000000e+00 : f32
    %broadcast_in_dim3A_661 = vector.broadcast %get3A_659 : f32 to vector<128x32xf32>
    %broadcast_in_dim3A_662 = vector.broadcast %jit3A_660 : f32 to vector<128x32xf32>
    %select_n3A_663 = arith.select %eq3A_657, %broadcast_in_dim3A_661, %broadcast_in_dim3A_662 : vector<128x32xi1>, vector<128x32xf32>
    %add3A_664 = arith.addf %add3A_654, %select_n3A_663 : vector<128x32xf32>
    %broadcast_in_dim3A_665 = arith.constant 0.000000e+00 : f32
    %broadcast_in_dim3A_666 = vector.broadcast %broadcast_in_dim3A_665 : f32 to vector<128x32xf32>
    %eq3A_667 = arith.constant 0.000000e+00 : f32
    %eq3A_668 = vector.broadcast %eq3A_667 : f32 to vector<128x32xf32>
    %eq3A_669 = arith.cmpf oeq, %squeeze3A_7, %eq3A_668 : vector<128x32xf32>
    %get3A_670 = arith.constant 0 : index
    %get3A_671 = memref.load %arg7[%get3A_670] : memref<17xf32, #tpu.memory_space<smem>>
    %jit3A_672 = arith.constant 0.000000e+00 : f32
    %broadcast_in_dim3A_673 = vector.broadcast %get3A_671 : f32 to vector<128x32xf32>
    %broadcast_in_dim3A_674 = vector.broadcast %jit3A_672 : f32 to vector<128x32xf32>
    %select_n3A_675 = arith.select %eq3A_669, %broadcast_in_dim3A_673, %broadcast_in_dim3A_674 : vector<128x32xi1>, vector<128x32xf32>
    %add3A_676 = arith.addf %broadcast_in_dim3A_666, %select_n3A_675 : vector<128x32xf32>
    %eq3A_677 = arith.constant 1.000000e+00 : f32
    %eq3A_678 = vector.broadcast %eq3A_677 : f32 to vector<128x32xf32>
    %eq3A_679 = arith.cmpf oeq, %squeeze3A_7, %eq3A_678 : vector<128x32xf32>
    %get3A_680 = arith.constant 1 : index
    %get3A_681 = memref.load %arg7[%get3A_680] : memref<17xf32, #tpu.memory_space<smem>>
    %jit3A_682 = arith.constant 0.000000e+00 : f32
    %broadcast_in_dim3A_683 = vector.broadcast %get3A_681 : f32 to vector<128x32xf32>
    %broadcast_in_dim3A_684 = vector.broadcast %jit3A_682 : f32 to vector<128x32xf32>
    %select_n3A_685 = arith.select %eq3A_679, %broadcast_in_dim3A_683, %broadcast_in_dim3A_684 : vector<128x32xi1>, vector<128x32xf32>
    %add3A_686 = arith.addf %add3A_676, %select_n3A_685 : vector<128x32xf32>
    %eq3A_687 = arith.constant 2.000000e+00 : f32
    %eq3A_688 = vector.broadcast %eq3A_687 : f32 to vector<128x32xf32>
    %eq3A_689 = arith.cmpf oeq, %squeeze3A_7, %eq3A_688 : vector<128x32xf32>
    %get3A_690 = arith.constant 2 : index
    %get3A_691 = memref.load %arg7[%get3A_690] : memref<17xf32, #tpu.memory_space<smem>>
    %jit3A_692 = arith.constant 0.000000e+00 : f32
    %broadcast_in_dim3A_693 = vector.broadcast %get3A_691 : f32 to vector<128x32xf32>
    %broadcast_in_dim3A_694 = vector.broadcast %jit3A_692 : f32 to vector<128x32xf32>
    %select_n3A_695 = arith.select %eq3A_689, %broadcast_in_dim3A_693, %broadcast_in_dim3A_694 : vector<128x32xi1>, vector<128x32xf32>
    %add3A_696 = arith.addf %add3A_686, %select_n3A_695 : vector<128x32xf32>
    %eq3A_697 = arith.constant 3.000000e+00 : f32
    %eq3A_698 = vector.broadcast %eq3A_697 : f32 to vector<128x32xf32>
    %eq3A_699 = arith.cmpf oeq, %squeeze3A_7, %eq3A_698 : vector<128x32xf32>
    %get3A_700 = arith.constant 3 : index
    %get3A_701 = memref.load %arg7[%get3A_700] : memref<17xf32, #tpu.memory_space<smem>>
    %jit3A_702 = arith.constant 0.000000e+00 : f32
    %broadcast_in_dim3A_703 = vector.broadcast %get3A_701 : f32 to vector<128x32xf32>
    %broadcast_in_dim3A_704 = vector.broadcast %jit3A_702 : f32 to vector<128x32xf32>
    %select_n3A_705 = arith.select %eq3A_699, %broadcast_in_dim3A_703, %broadcast_in_dim3A_704 : vector<128x32xi1>, vector<128x32xf32>
    %add3A_706 = arith.addf %add3A_696, %select_n3A_705 : vector<128x32xf32>
    %eq3A_707 = arith.constant 4.000000e+00 : f32
    %eq3A_708 = vector.broadcast %eq3A_707 : f32 to vector<128x32xf32>
    %eq3A_709 = arith.cmpf oeq, %squeeze3A_7, %eq3A_708 : vector<128x32xf32>
    %get3A_710 = arith.constant 4 : index
    %get3A_711 = memref.load %arg7[%get3A_710] : memref<17xf32, #tpu.memory_space<smem>>
    %jit3A_712 = arith.constant 0.000000e+00 : f32
    %broadcast_in_dim3A_713 = vector.broadcast %get3A_711 : f32 to vector<128x32xf32>
    %broadcast_in_dim3A_714 = vector.broadcast %jit3A_712 : f32 to vector<128x32xf32>
    %select_n3A_715 = arith.select %eq3A_709, %broadcast_in_dim3A_713, %broadcast_in_dim3A_714 : vector<128x32xi1>, vector<128x32xf32>
    %add3A_716 = arith.addf %add3A_706, %select_n3A_715 : vector<128x32xf32>
    %eq3A_717 = arith.constant 5.000000e+00 : f32
    %eq3A_718 = vector.broadcast %eq3A_717 : f32 to vector<128x32xf32>
    %eq3A_719 = arith.cmpf oeq, %squeeze3A_7, %eq3A_718 : vector<128x32xf32>
    %get3A_720 = arith.constant 5 : index
    %get3A_721 = memref.load %arg7[%get3A_720] : memref<17xf32, #tpu.memory_space<smem>>
    %jit3A_722 = arith.constant 0.000000e+00 : f32
    %broadcast_in_dim3A_723 = vector.broadcast %get3A_721 : f32 to vector<128x32xf32>
    %broadcast_in_dim3A_724 = vector.broadcast %jit3A_722 : f32 to vector<128x32xf32>
    %select_n3A_725 = arith.select %eq3A_719, %broadcast_in_dim3A_723, %broadcast_in_dim3A_724 : vector<128x32xi1>, vector<128x32xf32>
    %add3A_726 = arith.addf %add3A_716, %select_n3A_725 : vector<128x32xf32>
    %eq3A_727 = arith.constant 6.000000e+00 : f32
    %eq3A_728 = vector.broadcast %eq3A_727 : f32 to vector<128x32xf32>
    %eq3A_729 = arith.cmpf oeq, %squeeze3A_7, %eq3A_728 : vector<128x32xf32>
    %get3A_730 = arith.constant 6 : index
    %get3A_731 = memref.load %arg7[%get3A_730] : memref<17xf32, #tpu.memory_space<smem>>
    %jit3A_732 = arith.constant 0.000000e+00 : f32
    %broadcast_in_dim3A_733 = vector.broadcast %get3A_731 : f32 to vector<128x32xf32>
    %broadcast_in_dim3A_734 = vector.broadcast %jit3A_732 : f32 to vector<128x32xf32>
    %select_n3A_735 = arith.select %eq3A_729, %broadcast_in_dim3A_733, %broadcast_in_dim3A_734 : vector<128x32xi1>, vector<128x32xf32>
    %add3A_736 = arith.addf %add3A_726, %select_n3A_735 : vector<128x32xf32>
    %eq3A_737 = arith.constant 7.000000e+00 : f32
    %eq3A_738 = vector.broadcast %eq3A_737 : f32 to vector<128x32xf32>
    %eq3A_739 = arith.cmpf oeq, %squeeze3A_7, %eq3A_738 : vector<128x32xf32>
    %get3A_740 = arith.constant 7 : index
    %get3A_741 = memref.load %arg7[%get3A_740] : memref<17xf32, #tpu.memory_space<smem>>
    %jit3A_742 = arith.constant 0.000000e+00 : f32
    %broadcast_in_dim3A_743 = vector.broadcast %get3A_741 : f32 to vector<128x32xf32>
    %broadcast_in_dim3A_744 = vector.broadcast %jit3A_742 : f32 to vector<128x32xf32>
    %select_n3A_745 = arith.select %eq3A_739, %broadcast_in_dim3A_743, %broadcast_in_dim3A_744 : vector<128x32xi1>, vector<128x32xf32>
    %add3A_746 = arith.addf %add3A_736, %select_n3A_745 : vector<128x32xf32>
    %eq3A_747 = arith.constant 8.000000e+00 : f32
    %eq3A_748 = vector.broadcast %eq3A_747 : f32 to vector<128x32xf32>
    %eq3A_749 = arith.cmpf oeq, %squeeze3A_7, %eq3A_748 : vector<128x32xf32>
    %get3A_750 = arith.constant 8 : index
    %get3A_751 = memref.load %arg7[%get3A_750] : memref<17xf32, #tpu.memory_space<smem>>
    %jit3A_752 = arith.constant 0.000000e+00 : f32
    %broadcast_in_dim3A_753 = vector.broadcast %get3A_751 : f32 to vector<128x32xf32>
    %broadcast_in_dim3A_754 = vector.broadcast %jit3A_752 : f32 to vector<128x32xf32>
    %select_n3A_755 = arith.select %eq3A_749, %broadcast_in_dim3A_753, %broadcast_in_dim3A_754 : vector<128x32xi1>, vector<128x32xf32>
    %add3A_756 = arith.addf %add3A_746, %select_n3A_755 : vector<128x32xf32>
    %eq3A_757 = arith.constant 9.000000e+00 : f32
    %eq3A_758 = vector.broadcast %eq3A_757 : f32 to vector<128x32xf32>
    %eq3A_759 = arith.cmpf oeq, %squeeze3A_7, %eq3A_758 : vector<128x32xf32>
    %get3A_760 = arith.constant 9 : index
    %get3A_761 = memref.load %arg7[%get3A_760] : memref<17xf32, #tpu.memory_space<smem>>
    %jit3A_762 = arith.constant 0.000000e+00 : f32
    %broadcast_in_dim3A_763 = vector.broadcast %get3A_761 : f32 to vector<128x32xf32>
    %broadcast_in_dim3A_764 = vector.broadcast %jit3A_762 : f32 to vector<128x32xf32>
    %select_n3A_765 = arith.select %eq3A_759, %broadcast_in_dim3A_763, %broadcast_in_dim3A_764 : vector<128x32xi1>, vector<128x32xf32>
    %add3A_766 = arith.addf %add3A_756, %select_n3A_765 : vector<128x32xf32>
    %eq3A_767 = arith.constant 1.000000e+01 : f32
    %eq3A_768 = vector.broadcast %eq3A_767 : f32 to vector<128x32xf32>
    %eq3A_769 = arith.cmpf oeq, %squeeze3A_7, %eq3A_768 : vector<128x32xf32>
    %get3A_770 = arith.constant 10 : index
    %get3A_771 = memref.load %arg7[%get3A_770] : memref<17xf32, #tpu.memory_space<smem>>
    %jit3A_772 = arith.constant 0.000000e+00 : f32
    %broadcast_in_dim3A_773 = vector.broadcast %get3A_771 : f32 to vector<128x32xf32>
    %broadcast_in_dim3A_774 = vector.broadcast %jit3A_772 : f32 to vector<128x32xf32>
    %select_n3A_775 = arith.select %eq3A_769, %broadcast_in_dim3A_773, %broadcast_in_dim3A_774 : vector<128x32xi1>, vector<128x32xf32>
    %add3A_776 = arith.addf %add3A_766, %select_n3A_775 : vector<128x32xf32>
    %eq3A_777 = arith.constant 1.100000e+01 : f32
    %eq3A_778 = vector.broadcast %eq3A_777 : f32 to vector<128x32xf32>
    %eq3A_779 = arith.cmpf oeq, %squeeze3A_7, %eq3A_778 : vector<128x32xf32>
    %get3A_780 = arith.constant 11 : index
    %get3A_781 = memref.load %arg7[%get3A_780] : memref<17xf32, #tpu.memory_space<smem>>
    %jit3A_782 = arith.constant 0.000000e+00 : f32
    %broadcast_in_dim3A_783 = vector.broadcast %get3A_781 : f32 to vector<128x32xf32>
    %broadcast_in_dim3A_784 = vector.broadcast %jit3A_782 : f32 to vector<128x32xf32>
    %select_n3A_785 = arith.select %eq3A_779, %broadcast_in_dim3A_783, %broadcast_in_dim3A_784 : vector<128x32xi1>, vector<128x32xf32>
    %add3A_786 = arith.addf %add3A_776, %select_n3A_785 : vector<128x32xf32>
    %eq3A_787 = arith.constant 1.200000e+01 : f32
    %eq3A_788 = vector.broadcast %eq3A_787 : f32 to vector<128x32xf32>
    %eq3A_789 = arith.cmpf oeq, %squeeze3A_7, %eq3A_788 : vector<128x32xf32>
    %get3A_790 = arith.constant 12 : index
    %get3A_791 = memref.load %arg7[%get3A_790] : memref<17xf32, #tpu.memory_space<smem>>
    %jit3A_792 = arith.constant 0.000000e+00 : f32
    %broadcast_in_dim3A_793 = vector.broadcast %get3A_791 : f32 to vector<128x32xf32>
    %broadcast_in_dim3A_794 = vector.broadcast %jit3A_792 : f32 to vector<128x32xf32>
    %select_n3A_795 = arith.select %eq3A_789, %broadcast_in_dim3A_793, %broadcast_in_dim3A_794 : vector<128x32xi1>, vector<128x32xf32>
    %add3A_796 = arith.addf %add3A_786, %select_n3A_795 : vector<128x32xf32>
    %eq3A_797 = arith.constant 1.300000e+01 : f32
    %eq3A_798 = vector.broadcast %eq3A_797 : f32 to vector<128x32xf32>
    %eq3A_799 = arith.cmpf oeq, %squeeze3A_7, %eq3A_798 : vector<128x32xf32>
    %get3A_800 = arith.constant 13 : index
    %get3A_801 = memref.load %arg7[%get3A_800] : memref<17xf32, #tpu.memory_space<smem>>
    %jit3A_802 = arith.constant 0.000000e+00 : f32
    %broadcast_in_dim3A_803 = vector.broadcast %get3A_801 : f32 to vector<128x32xf32>
    %broadcast_in_dim3A_804 = vector.broadcast %jit3A_802 : f32 to vector<128x32xf32>
    %select_n3A_805 = arith.select %eq3A_799, %broadcast_in_dim3A_803, %broadcast_in_dim3A_804 : vector<128x32xi1>, vector<128x32xf32>
    %add3A_806 = arith.addf %add3A_796, %select_n3A_805 : vector<128x32xf32>
    %eq3A_807 = arith.constant 1.400000e+01 : f32
    %eq3A_808 = vector.broadcast %eq3A_807 : f32 to vector<128x32xf32>
    %eq3A_809 = arith.cmpf oeq, %squeeze3A_7, %eq3A_808 : vector<128x32xf32>
    %get3A_810 = arith.constant 14 : index
    %get3A_811 = memref.load %arg7[%get3A_810] : memref<17xf32, #tpu.memory_space<smem>>
    %jit3A_812 = arith.constant 0.000000e+00 : f32
    %broadcast_in_dim3A_813 = vector.broadcast %get3A_811 : f32 to vector<128x32xf32>
    %broadcast_in_dim3A_814 = vector.broadcast %jit3A_812 : f32 to vector<128x32xf32>
    %select_n3A_815 = arith.select %eq3A_809, %broadcast_in_dim3A_813, %broadcast_in_dim3A_814 : vector<128x32xi1>, vector<128x32xf32>
    %add3A_816 = arith.addf %add3A_806, %select_n3A_815 : vector<128x32xf32>
    %eq3A_817 = arith.constant 1.500000e+01 : f32
    %eq3A_818 = vector.broadcast %eq3A_817 : f32 to vector<128x32xf32>
    %eq3A_819 = arith.cmpf oeq, %squeeze3A_7, %eq3A_818 : vector<128x32xf32>
    %get3A_820 = arith.constant 15 : index
    %get3A_821 = memref.load %arg7[%get3A_820] : memref<17xf32, #tpu.memory_space<smem>>
    %jit3A_822 = arith.constant 0.000000e+00 : f32
    %broadcast_in_dim3A_823 = vector.broadcast %get3A_821 : f32 to vector<128x32xf32>
    %broadcast_in_dim3A_824 = vector.broadcast %jit3A_822 : f32 to vector<128x32xf32>
    %select_n3A_825 = arith.select %eq3A_819, %broadcast_in_dim3A_823, %broadcast_in_dim3A_824 : vector<128x32xi1>, vector<128x32xf32>
    %add3A_826 = arith.addf %add3A_816, %select_n3A_825 : vector<128x32xf32>
    %add3A_827 = arith.addf %squeeze3A, %add3A_664 : vector<128x32xf32>
    %add3A_828 = arith.addf %add3A_827, %add3A_826 : vector<128x32xf32>
    %reduce_max3A = arith.constant dense<0xFF800000> : vector<128xf32>
    %reduce_max3A_829 = vector.multi_reduction <maximumf>, %add3A_828, %reduce_max3A [1] : vector<128x32xf32> to vector<128xf32>
    %broadcast_in_dim3A_830 = vector.shape_cast %reduce_max3A_829 : vector<128xf32> to vector<128x1xf32>
    %sub3A = vector.broadcast %broadcast_in_dim3A_830 : vector<128x1xf32> to vector<128x32xf32>
    %sub3A_831 = arith.subf %add3A_828, %sub3A : vector<128x32xf32>
    %exp3A = math.exp %sub3A_831 : vector<128x32xf32>
    %reduce_sum3A = arith.constant dense<0.000000e+00> : vector<128xf32>
    %reduce_sum3A_832 = vector.multi_reduction <add>, %exp3A, %reduce_sum3A [1] : vector<128x32xf32> to vector<128xf32>
    %broadcast_in_dim3A_833 = vector.shape_cast %reduce_sum3A_832 : vector<128xf32> to vector<128x1xf32>
    %div3A = vector.broadcast %broadcast_in_dim3A_833 : vector<128x1xf32> to vector<128x32xf32>
    %div3A_834 = arith.divf %exp3A, %div3A : vector<128x32xf32>
    %sub3A_835 = arith.subf %get3A_10, %get3A_13 : vector<128x128xf32>
    %integer_pow3A = arith.mulf %sub3A_835, %sub3A_835 : vector<128x128xf32>
    %reduce_sum3A_836 = arith.constant dense<0.000000e+00> : vector<128xf32>
    %reduce_sum3A_837 = vector.multi_reduction <add>, %integer_pow3A, %reduce_sum3A_836 [1] : vector<128x128xf32> to vector<128xf32>
    %add3A_838 = arith.constant 9.99999996E-13 : f32
    %add3A_839 = vector.broadcast %add3A_838 : f32 to vector<128xf32>
    %add3A_840 = arith.addf %reduce_sum3A_837, %add3A_839 : vector<128xf32>
    %sqrt3A = math.sqrt %add3A_840 : vector<128xf32>
    %broadcast_in_dim3A_841 = vector.shape_cast %get3A_13 : vector<128x128xf32> to vector<128x1x128xf32>
    %sub3A_842 = vector.broadcast %broadcast_in_dim3A_841 : vector<128x1x128xf32> to vector<128x32x128xf32>
    %sub3A_843 = arith.subf %slice3A, %sub3A_842 : vector<128x32x128xf32>
    %integer_pow3A_844 = arith.mulf %sub3A_843, %sub3A_843 : vector<128x32x128xf32>
    %reduce_sum3A_845 = arith.constant dense<0.000000e+00> : vector<128x32xf32>
    %reduce_sum3A_846 = vector.multi_reduction <add>, %integer_pow3A_844, %reduce_sum3A_845 [2] : vector<128x32x128xf32> to vector<128x32xf32>
    %add3A_847 = arith.constant 9.99999996E-13 : f32
    %add3A_848 = vector.broadcast %add3A_847 : f32 to vector<128x32xf32>
    %add3A_849 = arith.addf %reduce_sum3A_846, %add3A_848 : vector<128x32xf32>
    %sqrt3A_850 = math.sqrt %add3A_849 : vector<128x32xf32>
    %broadcast_in_dim3A_851 = vector.shape_cast %sqrt3A : vector<128xf32> to vector<128x1xf32>
    %sub3A_852 = vector.broadcast %broadcast_in_dim3A_851 : vector<128x1xf32> to vector<128x32xf32>
    %sub3A_853 = arith.subf %sub3A_852, %sqrt3A_850 : vector<128x32xf32>
    %sign3A = tpu.bitcast %sub3A_853 : vector<128x32xf32> -> vector<128x32xi32>
    %sign3A_854 = arith.constant -2147483648 : i32
    %sign3A_855 = vector.broadcast %sign3A_854 : i32 to vector<128x32xi32>
    %sign3A_856 = arith.andi %sign3A, %sign3A_855 : vector<128x32xi32>
    %sign3A_857 = arith.constant 1065353216 : i32
    %sign3A_858 = vector.broadcast %sign3A_857 : i32 to vector<128x32xi32>
    %sign3A_859 = arith.ori %sign3A_858, %sign3A_856 : vector<128x32xi32>
    %sign3A_860 = tpu.bitcast %sign3A_859 : vector<128x32xi32> -> vector<128x32xf32>
    %sign3A_861 = math.absf %sub3A_853 : vector<128x32xf32>
    %sign3A_862 = arith.constant 0.000000e+00 : f32
    %sign3A_863 = vector.broadcast %sign3A_862 : f32 to vector<128x32xf32>
    %sign3A_864 = arith.cmpf ogt, %sign3A_861, %sign3A_863 : vector<128x32xf32>
    %sign3A_865 = arith.select %sign3A_864, %sign3A_860, %sub3A_853 : vector<128x32xi1>, vector<128x32xf32>
    %mul3A = arith.mulf %div3A_834, %sign3A_865 : vector<128x32xf32>
    %broadcast_in_dim3A_866 = vector.shape_cast %get3A_10 : vector<128x128xf32> to vector<128x1x128xf32>
    %sub3A_867 = vector.broadcast %broadcast_in_dim3A_866 : vector<128x1x128xf32> to vector<128x32x128xf32>
    %sub3A_868 = arith.subf %slice3A, %sub3A_867 : vector<128x32x128xf32>
    %broadcast_in_dim3A_869 = vector.shape_cast %mul3A : vector<128x32xf32> to vector<128x32x1xf32>
    %mul3A_870 = vector.broadcast %broadcast_in_dim3A_869 : vector<128x32x1xf32> to vector<128x32x128xf32>
    %mul3A_871 = arith.mulf %sub3A_868, %mul3A_870 : vector<128x32x128xf32>
    %reduce_sum3A_872 = arith.constant dense<0.000000e+00> : vector<128x128xf32>
    %reduce_sum3A_873 = vector.multi_reduction <add>, %mul3A_871, %reduce_sum3A_872 [1] : vector<128x32x128xf32> to vector<128x128xf32>
    %add3A_874 = arith.addf %get3A_10, %reduce_sum3A_873 : vector<128x128xf32>
    %sub3A_875 = arith.subf %add3A_874, %get3A_13 : vector<128x128xf32>
    %integer_pow3A_876 = arith.mulf %sub3A_875, %sub3A_875 : vector<128x128xf32>
    %reduce_sum3A_877 = arith.constant dense<0.000000e+00> : vector<128xf32>
    %reduce_sum3A_878 = vector.multi_reduction <add>, %integer_pow3A_876, %reduce_sum3A_877 [1] : vector<128x128xf32> to vector<128xf32>
    %add3A_879 = arith.constant 9.99999996E-13 : f32
    %add3A_880 = vector.broadcast %add3A_879 : f32 to vector<128xf32>
    %add3A_881 = arith.addf %reduce_sum3A_878, %add3A_880 : vector<128xf32>
    %sqrt3A_882 = math.sqrt %add3A_881 : vector<128xf32>
    %get3A_883 = arith.constant 0 : index
    %get3A_884 = arith.constant 0 : index
    %get3A_885 = memref.load %arg8[%get3A_883, %get3A_884] : memref<1x1xf32, #tpu.memory_space<smem>>
    %reduce_sum3A_886 = vector.shape_cast %sqrt3A_882 : vector<128xf32> to vector<1x128xf32>
    %reduce_sum3A_887 = arith.constant dense<0.000000e+00> : vector<1xf32>
    %reduce_sum3A_888 = vector.multi_reduction <add>, %reduce_sum3A_886, %reduce_sum3A_887 [1] : vector<1x128xf32> to vector<1xf32>
    %reduce_sum3A_889 = vector.shape_cast %reduce_sum3A_888 : vector<1xf32> to vector<1x1xf32>
    %reduce_sum3A_890 = vector.extract %reduce_sum3A_889[0, 0] : f32 from vector<1x1xf32>
    %add3A_891 = arith.addf %get3A_885, %reduce_sum3A_890 : f32
    %swap3A = arith.constant 0 : index
    %swap3A_892 = arith.constant 0 : index
    %swap3A_893 = memref.load %arg8[%swap3A, %swap3A_892] : memref<1x1xf32, #tpu.memory_space<smem>>
    memref.store %add3A_891, %arg8[%swap3A, %swap3A_892] : memref<1x1xf32, #tpu.memory_space<smem>>
    return
  }
  func.func @transform_0(%arg0: i32) -> (i32, i32, i32) {
    %c0_i32 = arith.constant 0 : i32
    %c0_i32_0 = arith.constant 0 : i32
    %c0_i32_1 = arith.constant 0 : i32
    return %arg0, %c0_i32, %c0_i32_0 : i32, i32, i32
  }
  func.func @transform_1(%arg0: i32) -> (i32, i32) {
    %c0_i32 = arith.constant 0 : i32
    %c0_i32_0 = arith.constant 0 : i32
    return %arg0, %c0_i32 : i32, i32
  }
  func.func @transform_2(%arg0: i32) -> (i32, i32) {
    %c0_i32 = arith.constant 0 : i32
    %c0_i32_0 = arith.constant 0 : i32
    return %arg0, %c0_i32 : i32, i32
  }
  func.func @transform_3(%arg0: i32) -> (i32, i32) {
    %c0_i32 = arith.constant 0 : i32
    %c0_i32_0 = arith.constant 0 : i32
    return %arg0, %c0_i32 : i32, i32
  }
  func.func @transform_4(%arg0: i32) -> (i32, i32) {
    %c0_i32 = arith.constant 0 : i32
    %c0_i32_0 = arith.constant 0 : i32
    %c0_i32_1 = arith.constant 0 : i32
    return %c0_i32, %c0_i32_0 : i32, i32
  }
  func.func @transform_5(%arg0: i32) -> i32 {
    %c0_i32 = arith.constant 0 : i32
    %c0_i32_0 = arith.constant 0 : i32
    return %c0_i32 : i32
  }
  func.func @transform_6(%arg0: i32) -> i32 {
    %c0_i32 = arith.constant 0 : i32
    %c0_i32_0 = arith.constant 0 : i32
    return %c0_i32 : i32
  }
  func.func @transform_7(%arg0: i32) -> (i32, i32) {
    %c0_i32 = arith.constant 0 : i32
    %c0_i32_0 = arith.constant 0 : i32
    %c0_i32_1 = arith.constant 0 : i32
    return %c0_i32, %c0_i32_0 : i32, i32
  }
}

</mosaic_0001>

<sc_bundles>
// kernel: kernel.5.cloned.1.call-start
scs
__scs_entry_jumppad:
0x0: {  	(pc) =	sbr.rel $0x88, $3  }
0x1: {  	(tag) =	ssettag $0x0;
	lr =	simm.s32 $0x1  }
0x2: {  	[smem:$0x3F97] =	sst lr;
	_ =	strace $0xD0000000  }
0x3: {  	_ = 	snop  }
0x4: {  	_ = 	snop  }
0x5: {  	_ = 	snop  }
0x6: {  	_ = 	snop  }
0x7: {  	_ = 	snop  }
__scs_overlays_trampoline_lowered:
0x8: {  	[smem:$0x3FA6] =	sst s0  }
0x9: {  	[smem:$0x3FA7] =	sst s1  }
0xa: {  	[smem:$0x3FA8] =	sst s2  }
0xb: {  	[smem:$0x3FA9] =	sst s3  }
0xc: {  	[smem:$0x3FAA] =	sst s4  }
0xd: {  	[smem:$0x3FAB] =	sst s5  }
0xe: {  	[smem:$0x3FAC] =	sst s6  }
0xf: {  	[smem:$0x3FAD] =	sst s7  }
0x10: {  	[smem:$0x3FAE] =	sst s8  }
0x11: {  	[smem:$0x3FAF] =	sst s9;
	s0 =	simm.s32 @!p0 $0x0  }
0x12: {  	s1 =	sld [smem:$0x3F95];
	s0 =	simm.s32 @p0 $0x1  }
0x13: {  	[smem:$0x3FB0] =	sst s0;
	s0 =	simm.s32 @!p1 $0x0  }
0x14: {  	s2 =	sld [smem:$0x3F94];
	s0 =	simm.s32 @p1 $0x1  }
0x15: {  	[smem:$0x3FB1] =	sst s0;
	s0 =	simm.s32 @!p2 $0x0  }
0x16: {  	s3 =	sld [smem:$0x3FDB];
	s0 =	simm.s32 @p2 $0x1  }
0x17: {  	s4 =	simm.s32 $0x1BF5;
	[smem:$0x3FB3] =	sst s0  }
0x18: {  	s0 =	sld [smem:$0x3F96];
	_ =	swait.ge [sflag:s4], $0x0  }
0x19: {  	s7 =	sld [smem:$0x3F97]  }
0x1a: {  	s8 =	sadd.s32 $0xFFFFE003, lr  }
0x1b: {  	s9 =	sadd.s32 $0xFFFFFEF7, lr;
	s5 =	simm.s32 $0xFFFFFFFF;
	p2 =	slt.u32 s8, $0xFFFFF086  }
0x1c: {  	p1 =	slt.u32 s9, $0xF7A;
	s5 =	simm.s32 @!p2 $0x0  }
0x1d: {  	s5 =	simm.s32 @p1 $0x1;
	p0 =	seq.s32 s7, s2  }
0x1e: {  	s7 =	smul.u32 @!p0 $0xF7A, s2;
	p2 =	seq.s32 @!p0 s5, $0x0  }
0x1f: {  	s9 =	smul.u32 $0xF7A, s1;
	s8 =	simm.s32 @!p0 $0x1BF5;
	p2 =	por !p2, p0  }
0x20: {  	[sflag:s8] =	ssyncset.s32 @!p0 $0xFFFFF086;
	s6 =	sadd.s32 @!p0 s3, s7;
	s7 =	simm.s32 @!p0 $0x108  }
0x21: {  	s3 =	sadd.s32 s3, s9;
	s6 =	sadd.s32 @!p0 $0x88, s6;
	s7 =	simm.s32 @p2 $0x1082  }
0x22: {  	[simem:s7], [sflag:s8] =	dma.local @!p0 [hbm:s6], $0xF7A  }
0x23: {  	s9 =	sor.u32 $0xD0000000, s2;
	s6 =	simm.s32 $0x108;
	_ =	swait.ge @!p0 [sflag:s8], $0x0  }
0x24: {  	s3 =	sadd.s32 $0x88, s3;
	s6 =	simm.s32 @!p1 $0x1082;
	[sflag:s4] =	ssyncset.s32 $0xFFFFF086  }
0x25: {  	[simem:s6], [sflag:s4] =	dma.local [hbm:s3], $0xF7A  }
0x26: {  	[smem:$0x3F97] =	sst s1;
	(tag) =	ssettag s2;
	_ =	strace s9  }
0x27: {  	s1 =	sld [smem:$0x3FA7]  }
0x28: {  	s2 =	sld [smem:$0x3FA8]  }
0x29: {  	s4 =	sld [smem:$0x3FAA]  }
0x2a: {  	p0 =	seq.s32 s5, $0x0;
	s5 =	sld [smem:$0x3FAB]  }
0x2b: {  	s6 =	sld [smem:$0x3FAC]  }
0x2c: {  	s7 =	sld [smem:$0x3FAD]  }
0x2d: {  	s3 =	simm.s32 $0x108;
	s8 =	sld [smem:$0x3FAE]  }
0x2e: {  	s3 =	simm.s32 @!p0 $0x1082;
	s9 =	sld [smem:$0x3FAF]  }
0x2f: {  	lr =	sadd.s32 s0, s3;
	s0 =	sld [smem:$0x3FA6]  }
0x30: {  	s3 =	sld [smem:$0x3FA9]  }
0x31: {  	[smem:$0x3FB2] =	sst s10  }
0x32: {  	s10 =	sld [smem:$0x3FB0];
	_ =	sdelay $0x3  }
0x33: {  	p0 =	seq.s32 s10, $0x1;
	s10 =	sld [smem:$0x3FB2];
	_ =	sdelay $0x3  }
0x34: {  	[smem:$0x3FB2] =	sst s10  }
0x35: {  	s10 =	sld [smem:$0x3FB1];
	_ =	sdelay $0x3  }
0x36: {  	p1 =	seq.s32 s10, $0x1;
	s10 =	sld [smem:$0x3FB2];
	_ =	sdelay $0x3  }
0x37: {  	[smem:$0x3FB2] =	sst s10  }
0x38: {  	s10 =	sld [smem:$0x3FB3]  }
0x39: {  	_ = 	snop;
	(pc) =	sbr.ind lr, $3  }
0x3a: {  	_ = 	snop  }
0x3b: {  	_ = 	snop  }
0x3c: {  	p2 =	seq.s32 s10, $0x1;
	s10 =	sld [smem:$0x3FB2]  }
0x3d: {  	_ =	shalt  }
0x3e: {  	_ =	shalt  }
0x3f: {  	_ =	shalt  }
0x40: {  	_ =	shalt  }
0x41: {  	_ =	shalt  }
0x42: {  	_ =	shalt  }
0x43: {  	_ =	shalt  }
0x44: {  	_ =	shalt  }
0x45: {  	_ =	shalt  }
0x46: {  	_ =	shalt  }
0x47: {  	_ =	shalt  }
0x48: {  	_ =	shalt  }
0x49: {  	_ =	shalt  }
0x4a: {  	_ =	shalt  }
0x4b: {  	_ =	shalt  }
0x4c: {  	_ =	shalt  }
0x4d: {  	_ =	shalt  }
0x4e: {  	_ =	shalt  }
0x4f: {  	_ =	shalt  }
0x50: {  	_ =	shalt  }
0x51: {  	_ =	shalt  }
0x52: {  	_ =	shalt  }
0x53: {  	_ =	shalt  }
0x54: {  	_ =	shalt  }
0x55: {  	_ =	shalt  }
0x56: {  	_ =	shalt  }
0x57: {  	_ =	shalt  }
0x58: {  	_ =	shalt  }
0x59: {  	_ =	shalt  }
0x5a: {  	_ =	shalt  }
0x5b: {  	_ =	shalt  }
0x5c: {  	_ =	shalt  }
0x5d: {  	_ =	shalt  }
0x5e: {  	_ =	shalt  }
0x5f: {  	_ =	shalt  }
0x60: {  	_ =	shalt  }
0x61: {  	_ =	shalt  }
0x62: {  	_ =	shalt  }
0x63: {  	_ =	shalt  }
0x64: {  	_ =	shalt  }
0x65: {  	_ =	shalt  }
0x66: {  	_ =	shalt  }
0x67: {  	_ =	shalt  }
0x68: {  	_ =	shalt  }
0x69: {  	_ =	shalt  }
0x6a: {  	_ =	shalt  }
0x6b: {  	_ =	shalt  }
0x6c: {  	_ =	shalt  }
0x6d: {  	_ =	shalt  }
0x6e: {  	_ =	shalt  }
0x6f: {  	_ =	shalt  }
0x70: {  	_ =	shalt  }
0x71: {  	_ =	shalt  }
0x72: {  	_ =	shalt  }
0x73: {  	_ =	shalt  }
0x74: {  	_ =	shalt  }
0x75: {  	_ =	shalt  }
0x76: {  	_ =	shalt  }
0x77: {  	_ =	shalt  }
0x78: {  	_ =	shalt  }
0x79: {  	_ =	shalt  }
0x7a: {  	_ =	shalt  }
0x7b: {  	_ =	shalt  }
0x7c: {  	_ =	shalt  }
0x7d: {  	_ =	shalt  }
0x7e: {  	_ =	shalt  }
0x7f: {  	_ =	shalt  }
0x80: {  	_ =	shalt  }
0x81: {  	_ =	shalt  }
0x82: {  	_ =	shalt  }
0x83: {  	_ =	shalt  }
0x84: {  	_ =	shalt  }
0x85: {  	_ =	shalt  }
0x86: {  	_ =	shalt  }
0x87: {  	_ =	shalt  }
.Lfunc_end0:
.L_simem_size_0:
called_computation_lowered:
.L_overlay_start_0:
0x88: {  	s2 =	sld [smem:$0x3FD9]  }
0x89: {  	s3 =	sld [smem:$0x3FFE];
	_ =	sdelay $0x1  }
0x8a: {  	s1 =	srdreg.scid  }
0x8b: {  	s0 =	sand.u32 $0x1, s1  }
0x8c: {  	s17 =	sshll.u32 s0, $0xA;
	s2 =	sadd.s32 s3, s2  }
0x8d: {  	s2 =	sadd.s32 s2, s17  }
0x8e: {  	[smem:$0x3FBE] =	sst s2  }
0x8f: {  	_ = 	snop  }
0x90: {  	s2 =	sld [smem:$0x3FC9]  }
0x91: {  	s18 =	sld [smem:$0x3FC8]  }
0x92: {  	s4 =	sld [smem:$0x3FC6];
	(tm) =	ssettm $0x1  }
0x93: {  	s5 =	sld [smem:$0x3FFB];
	_ =	sdelay $0x3  }
0x94: {  	_ =	strace s5  }
0x95: {  	s5 =	sld [smem:$0x3FFC];
	_ =	sdelay $0x3  }
0x96: {  	_ =	strace s5  }
0x97: {  	s5 =	sld [smem:$0x3FFD];
	_ =	sdelay $0x3  }
0x98: {  	_ =	strace s5  }
0x99: {  	_ =	strace $0x8FFFFFFF  }
0x9a: {  	s19 =	sld [smem:$0x3FDB];
	_ =	sdelay $0x1  }
0x9b: {  	s6 =	simm.s32 $_scs_section_size  }
0x9c: {  	s7 =	simm.s32 $_size__tile_overlayer_lowered;
	s8 =	simm.s32 $_tile_overlayer_lowered  }
0x9d: {  	s22 =	simm.s32 $0x1BFF;
	s21 =	sshll.u32 s8, $0x1;
	s5 =	sadd.s32 s6, s19  }
0x9e: {  	s9 =	simm.s32 $0x0;
	s20 =	sshll.u32 s7, $0x1;
	s7 =	sadd.s32 s21, s5  }
0x9f: {  	[timem:s9], [sflag:s22] =	dma.local [hbm:s7], s20  }
0xa0: {  	_ =	swait.ge [sflag:s22], s20  }
0xa1: {  	s6 =	ssub.s32 $0x0, s20;
	[sflag:s22] =	ssyncset.done $0x0  }
0xa2: {  	[sflag:s22] =	ssyncadd.s32 s6;
	_ =	sdelay $0x1  }
0xa3: {  	s23 =	simm.s32 $0x1B8B  }
0xa4: {  	_ =	swait.ge [sflag:s23], $0x1  }
0xa5: {  	[sflag:s23] =	ssyncset.done $0x0  }
0xa6: {  	s25 =	simm.s32 $0x1B8E;
	s24 =	sld [smem:$0x3FFE];
	[sflag:s23] =	ssyncadd.s32 $0xFFFFFFFF  }
0xa7: {  	s26 =	simm.s32 $execute0_lowered;
	[smem:$0x3FD2] =	sst s25  }
0xa8: {  	s7 =	sshll.u32 s26, $0x1;
	_ =	strace $0x80000046;
	[dreg:$0x1] =	wrdreg $0xFFFFFFFF  }
0xa9: {  	s28 =	simm.s32 $_size_execute0_lowered;
	s5 =	sadd.s32 s5, s7;
	[dreg:$0x0] =	wrdreg $0x0  }
0xaa: {  	s7 =	sshll.u32 s28, $0x1;
	[dreg:$0x2] =	wrdreg s5  }
0xab: {  	[dreg:$0x3] =	wrdreg s7  }
0xac: {  	[dreg:$0x4] =	wrdreg $0xC0  }
0xad: {  	_ =	task [dreg:s9], $0x5FFFF  }
0xae: {  	[dreg:$0x1] =	wrdreg $0xFFFFFFFF  }
0xaf: {  	[dreg:$0x0] =	wrdreg $0x60  }
0xb0: {  	[dreg:$0x2] =	wrdreg s24  }
0xb1: {  	[dreg:$0x3] =	wrdreg s4  }
0xb2: {  	[dreg:$0x4] =	wrdreg s2  }
0xb3: {  	[dreg:$0x5] =	wrdreg s18  }
0xb4: {  	[dreg:$0x6] =	wrdreg $0x9  }
0xb5: {  	_ =	task.clear_ibuf [dreg:s9], $0x7FFFF;
	_ =	strace $0x90000046  }
0xb6: {  	s29 =	simm.s32 $0x9;
	_ =	strace $0x80000048  }
0xb7: {  	_ =	swait.ge [sflag:s29], $0x1  }
0xb8: {  	[sflag:s29] =	ssyncadd.s32 $0xFFFFFFFF  }
0xb9: {  	_ =	strace $0x90000048  }
0xba: {  	_ =	sfence  }
0xbb: {  	s30 =	sld [smem:$0x0];
	_ =	sdelay $0x2  }
0xbc: {  	s31 =	sshll.u32 s1, $0xD;
	s1 =	sshrl.u32 s1, $0x2  }
0xbd: {  	s3 =	sand.u32 $0x4000, s31;
	s1 =	sadd.s32 s1, s30  }
0xbe: {  	s0 =	sor.u32 s3, s0;
	s1 =	sshll.u32 s1, $0x11  }
0xbf: {  	s0 =	sor.u32 s1, s0  }
0xc0: {  	s0 =	sadd.s32 $0x8F2B, s0  }
0xc1: {  	[sflag:s0] =	ssyncadd.remote.s32 $0x1  }
0xc2: {  	_ =	sfence.sel $0xFFFF  }
0xc3: {  	[dreg:$0x0] =	wrdreg $0xFFFFFFFF;
	(pc) =	sbr.abs _section_cstart, $3  }
0xc4: {  	[dreg:$0x1] =	wrdreg $0xFFFFFFFF  }
0xc5: {  	_ =	task.clear_ibuf [dreg:s9], $0x2FFFF;
	_ =	strace $0x9FFFFFFF  }
0xc6: {  	(tm) =	ssettm $0x7FFFFFFF  }
0xc7: {  	_ =	shalt  }
tec
execute0_lowered:
.L_overlay_start_1:
0x0: {  	(tag) =	ssettag $0x1  }
0x1: {  	s14 =	rddreg [dreg:$0x0]  }
0x2: {  	s1 =	rddreg [dreg:$0x1];
	s2 =	srdreg.scid  }
0x3: {  	s4 =	rddreg [dreg:$0x2];
	s0 =	stileid.u32;
	s16 =	sand.u32 $0x1, s2  }
0x4: {  	s15 =	rddreg [dreg:$0x3];
	s5 =	sshll.u32 s0, $0x9;
	s6 =	sshll.u32 s16, $0x8  }
0x5: {  	s3 =	simm.s32 $0x0;
	s2 =	rddreg [dreg:$0x4];
	s17 =	sor.u32 s6, s5  }
0x6: {  	[smem:$0x7FF] =	sst s3;
	s18 =	sshrl.u32 s17, $0x3  }
0x7: {  	_ =	strace $0x80000047;
	s5 =	sadd.s32 s4, s18;
	s4 =	simm.s32 $0x2  }
0x8: {  	[tilespmem:s3], [sflag:$0x2] =	stream.linear.gather [hbm4b:s5+s3], $0x100, $0x38;
	[tilespmem:$0xC100] =	vst v63  }
0x9: {  	_ =	swait.ge [sflag:s4], $0x100  }
0xa: {  	s7 =	simm.s32 $0x100;
	[sflag:s4] =	ssyncset.done $0x0  }
0xb: {  	s8 =	simm.s32 $0x1;
	s6 =	sadd.s32 $0x189600, s14;
	[sflag:s4] =	ssyncadd.s32 $0xFFFFFF00  }
0xc: {  	[tilespmem:s7], [sflag:$0x1] =	stream.indirect.gather [hbm4b:s6+s7], $0x20, s3, s7, $0xb8;
	[tilespmem:$0xC100] =	vst v63  }
0xd: {  	s9 =	sshll.u32 s17, $0x2;
	_ =	swait.ge [sflag:s8], $0x2000  }
0xe: {  	s12 =	sadd.s32 s9, s14;
	[sflag:s8] =	ssyncset.done $0x0  }
0xf: {  	s9 =	sadd.s32 $0xAC00, s12;
	[sflag:s8] =	ssyncadd.s32 $0xFFFFE000  }
0x10: {  	[hbm4b:s9+s3] =	stream.linear.scatter [tilespmem:s7], [sflag:$0x2], $0x2000, $0x38;
	[tilespmem:$0xC100] =	vst v63  }
0x11: {  	_ =	swait.ge [sflag:s4], $0x2000  }
0x12: {  	[sflag:s4] =	ssyncset.done $0x0  }
0x13: {  	s11 =	simm.s32 $0x2100;
	s10 =	sadd.s32 $0x1EB200, s14;
	[sflag:s4] =	ssyncadd.s32 $0xFFFFE000  }
0x14: {  	[tilespmem:s11], [sflag:$0x1] =	stream.indirect.gather [hbm4b:s10+s7], $0x20, s3, s7, $0xb8;
	[tilespmem:$0xC100] =	vst v63  }
0x15: {  	_ =	swait.ge [sflag:s8], $0x2000  }
0x16: {  	[sflag:s8] =	ssyncset.done $0x0  }
0x17: {  	s12 =	sadd.s32 $0x2C00, s12;
	[sflag:s8] =	ssyncadd.s32 $0xFFFFE000  }
0x18: {  	[hbm4b:s12+s3] =	stream.linear.scatter [tilespmem:s11], [sflag:$0x2], $0x2000, $0x38;
	[tilespmem:$0xC100] =	vst v63  }
0x19: {  	_ =	swait.ge [sflag:s4], $0x2000  }
0x1a: {  	[sflag:s4] =	ssyncset.done $0x0  }
0x1b: {  	s13 =	simm.s32 $0x4100;
	[sflag:s4] =	ssyncadd.s32 $0xFFFFE000  }
0x1c: {  	[tilespmem:s13], [sflag:$0x1] =	stream.indirect.gather [hbm4b:s1+s7], $0x80, s3, s7, $0xb8;
	[tilespmem:$0xC100] =	vst v63  }
0x1d: {  	s17 =	sshll.u32 s17, $0x4;
	_ =	swait.ge [sflag:s8], $0x8000  }
0x1e: {  	s17 =	sadd.s32 s17, s14;
	[sflag:s8] =	ssyncset.done $0x0  }
0x1f: {  	s14 =	sadd.s32 $0x12C00, s17;
	[sflag:s8] =	ssyncadd.s32 $0xFFFF8000  }
0x20: {  	[hbm4b:s14+s3] =	stream.linear.scatter [tilespmem:s13], [sflag:$0x2], $0x8000, $0x38;
	[tilespmem:$0xC100] =	vst v63  }
0x21: {  	_ =	swait.ge [sflag:s4], $0x8000  }
0x22: {  	[sflag:s4] =	ssyncset.done $0x0  }
0x23: {  	s16 =	ssub.s32 $0x2, s16;
	s15 =	sadd.s32 s15, s18;
	[sflag:s4] =	ssyncadd.s32 $0xFFFF8000  }
0x24: {  	[tilespmem:s3], [sflag:$0x2] =	stream.linear.gather [hbm4b:s15+s3], $0x100, $0x38;
	[tilespmem:$0xC100] =	vst v63  }
0x25: {  	s30 =	sshrl.u32 s16, $0x1;
	_ =	swait.ge [sflag:s4], $0x100  }
0x26: {  	s18 =	ssub.s32 s16, s30;
	[sflag:s4] =	ssyncset.done $0x0  }
0x27: {  	s31 =	smax.u32 s18, $0x1;
	[sflag:s4] =	ssyncadd.s32 $0xFFFFFF00  }
0x28: {  	[tilespmem:s13], [sflag:$0x1] =	stream.indirect.gather [hbm4b:s1+s7], $0x80, s3, s7, $0xb8;
	[tilespmem:$0xC100] =	vst v63  }
0x29: {  	p0 =	sne.s32 s31, $0x1;
	_ =	swait.ge [sflag:s8], $0x8000  }
.Ltmp0:
0x2a: {  	[sflag:s8] =	ssyncset.done $0x0;
	(pc) =	sbr.rel @!p0 .LBB2_2-.Ltmp0, $4  }
0x2b: {  	s16 =	sadd.s32 $0x32C00, s17;
	[sflag:s8] =	ssyncadd.s32 $0xFFFF8000  }
0x2c: {  	[hbm4b:s16+s3] =	stream.linear.scatter [tilespmem:s13], [sflag:$0x2], $0x8000, $0x38;
	[tilespmem:$0xC100] =	vst v63  }
0x2d: {  	_ =	swait.ge [sflag:s4], $0x8000  }
0x2e: {  	s17 =	sadd.s32 $0xFFFFFFFF, s31;
	[sflag:s4] =	ssyncset.done $0x0  }
.LBB2_1:
0x2f: {  	p0 =	sne.s32 s17, $0x1;
	s17 =	sadd.s32 $0xFFFFFFFF, s17;
	[sflag:s4] =	ssyncadd.s32 $0xFFFF8000  }
0x30: {  	[tilespmem:s3], [sflag:$0x2] =	stream.linear.gather [hbm4b:s5+s3], $0x100, $0x38;
	[tilespmem:$0xC100] =	vst v63  }
0x31: {  	_ =	swait.ge [sflag:s4], $0x100  }
0x32: {  	[sflag:s4] =	ssyncset.done $0x0  }
0x33: {  	[sflag:s4] =	ssyncadd.s32 $0xFFFFFF00  }
0x34: {  	[tilespmem:s7], [sflag:$0x1] =	stream.indirect.gather [hbm4b:s6+s7], $0x20, s3, s7, $0xb8;
	[tilespmem:$0xC100] =	vst v63  }
0x35: {  	_ =	swait.ge [sflag:s8], $0x2000  }
0x36: {  	[sflag:s8] =	ssyncset.done $0x0  }
0x37: {  	[sflag:s8] =	ssyncadd.s32 $0xFFFFE000  }
0x38: {  	[hbm4b:s9+s3] =	stream.linear.scatter [tilespmem:s7], [sflag:$0x2], $0x2000, $0x38;
	[tilespmem:$0xC100] =	vst v63  }
0x39: {  	_ =	swait.ge [sflag:s4], $0x2000  }
0x3a: {  	[sflag:s4] =	ssyncset.done $0x0  }
0x3b: {  	[sflag:s4] =	ssyncadd.s32 $0xFFFFE000  }
0x3c: {  	[tilespmem:s11], [sflag:$0x1] =	stream.indirect.gather [hbm4b:s10+s7], $0x20, s3, s7, $0xb8;
	[tilespmem:$0xC100] =	vst v63  }
0x3d: {  	_ =	swait.ge [sflag:s8], $0x2000  }
0x3e: {  	[sflag:s8] =	ssyncset.done $0x0  }
0x3f: {  	[sflag:s8] =	ssyncadd.s32 $0xFFFFE000  }
0x40: {  	[hbm4b:s12+s3] =	stream.linear.scatter [tilespmem:s11], [sflag:$0x2], $0x2000, $0x38;
	[tilespmem:$0xC100] =	vst v63  }
0x41: {  	_ =	swait.ge [sflag:s4], $0x2000  }
0x42: {  	[sflag:s4] =	ssyncset.done $0x0  }
0x43: {  	[sflag:s4] =	ssyncadd.s32 $0xFFFFE000  }
0x44: {  	[tilespmem:s13], [sflag:$0x1] =	stream.indirect.gather [hbm4b:s1+s7], $0x80, s3, s7, $0xb8;
	[tilespmem:$0xC100] =	vst v63  }
0x45: {  	_ =	swait.ge [sflag:s8], $0x8000  }
0x46: {  	[sflag:s8] =	ssyncset.done $0x0  }
0x47: {  	[sflag:s8] =	ssyncadd.s32 $0xFFFF8000  }
0x48: {  	[hbm4b:s14+s3] =	stream.linear.scatter [tilespmem:s13], [sflag:$0x2], $0x8000, $0x38;
	[tilespmem:$0xC100] =	vst v63  }
0x49: {  	_ =	swait.ge [sflag:s4], $0x8000  }
0x4a: {  	[sflag:s4] =	ssyncset.done $0x0  }
0x4b: {  	[sflag:s4] =	ssyncadd.s32 $0xFFFF8000  }
0x4c: {  	[tilespmem:s3], [sflag:$0x2] =	stream.linear.gather [hbm4b:s15+s3], $0x100, $0x38;
	[tilespmem:$0xC100] =	vst v63  }
0x4d: {  	_ =	swait.ge [sflag:s4], $0x100  }
0x4e: {  	[sflag:s4] =	ssyncset.done $0x0  }
0x4f: {  	[sflag:s4] =	ssyncadd.s32 $0xFFFFFF00  }
0x50: {  	[tilespmem:s13], [sflag:$0x1] =	stream.indirect.gather [hbm4b:s1+s7], $0x80, s3, s7, $0xb8;
	[tilespmem:$0xC100] =	vst v63  }
0x51: {  	_ =	swait.ge [sflag:s8], $0x8000  }
.Ltmp1:
0x52: {  	[sflag:s8] =	ssyncset.done $0x0;
	(pc) =	sbr.rel @p0 .LBB2_1-.Ltmp1, $4  }
0x53: {  	[sflag:s8] =	ssyncadd.s32 $0xFFFF8000  }
0x54: {  	[hbm4b:s16+s3] =	stream.linear.scatter [tilespmem:s13], [sflag:$0x2], $0x8000, $0x38;
	[tilespmem:$0xC100] =	vst v63  }
0x55: {  	_ =	swait.ge [sflag:s4], $0x8000  }
0x56: {  	[sflag:s4] =	ssyncset.done $0x0  }
.LBB2_2:
0x57: {  	[sflag:s4] =	ssyncadd.s32 $0xFFFF8000  }
0x58: {  	_ =	sfence.sel $0x180000  }
0x59: {  	[bflag:$0x0] =	sbarrier.arrive $0xFFFF  }
0x5a: {  	p0 =	sne.s32 s0, $0x0;
	_ =	strace $0x90000047  }
0x5b: {  	s0 =	sadd.s32 @!p0 $0x100000, s2;
	[bflag:$0x2] =	sbarrier.arrive $0xFFFF  }
0x5c: {  	[sflag:s0] =	ssyncadd.tile.s32 @!p0 $0x1;
	_ =	shalt  }
.Lfunc_end2:
_tile_overlayer_lowered:
.L_overlay_start_2:
0x5d: {  	(tag) =	ssettag $0x2  }
0x5e: {  	s0 =	rddreg [dreg:$0x0];
	s2 =	stileid.u32  }
0x5f: {  	s1 =	rddreg [dreg:$0x1];
	p0 =	sne.s32 s2, $0x0  }
0x60: {  	s3 =	rddreg [dreg:$0x2];
	[bflag:$0x3] =	sbarrier.arrive $0xFFFF;
	s2 =	simm.s32 @!p0 $0x1C02  }
0x61: {  	[timem:s3], [sflag:s2] =	dma.local @!p0 [hbm:s0], s1  }
0x62: {  	s0 =	simm.s32 @!p0 $0x2  }
0x63: {  	_ =	swait.ge @!p0 [sflag:s0], s1  }
0x64: {  	s1 =	ssub.s32 @!p0 $0x0, s1;
	[sflag:s0] =	ssyncset.done @!p0 $0x0  }
0x65: {  	[sflag:s0] =	ssyncadd.s32 @!p0 s1  }
0x66: {  	[bflag:$0x3] =	sbarrier.arrive $0xFFFF  }
0x67: {  	_ =	shalt  }

// kernel: kernel.8.cloned.1.call-start
scs
__scs_entry_jumppad:
0x0: {  	(pc) =	sbr.rel $0x88, $3  }
0x1: {  	(tag) =	ssettag $0x0;
	lr =	simm.s32 $0x1  }
0x2: {  	[smem:$0x3F97] =	sst lr;
	_ =	strace $0xD0000000  }
0x3: {  	_ = 	snop  }
0x4: {  	_ = 	snop  }
0x5: {  	_ = 	snop  }
0x6: {  	_ = 	snop  }
0x7: {  	_ = 	snop  }
__scs_overlays_trampoline_lowered:
0x8: {  	[smem:$0x3FA6] =	sst s0  }
0x9: {  	[smem:$0x3FA7] =	sst s1  }
0xa: {  	[smem:$0x3FA8] =	sst s2  }
0xb: {  	[smem:$0x3FA9] =	sst s3  }
0xc: {  	[smem:$0x3FAA] =	sst s4  }
0xd: {  	[smem:$0x3FAB] =	sst s5  }
0xe: {  	[smem:$0x3FAC] =	sst s6  }
0xf: {  	[smem:$0x3FAD] =	sst s7  }
0x10: {  	[smem:$0x3FAE] =	sst s8  }
0x11: {  	[smem:$0x3FAF] =	sst s9;
	s0 =	simm.s32 @!p0 $0x0  }
0x12: {  	s1 =	sld [smem:$0x3F95];
	s0 =	simm.s32 @p0 $0x1  }
0x13: {  	[smem:$0x3FB0] =	sst s0;
	s0 =	simm.s32 @!p1 $0x0  }
0x14: {  	s2 =	sld [smem:$0x3F94];
	s0 =	simm.s32 @p1 $0x1  }
0x15: {  	[smem:$0x3FB1] =	sst s0;
	s0 =	simm.s32 @!p2 $0x0  }
0x16: {  	s3 =	sld [smem:$0x3FDB];
	s0 =	simm.s32 @p2 $0x1  }
0x17: {  	s4 =	simm.s32 $0x1BF5;
	[smem:$0x3FB3] =	sst s0  }
0x18: {  	s0 =	sld [smem:$0x3F96];
	_ =	swait.ge [sflag:s4], $0x0  }
0x19: {  	s7 =	sld [smem:$0x3F97]  }
0x1a: {  	s8 =	sadd.s32 $0xFFFFE003, lr  }
0x1b: {  	s9 =	sadd.s32 $0xFFFFFEF7, lr;
	s5 =	simm.s32 $0xFFFFFFFF;
	p2 =	slt.u32 s8, $0xFFFFF086  }
0x1c: {  	p1 =	slt.u32 s9, $0xF7A;
	s5 =	simm.s32 @!p2 $0x0  }
0x1d: {  	s5 =	simm.s32 @p1 $0x1;
	p0 =	seq.s32 s7, s2  }
0x1e: {  	s7 =	smul.u32 @!p0 $0xF7A, s2;
	p2 =	seq.s32 @!p0 s5, $0x0  }
0x1f: {  	s9 =	smul.u32 $0xF7A, s1;
	s8 =	simm.s32 @!p0 $0x1BF5;
	p2 =	por !p2, p0  }
0x20: {  	[sflag:s8] =	ssyncset.s32 @!p0 $0xFFFFF086;
	s6 =	sadd.s32 @!p0 s3, s7;
	s7 =	simm.s32 @!p0 $0x108  }
0x21: {  	s3 =	sadd.s32 s3, s9;
	s6 =	sadd.s32 @!p0 $0x88, s6;
	s7 =	simm.s32 @p2 $0x1082  }
0x22: {  	[simem:s7], [sflag:s8] =	dma.local @!p0 [hbm:s6], $0xF7A  }
0x23: {  	s9 =	sor.u32 $0xD0000000, s2;
	s6 =	simm.s32 $0x108;
	_ =	swait.ge @!p0 [sflag:s8], $0x0  }
0x24: {  	s3 =	sadd.s32 $0x88, s3;
	s6 =	simm.s32 @!p1 $0x1082;
	[sflag:s4] =	ssyncset.s32 $0xFFFFF086  }
0x25: {  	[simem:s6], [sflag:s4] =	dma.local [hbm:s3], $0xF7A  }
0x26: {  	[smem:$0x3F97] =	sst s1;
	(tag) =	ssettag s2;
	_ =	strace s9  }
0x27: {  	s1 =	sld [smem:$0x3FA7]  }
0x28: {  	s2 =	sld [smem:$0x3FA8]  }
0x29: {  	s4 =	sld [smem:$0x3FAA]  }
0x2a: {  	p0 =	seq.s32 s5, $0x0;
	s5 =	sld [smem:$0x3FAB]  }
0x2b: {  	s6 =	sld [smem:$0x3FAC]  }
0x2c: {  	s7 =	sld [smem:$0x3FAD]  }
0x2d: {  	s3 =	simm.s32 $0x108;
	s8 =	sld [smem:$0x3FAE]  }
0x2e: {  	s3 =	simm.s32 @!p0 $0x1082;
	s9 =	sld [smem:$0x3FAF]  }
0x2f: {  	lr =	sadd.s32 s0, s3;
	s0 =	sld [smem:$0x3FA6]  }
0x30: {  	s3 =	sld [smem:$0x3FA9]  }
0x31: {  	[smem:$0x3FB2] =	sst s10  }
0x32: {  	s10 =	sld [smem:$0x3FB0];
	_ =	sdelay $0x3  }
0x33: {  	p0 =	seq.s32 s10, $0x1;
	s10 =	sld [smem:$0x3FB2];
	_ =	sdelay $0x3  }
0x34: {  	[smem:$0x3FB2] =	sst s10  }
0x35: {  	s10 =	sld [smem:$0x3FB1];
	_ =	sdelay $0x3  }
0x36: {  	p1 =	seq.s32 s10, $0x1;
	s10 =	sld [smem:$0x3FB2];
	_ =	sdelay $0x3  }
0x37: {  	[smem:$0x3FB2] =	sst s10  }
0x38: {  	s10 =	sld [smem:$0x3FB3]  }
0x39: {  	_ = 	snop;
	(pc) =	sbr.ind lr, $3  }
0x3a: {  	_ = 	snop  }
0x3b: {  	_ = 	snop  }
0x3c: {  	p2 =	seq.s32 s10, $0x1;
	s10 =	sld [smem:$0x3FB2]  }
0x3d: {  	_ =	shalt  }
0x3e: {  	_ =	shalt  }
0x3f: {  	_ =	shalt  }
0x40: {  	_ =	shalt  }
0x41: {  	_ =	shalt  }
0x42: {  	_ =	shalt  }
0x43: {  	_ =	shalt  }
0x44: {  	_ =	shalt  }
0x45: {  	_ =	shalt  }
0x46: {  	_ =	shalt  }
0x47: {  	_ =	shalt  }
0x48: {  	_ =	shalt  }
0x49: {  	_ =	shalt  }
0x4a: {  	_ =	shalt  }
0x4b: {  	_ =	shalt  }
0x4c: {  	_ =	shalt  }
0x4d: {  	_ =	shalt  }
0x4e: {  	_ =	shalt  }
0x4f: {  	_ =	shalt  }
0x50: {  	_ =	shalt  }
0x51: {  	_ =	shalt  }
0x52: {  	_ =	shalt  }
0x53: {  	_ =	shalt  }
0x54: {  	_ =	shalt  }
0x55: {  	_ =	shalt  }
0x56: {  	_ =	shalt  }
0x57: {  	_ =	shalt  }
0x58: {  	_ =	shalt  }
0x59: {  	_ =	shalt  }
0x5a: {  	_ =	shalt  }
0x5b: {  	_ =	shalt  }
0x5c: {  	_ =	shalt  }
0x5d: {  	_ =	shalt  }
0x5e: {  	_ =	shalt  }
0x5f: {  	_ =	shalt  }
0x60: {  	_ =	shalt  }
0x61: {  	_ =	shalt  }
0x62: {  	_ =	shalt  }
0x63: {  	_ =	shalt  }
0x64: {  	_ =	shalt  }
0x65: {  	_ =	shalt  }
0x66: {  	_ =	shalt  }
0x67: {  	_ =	shalt  }
0x68: {  	_ =	shalt  }
0x69: {  	_ =	shalt  }
0x6a: {  	_ =	shalt  }
0x6b: {  	_ =	shalt  }
0x6c: {  	_ =	shalt  }
0x6d: {  	_ =	shalt  }
0x6e: {  	_ =	shalt  }
0x6f: {  	_ =	shalt  }
0x70: {  	_ =	shalt  }
0x71: {  	_ =	shalt  }
0x72: {  	_ =	shalt  }
0x73: {  	_ =	shalt  }
0x74: {  	_ =	shalt  }
0x75: {  	_ =	shalt  }
0x76: {  	_ =	shalt  }
0x77: {  	_ =	shalt  }
0x78: {  	_ =	shalt  }
0x79: {  	_ =	shalt  }
0x7a: {  	_ =	shalt  }
0x7b: {  	_ =	shalt  }
0x7c: {  	_ =	shalt  }
0x7d: {  	_ =	shalt  }
0x7e: {  	_ =	shalt  }
0x7f: {  	_ =	shalt  }
0x80: {  	_ =	shalt  }
0x81: {  	_ =	shalt  }
0x82: {  	_ =	shalt  }
0x83: {  	_ =	shalt  }
0x84: {  	_ =	shalt  }
0x85: {  	_ =	shalt  }
0x86: {  	_ =	shalt  }
0x87: {  	_ =	shalt  }
.Lfunc_end0:
.L_simem_size_0:
called_computation.1_lowered:
.L_overlay_start_0:
0x88: {  	s2 =	sld [smem:$0x3FD9]  }
0x89: {  	s3 =	sld [smem:$0x3FFE];
	_ =	sdelay $0x1  }
0x8a: {  	s1 =	srdreg.scid  }
0x8b: {  	s0 =	sand.u32 $0x1, s1  }
0x8c: {  	s16 =	sshll.u32 s0, $0xA;
	s2 =	sadd.s32 s3, s2  }
0x8d: {  	s2 =	sadd.s32 s2, s16  }
0x8e: {  	[smem:$0x3FBE] =	sst s2  }
0x8f: {  	_ = 	snop  }
0x90: {  	(tm) =	ssettm $0x1  }
0x91: {  	s17 =	sld [smem:$0x3FFB];
	_ =	sdelay $0x3  }
0x92: {  	_ =	strace s17  }
0x93: {  	s2 =	sld [smem:$0x3FFC];
	_ =	sdelay $0x3  }
0x94: {  	_ =	strace s2  }
0x95: {  	s2 =	sld [smem:$0x3FFD];
	_ =	sdelay $0x3  }
0x96: {  	_ =	strace s2  }
0x97: {  	_ =	strace $0x8FFFFFFF  }
0x98: {  	s18 =	sld [smem:$0x3FDB];
	_ =	sdelay $0x1  }
0x99: {  	s19 =	simm.s32 $_scs_section_size  }
0x9a: {  	s4 =	simm.s32 $_size__tile_overlayer_lowered;
	s5 =	simm.s32 $_tile_overlayer_lowered  }
0x9b: {  	s22 =	simm.s32 $0x1BFF;
	s21 =	sshll.u32 s5, $0x1;
	s2 =	sadd.s32 s19, s18  }
0x9c: {  	s6 =	simm.s32 $0x0;
	s20 =	sshll.u32 s4, $0x1;
	s4 =	sadd.s32 s21, s2  }
0x9d: {  	[timem:s6], [sflag:s22] =	dma.local [hbm:s4], s20  }
0x9e: {  	_ =	swait.ge [sflag:s22], s20  }
0x9f: {  	s3 =	ssub.s32 $0x0, s20;
	[sflag:s22] =	ssyncset.done $0x0  }
0xa0: {  	[sflag:s22] =	ssyncadd.s32 s3;
	_ =	sdelay $0x1  }
0xa1: {  	s23 =	simm.s32 $0x1B8B  }
0xa2: {  	_ =	swait.ge [sflag:s23], $0x1  }
0xa3: {  	[sflag:s23] =	ssyncset.done $0x0  }
0xa4: {  	s25 =	simm.s32 $0x1B8E;
	s24 =	sld [smem:$0x3FFE];
	[sflag:s23] =	ssyncadd.s32 $0xFFFFFFFF  }
0xa5: {  	s26 =	simm.s32 $execute0_lowered;
	[smem:$0x3FD2] =	sst s25  }
0xa6: {  	s4 =	sshll.u32 s26, $0x1;
	_ =	strace $0x80000049;
	[dreg:$0x1] =	wrdreg $0xFFFFFFFF  }
0xa7: {  	s28 =	simm.s32 $_size_execute0_lowered;
	s2 =	sadd.s32 s2, s4;
	[dreg:$0x0] =	wrdreg $0x0  }
0xa8: {  	s4 =	sshll.u32 s28, $0x1;
	[dreg:$0x2] =	wrdreg s2  }
0xa9: {  	[dreg:$0x3] =	wrdreg s4  }
0xaa: {  	[dreg:$0x4] =	wrdreg $0xC0  }
0xab: {  	_ =	task [dreg:s6], $0x5FFFF  }
0xac: {  	[dreg:$0x1] =	wrdreg $0xFFFFFFFF  }
0xad: {  	[dreg:$0x0] =	wrdreg $0x60  }
0xae: {  	[dreg:$0x2] =	wrdreg s24  }
0xaf: {  	[dreg:$0x3] =	wrdreg $0x9  }
0xb0: {  	_ =	task.clear_ibuf [dreg:s6], $0x4FFFF;
	_ =	strace $0x90000049  }
0xb1: {  	s29 =	simm.s32 $0x9;
	_ =	strace $0x8000004B  }
0xb2: {  	_ =	swait.ge [sflag:s29], $0x1  }
0xb3: {  	[sflag:s29] =	ssyncadd.s32 $0xFFFFFFFF  }
0xb4: {  	_ =	strace $0x9000004B  }
0xb5: {  	_ =	sfence  }
0xb6: {  	s30 =	sld [smem:$0x0];
	_ =	sdelay $0x2  }
0xb7: {  	s31 =	sshll.u32 s1, $0xD;
	s1 =	sshrl.u32 s1, $0x2  }
0xb8: {  	s3 =	sand.u32 $0x4000, s31;
	s1 =	sadd.s32 s1, s30  }
0xb9: {  	s0 =	sor.u32 s3, s0;
	s1 =	sshll.u32 s1, $0x11  }
0xba: {  	s0 =	sor.u32 s1, s0  }
0xbb: {  	s0 =	sadd.s32 $0x8F2B, s0  }
0xbc: {  	[sflag:s0] =	ssyncadd.remote.s32 $0x1  }
0xbd: {  	_ =	sfence.sel $0xFFFF  }
0xbe: {  	[dreg:$0x0] =	wrdreg $0xFFFFFFFF;
	(pc) =	sbr.abs _section_cstart, $3  }
0xbf: {  	[dreg:$0x1] =	wrdreg $0xFFFFFFFF  }
0xc0: {  	_ =	task.clear_ibuf [dreg:s6], $0x2FFFF;
	_ =	strace $0x9FFFFFFF  }
0xc1: {  	(tm) =	ssettm $0x7FFFFFFF  }
tec
execute0_lowered:
.L_overlay_start_1:
0x0: {  	(tag) =	ssettag $0x1  }
0x1: {  	s4 =	rddreg [dreg:$0x0]  }
0x2: {  	s0 =	rddreg [dreg:$0x1];
	s1 =	simm.s32 $0x0;
	s5 =	srdreg.scid  }
0x3: {  	s2 =	stileid.u32;
	s15 =	simm.s32 $0x1;
	s16 =	simm.s32 $0x9200  }
0x4: {  	s17 =	simm.s32 $0x2;
	s18 =	simm.s32 $0x0;
	[smem:$0x7FF] =	sst s1  }
0x5: {  	s3 =	sadd.s32 $0x24CE00, s4;
	s11 =	sadd.s32 $0xAC00, s4;
	s7 =	sand.u32 $0x1, s5  }
0x6: {  	s6 =	sshll.u32 s2, $0xE;
	s9 =	sadd.s32 $0x404600, s4;
	s14 =	smul.u32 $0x48000, s2  }
0x7: {  	_ =	strace $0x8000004A;
	s5 =	ssub.s32 $0x2, s7;
	s8 =	sshll.u32 s7, $0xD  }
0x8: {  	s29 =	smul.u32 $0x24000, s7;
	s25 =	sshrl.u32 s5, $0x1;
	s10 =	sor.u32 s8, s6  }
0x9: {  	s6 =	sshrl.u32 s10, $0x3;
	s8 =	sor.u32 $0x1F00, s10;
	s12 =	smul.u32 $0x12, s10  }
0xa: {  	s5 =	ssub.s32 s5, s25;
	s30 =	sor.u32 $0x100, s10;
	s10 =	sor.u32 $0x200, s10  }
0xb: {  	s4 =	sadd.s32 s11, s6;
	s13 =	smul.u32 $0x12, s8;
	s5 =	smax.u32 s5, $0x1  }
0xc: {  	s26 =	sshrl.u32 s8, $0x3;
	s31 =	sshrl.u32 s10, $0x3;
	s28 =	sadd.s32 s9, s12  }
0xd: {  	s6 =	sadd.s32 s11, s26;
	s12 =	sshrl.u32 s30, $0x3;
	s7 =	sadd.s32 $0x21C00, s28  }
0xe: {  	s8 =	sadd.s32 s9, s13;
	s9 =	sadd.s32 s14, s9;
	s10 =	sadd.s32 s12, s11  }
0xf: {  	s11 =	sadd.s32 s31, s11;
	s12 =	simm.s32 $0x3;
	s9 =	sadd.s32 s29, s9  }
0x10: {  	s13 =	simm.s32 $0x100;
	s14 =	simm.s32 $0x200;
	s9 =	sadd.s32 $0x1200, s9  }
.LBB2_1:
0x11: {  	[tilespmem:s1], [sflag:$0x3] =	stream.linear.gather [hbm4b:s4+s1], $0x100, $0x38;
	[tilespmem:$0x12200] =	vst v63  }
0x12: {  	_ =	swait.ge [sflag:s12], $0x100  }
0x13: {  	[sflag:s12] =	ssyncset.done $0x0  }
0x14: {  	[sflag:s12] =	ssyncadd.s32 $0xFFFFFF00  }
0x15: {  	[tilespmem:s14], [sflag:$0x1] =	stream.indirect.gather [hbm4b:s3+s13], $0x90, s1, s13, $0xb8;
	[tilespmem:$0x12200] =	vst v63  }
0x16: {  	_ =	swait.ge [sflag:s15], $0x9000  }
0x17: {  	[sflag:s15] =	ssyncset.done $0x0  }
0x18: {  	s19 =	sadd.s32 $0x0, s10;
	[sflag:s15] =	ssyncadd.s32 $0xFFFF7000  }
0x19: {  	[tilespmem:s13], [sflag:$0x3] =	stream.linear.gather [hbm4b:s19+s1], $0x100, $0x38;
	[tilespmem:$0x12200] =	vst v63  }
0x1a: {  	_ =	swait.ge [sflag:s12], $0x100  }
0x1b: {  	[sflag:s12] =	ssyncset.done $0x0  }
0x1c: {  	[sflag:s12] =	ssyncadd.s32 $0xFFFFFF00  }
0x1d: {  	[tilespmem:s16], [sflag:$0x2] =	stream.indirect.gather [hbm4b:s3+s13], $0x90, s13, s13, $0xb8;
	[tilespmem:$0x12200] =	vst v63  }
0x1e: {  	s30 =	sadd.s32 $0xFFFFEE00, s9  }
0x1f: {  	[hbm4b:s30+s1] =	stream.linear.scatter [tilespmem:s14], [sflag:$0x3], $0x9000, $0x38;
	[tilespmem:$0x12200] =	vst v63  }
0x20: {  	_ =	swait.ge [sflag:s12], $0x9000  }
0x21: {  	[sflag:s12] =	ssyncset.done $0x0  }
0x22: {  	[sflag:s12] =	ssyncadd.s32 $0xFFFF7000  }
0x23: {  	_ =	swait.ge [sflag:s17], $0x9000  }
0x24: {  	[sflag:s17] =	ssyncset.done $0x0  }
0x25: {  	s31 =	sadd.s32 $0x0, s11;
	[sflag:s17] =	ssyncadd.s32 $0xFFFF7000  }
0x26: {  	[tilespmem:s1], [sflag:$0x3] =	stream.linear.gather [hbm4b:s31+s1], $0x100, $0x38;
	[tilespmem:$0x12200] =	vst v63  }
0x27: {  	_ =	swait.ge [sflag:s12], $0x100  }
0x28: {  	[sflag:s12] =	ssyncset.done $0x0  }
0x29: {  	[sflag:s12] =	ssyncadd.s32 $0xFFFFFF00  }
0x2a: {  	[tilespmem:s14], [sflag:$0x1] =	stream.indirect.gather [hbm4b:s3+s13], $0x90, s1, s13, $0xb8;
	[tilespmem:$0x12200] =	vst v63  }
0x2b: {  	_ = 	snop  }
0x2c: {  	[hbm4b:s9+s1] =	stream.linear.scatter [tilespmem:s16], [sflag:$0x3], $0x9000, $0x38;
	[tilespmem:$0x12200] =	vst v63  }
0x2d: {  	_ =	swait.ge [sflag:s12], $0x9000  }
0x2e: {  	s20 =	smov.u32 s9;
	s19 =	simm.s32 $0x40;
	[sflag:s12] =	ssyncset.done $0x0  }
.LBB2_2:
0x2f: {  	p0 =	sne.s32 s19, $0x380;
	[sflag:s12] =	ssyncadd.s32 $0xFFFF7000;
	s20 =	sadd.s32 $0x2400, s20  }
0x30: {  	s21 =	smov.u32 s19;
	s19 =	sadd.s32 $0x40, s19  }
0x31: {  	_ =	swait.ge [sflag:s15], $0x9000  }
0x32: {  	[sflag:s15] =	ssyncset.done $0x0  }
0x33: {  	s22 =	sadd.s32 s21, s10;
	[sflag:s15] =	ssyncadd.s32 $0xFFFF7000  }
0x34: {  	[tilespmem:s13], [sflag:$0x3] =	stream.linear.gather [hbm4b:s22+s1], $0x100, $0x38;
	[tilespmem:$0x12200] =	vst v63  }
0x35: {  	_ =	swait.ge [sflag:s12], $0x100  }
0x36: {  	[sflag:s12] =	ssyncset.done $0x0  }
0x37: {  	[sflag:s12] =	ssyncadd.s32 $0xFFFFFF00  }
0x38: {  	[tilespmem:s16], [sflag:$0x2] =	stream.indirect.gather [hbm4b:s3+s13], $0x90, s13, s13, $0xb8;
	[tilespmem:$0x12200] =	vst v63  }
0x39: {  	s22 =	sadd.s32 $0xFFFFEE00, s20  }
0x3a: {  	[hbm4b:s22+s1] =	stream.linear.scatter [tilespmem:s14], [sflag:$0x3], $0x9000, $0x38;
	[tilespmem:$0x12200] =	vst v63  }
0x3b: {  	_ =	swait.ge [sflag:s12], $0x9000  }
0x3c: {  	[sflag:s12] =	ssyncset.done $0x0  }
0x3d: {  	[sflag:s12] =	ssyncadd.s32 $0xFFFF7000  }
0x3e: {  	_ =	swait.ge [sflag:s17], $0x9000  }
0x3f: {  	[sflag:s17] =	ssyncset.done $0x0  }
0x40: {  	s21 =	sadd.s32 s21, s11;
	[sflag:s17] =	ssyncadd.s32 $0xFFFF7000  }
0x41: {  	[tilespmem:s1], [sflag:$0x3] =	stream.linear.gather [hbm4b:s21+s1], $0x100, $0x38;
	[tilespmem:$0x12200] =	vst v63  }
0x42: {  	_ =	swait.ge [sflag:s12], $0x100  }
0x43: {  	[sflag:s12] =	ssyncset.done $0x0  }
0x44: {  	[sflag:s12] =	ssyncadd.s32 $0xFFFFFF00  }
0x45: {  	[tilespmem:s14], [sflag:$0x1] =	stream.indirect.gather [hbm4b:s3+s13], $0x90, s1, s13, $0xb8;
	[tilespmem:$0x12200] =	vst v63  }
.Ltmp0:
0x46: {  	_ = 	snop;
	(pc) =	sbr.rel @p0 .LBB2_2-.Ltmp0, $4  }
0x47: {  	_ = 	snop  }
0x48: {  	[hbm4b:s20+s1] =	stream.linear.scatter [tilespmem:s16], [sflag:$0x3], $0x9000, $0x38;
	[tilespmem:$0x12200] =	vst v63  }
0x49: {  	_ =	swait.ge [sflag:s12], $0x9000  }
0x4a: {  	[sflag:s12] =	ssyncset.done $0x0  }
0x4b: {  	[sflag:s12] =	ssyncadd.s32 $0xFFFF7000  }
0x4c: {  	_ =	swait.ge [sflag:s15], $0x9000  }
0x4d: {  	[sflag:s15] =	ssyncset.done $0x0  }
0x4e: {  	[sflag:s15] =	ssyncadd.s32 $0xFFFF7000  }
0x4f: {  	[tilespmem:s13], [sflag:$0x3] =	stream.linear.gather [hbm4b:s6+s1], $0x100, $0x38;
	[tilespmem:$0x12200] =	vst v63  }
0x50: {  	_ =	swait.ge [sflag:s12], $0x100  }
0x51: {  	[sflag:s12] =	ssyncset.done $0x0  }
0x52: {  	[sflag:s12] =	ssyncadd.s32 $0xFFFFFF00  }
0x53: {  	[tilespmem:s16], [sflag:$0x2] =	stream.indirect.gather [hbm4b:s3+s13], $0x90, s13, s13, $0xb8;
	[tilespmem:$0x12200] =	vst v63  }
0x54: {  	_ = 	snop  }
0x55: {  	[hbm4b:s7+s1] =	stream.linear.scatter [tilespmem:s14], [sflag:$0x3], $0x9000, $0x38;
	[tilespmem:$0x12200] =	vst v63  }
0x56: {  	_ =	swait.ge [sflag:s12], $0x9000  }
0x57: {  	[sflag:s12] =	ssyncset.done $0x0  }
0x58: {  	[sflag:s12] =	ssyncadd.s32 $0xFFFF7000  }
0x59: {  	s18 =	sadd.s32 $0x1, s18;
	_ =	swait.ge [sflag:s17], $0x9000  }
0x5a: {  	p0 =	sne.s32 s18, s5;
	[sflag:s17] =	ssyncset.done $0x0  }
.Ltmp1:
0x5b: {  	[sflag:s17] =	ssyncadd.s32 $0xFFFF7000;
	(pc) =	sbr.rel @p0 .LBB2_1-.Ltmp1, $4  }
0x5c: {  	[hbm4b:s8+s1] =	stream.linear.scatter [tilespmem:s16], [sflag:$0x3], $0x9000, $0x38;
	[tilespmem:$0x12200] =	vst v63  }
0x5d: {  	_ =	swait.ge [sflag:s12], $0x9000  }
0x5e: {  	[sflag:s12] =	ssyncset.done $0x0  }
0x5f: {  	[sflag:s12] =	ssyncadd.s32 $0xFFFF7000  }
0x60: {  	_ =	sfence.sel $0x180000  }
0x61: {  	[bflag:$0x0] =	sbarrier.arrive $0xFFFF  }
0x62: {  	p0 =	sne.s32 s2, $0x0;
	_ =	strace $0x9000004A  }
0x63: {  	s0 =	sadd.s32 @!p0 $0x100000, s0;
	[bflag:$0x2] =	sbarrier.arrive $0xFFFF  }
0x64: {  	[sflag:s0] =	ssyncadd.tile.s32 @!p0 $0x1;
	_ =	shalt  }
.Lfunc_end2:
_tile_overlayer_lowered:
.L_overlay_start_2:
0x65: {  	(tag) =	ssettag $0x2  }
0x66: {  	s0 =	rddreg [dreg:$0x0];
	s2 =	stileid.u32  }
0x67: {  	s1 =	rddreg [dreg:$0x1];
	p0 =	sne.s32 s2, $0x0  }
0x68: {  	s3 =	rddreg [dreg:$0x2];
	[bflag:$0x3] =	sbarrier.arrive $0xFFFF;
	s2 =	simm.s32 @!p0 $0x1C03  }
0x69: {  	[timem:s3], [sflag:s2] =	dma.local @!p0 [hbm:s0], s1  }
0x6a: {  	s0 =	simm.s32 @!p0 $0x3  }
0x6b: {  	_ =	swait.ge @!p0 [sflag:s0], s1  }
0x6c: {  	s1 =	ssub.s32 @!p0 $0x0, s1;
	[sflag:s0] =	ssyncset.done @!p0 $0x0  }
0x6d: {  	[sflag:s0] =	ssyncadd.s32 @!p0 s1  }
0x6e: {  	[bflag:$0x3] =	sbarrier.arrive $0xFFFF  }
0x6f: {  	_ =	shalt  }

</sc_bundles>
